<compile_context>
chip_gen: v7x
topology: tpu7x:2x2x1
jax: 0.10.2.dev20260603
libtpu: 0.0.44.dev20260713+nightly
codegen_flags: <defaults>
</compile_context>

<pallas_src>
import functools

import jax
import jax.numpy as jnp
from jax import lax
from jax.experimental import pallas as pl
from jax.experimental.pallas import tpu as pltpu
from jax.experimental.pallas import tpu_sc as plsc

NC = 2
NS = 16
CB = 32
NBUF = 5


def _mesh():
    return plsc.VectorSubcoreMesh(core_axis_name="c", subcore_axis_name="s",
                                  num_cores=NC, num_subcores=NS)


def _rows_per_tile(n):
    return ((n + NS - 1) // NS + CB - 1) // CB * CB


def _fill(ref, value, dtype):
    (n,) = ref.shape

    @pl.loop(0, n // 16)
    def _(j):
        ref[pl.ds(j * 16, 16)] = jnp.full((16,), value, dtype)


def _fill2(ref, value, dtype):
    rows, cols = ref.shape

    @pl.loop(0, rows)
    def _(r):
        @pl.loop(0, cols // 16)
        def _(j):
            ref[r, pl.ds(j * 16, 16)] = jnp.full((16,), value, dtype)


def _make_degree_kernel(nch, npad):
    rpt = npad // NS

    @functools.partial(
        pl.kernel,
        out_type=jax.ShapeDtypeStruct((NC, npad), jnp.float32),
        mesh=_mesh(),
        scratch_types=[
            pltpu.VMEM((nch, CB), jnp.int32),
            pltpu.VMEM((CB,), jnp.float32),
            pltpu.VMEM((CB,), jnp.float32),
            pltpu.VMEM_SHARED((npad,), jnp.float32),
            pltpu.SemaphoreType.DMA,
        ],
    )
    def deg_kernel(dst_hbm, out_hbm, didx_v, ones_v, zero_v, acc_sh, sem):
        c = lax.axis_index("c")
        s = lax.axis_index("s")
        wid = c * NS + s
        pltpu.sync_copy(dst_hbm.at[wid], didx_v)
        _fill(ones_v, 1.0, jnp.float32)
        _fill(zero_v, 0.0, jnp.float32)
        for k in range(rpt // CB):
            pltpu.sync_copy(zero_v, acc_sh.at[pl.ds(s * rpt + k * CB, CB)])
        plsc.subcore_barrier()

        @pl.loop(0, nch)
        def _(i):
            pltpu.async_copy(ones_v, acc_sh.at[didx_v.at[i]], sem, add=True)

        @pl.loop(0, nch)
        def _(i):
            pltpu.make_async_copy(ones_v, acc_sh.at[didx_v.at[i]], sem).wait()

        plsc.subcore_barrier()
        pltpu.sync_copy(acc_sh.at[pl.ds(s * rpt, rpt)],
                        out_hbm.at[c, pl.ds(s * rpt, rpt)])

    return deg_kernel


def _make_agg_kernel(nch, npad, d):
    assert nch % NBUF == 0 and nch // NBUF >= 2
    rpt = npad // NS

    @functools.partial(
        pl.kernel,
        out_type=jax.ShapeDtypeStruct((NC, npad, d), jnp.float32),
        mesh=_mesh(),
        compiler_params=pltpu.CompilerParams(use_tc_tiling_on_sc=False),
        scratch_types=(
            [pltpu.VMEM((nch, CB), jnp.int32)] * 2
            + [pltpu.VMEM_SHARED((npad, d), jnp.float32)]
            + [pltpu.VMEM((CB, d), jnp.float32)] * NBUF
            + [pltpu.SemaphoreType.DMA] * (2 * NBUF)
        ),
    )
    def agg_kernel(y_hbm, src_hbm, dst_hbm, out_hbm, sidx_v, didx_v,
                   acc_sh, *rest):
        rows = rest[:NBUF]
        gsem = rest[NBUF:2 * NBUF]
        ssem = rest[2 * NBUF:]
        c = lax.axis_index("c")
        s = lax.axis_index("s")
        wid = c * NS + s
        pltpu.sync_copy(src_hbm.at[wid], sidx_v)
        pltpu.sync_copy(dst_hbm.at[wid], didx_v)
        _fill2(rows[0], 0.0, jnp.float32)
        for k in range(rpt // CB):
            pltpu.sync_copy(rows[0], acc_sh.at[pl.ds(s * rpt + k * CB, CB)])

        for b in range(NBUF):
            pltpu.async_copy(y_hbm.at[sidx_v.at[b]], rows[b], gsem[b])
        plsc.subcore_barrier()

        @pl.loop(0, nch // NBUF)
        def _(k):
            for b in range(NBUF):
                i = k * NBUF + b
                pltpu.make_async_copy(
                    y_hbm.at[sidx_v.at[i]], rows[b], gsem[b]).wait()
                pltpu.async_copy(
                    rows[b], acc_sh.at[didx_v.at[i]], ssem[b], add=True)
            for b in range(NBUF):
                i = k * NBUF + b
                pltpu.make_async_copy(
                    rows[b], acc_sh.at[didx_v.at[i]], ssem[b]).wait()

                @pl.when(i + NBUF < nch)
                def _():
                    pltpu.async_copy(
                        y_hbm.at[sidx_v.at[i + NBUF]], rows[b], gsem[b])

        plsc.subcore_barrier()
        pltpu.sync_copy(acc_sh.at[pl.ds(s * rpt, rpt)],
                        out_hbm.at[c, pl.ds(s * rpt, rpt)])

    return agg_kernel


def _make_agg2_kernel(nch2, npad):
    rpt = npad // NS

    @functools.partial(
        pl.kernel,
        out_type=jax.ShapeDtypeStruct((NC, npad), jnp.float32),
        mesh=_mesh(),
        compiler_params=pltpu.CompilerParams(needs_layout_passes=False,
                                            use_tc_tiling_on_sc=False),
        scratch_types=[
            pltpu.VMEM((nch2, CB), jnp.int32),
            pltpu.VMEM((nch2, CB), jnp.int32),
            pltpu.VMEM((npad,), jnp.float32),
            pltpu.VMEM((npad,), jnp.float32),
            pltpu.VMEM((nch2, CB), jnp.float32),
            pltpu.VMEM((CB,), jnp.float32),
            pltpu.VMEM((16,), jnp.float32),
            pltpu.VMEM((rpt,), jnp.float32),
            pltpu.VMEM((rpt,), jnp.float32),
            pltpu.VMEM_SHARED((npad,), jnp.float32),
            pltpu.SemaphoreType.DMA,
        ],
    )
    def agg2_kernel(t0_hbm, t1_hbm, dinv_hbm, b2_hbm, src_hbm, dst_hbm,
                    out_hbm, sidx_v, didx_v, t_v, dinv_v, vals_v, zero_v,
                    b2_v, acc_v, outb_v, acc_sh, q):
        c = lax.axis_index("c")
        s = lax.axis_index("s")
        pltpu.sync_copy(src_hbm.at[s], sidx_v)
        pltpu.sync_copy(dst_hbm.at[s], didx_v)

        @pl.when(c == 0)
        def _():
            pltpu.sync_copy(t0_hbm, t_v)

        @pl.when(c != 0)
        def _():
            pltpu.sync_copy(t1_hbm, t_v)

        pltpu.sync_copy(dinv_hbm, dinv_v)
        pltpu.sync_copy(b2_hbm.at[c], b2_v)
        _fill(zero_v, 0.0, jnp.float32)
        for k in range(rpt // CB):
            pltpu.sync_copy(zero_v, acc_sh.at[pl.ds(s * rpt + k * CB, CB)])

        @pl.loop(0, nch2)
        def _(i):
            for j in range(CB // 16):
                sreg = sidx_v[i, pl.ds(j * 16, 16)]
                vals_v[i, pl.ds(j * 16, 16)] = plsc.load_gather(t_v, [sreg])

        plsc.subcore_barrier()

        @pl.loop(0, nch2)
        def _(i):
            pltpu.async_copy(vals_v.at[i], acc_sh.at[didx_v.at[i]], q,
                             add=True)

        @pl.loop(0, nch2)
        def _(i):
            pltpu.make_async_copy(vals_v.at[i], acc_sh.at[didx_v.at[i]],
                                  q).wait()

        plsc.subcore_barrier()
        pltpu.sync_copy(acc_sh.at[pl.ds(s * rpt, rpt)], acc_v)
        breg = b2_v[pl.ds(0, 16)]

        @pl.loop(0, rpt // 16)
        def _(j):
            off = s * rpt + j * 16
            agg = acc_v[pl.ds(j * 16, 16)] + t_v[pl.ds(off, 16)]
            outb_v[pl.ds(j * 16, 16)] = (dinv_v[pl.ds(off, 16)] * agg + breg)

        pltpu.sync_copy(outb_v, out_hbm.at[c, pl.ds(s * rpt, rpt)])

    return agg2_kernel


def _tcy(degT, xw):
    n, d_hid = xw.shape
    blk = 1000 if n % 1000 == 0 else n
    assert n % blk == 0

    def body(deg_ref, xw_ref, y_ref, dinv_ref):
        deg = deg_ref[:, 0:1] + deg_ref[:, 1:2] + 1.0
        dinv = lax.rsqrt(deg)
        y_ref[...] = xw_ref[...] * dinv
        dinv_ref[...] = dinv

    return pl.pallas_call(
        body,
        grid=(n // blk,),
        in_specs=[
            pl.BlockSpec((blk, 2), lambda i: (i, 0)),
            pl.BlockSpec((blk, d_hid), lambda i: (i, 0)),
        ],
        out_specs=[
            pl.BlockSpec((blk, d_hid), lambda i: (i, 0)),
            pl.BlockSpec((blk, 1), lambda i: (i, 0)),
        ],
        out_shape=[
            jax.ShapeDtypeStruct((n, d_hid), jnp.float32),
            jax.ShapeDtypeStruct((n, 1), jnp.float32),
        ],
    )(degT, xw)


def _tc2(aggp, y0, dinv, w1, b1, w2):
    n, d_in = y0.shape
    d_hid = w1.shape[1]
    d_out = w2.shape[1]
    blk = 1000 if n % 1000 == 0 else n
    assert n % blk == 0

    def body(a0_ref, a1_ref, y0_ref, dinv_ref, w1_ref, b1_ref, w2_ref,
             y2_ref):
        dinv = dinv_ref[...]
        a = (a0_ref[0] + a1_ref[0] + y0_ref[...]) * dinv
        aw = jnp.dot(a, w1_ref[...], preferred_element_type=jnp.float32)
        h = jnp.maximum(aw + b1_ref[...], 0.0)
        hw = jnp.dot(h, w2_ref[...], preferred_element_type=jnp.float32)
        y2_ref[...] = hw * dinv

    return pl.pallas_call(
        body,
        grid=(n // blk,),
        in_specs=[
            pl.BlockSpec((1, blk, d_in), lambda i: (0, i, 0)),
            pl.BlockSpec((1, blk, d_in), lambda i: (1, i, 0)),
            pl.BlockSpec((blk, d_in), lambda i: (i, 0)),
            pl.BlockSpec((blk, 1), lambda i: (i, 0)),
            pl.BlockSpec((d_in, d_hid), lambda i: (0, 0)),
            pl.BlockSpec((1, d_hid), lambda i: (0, 0)),
            pl.BlockSpec((d_hid, d_out), lambda i: (0, 0)),
        ],
        out_specs=pl.BlockSpec((blk, d_out), lambda i: (i, 0)),
        out_shape=jax.ShapeDtypeStruct((n, d_out), jnp.float32),
    )(aggp, aggp, y0, dinv, w1, b1, w2)


def kernel(x, edge_index, W1, b1, W2, b2):
    n, _ = x.shape
    e = edge_index.shape[1]
    npad = NS * _rows_per_tile(n)
    assert e % (NC * NS) == 0 and npad > n
    ept = e // (NC * NS)
    nch = (ept + NBUF * CB - 1) // (NBUF * CB) * NBUF
    eptp = nch * CB

    src = edge_index[0]
    dst = edge_index[1]
    pad = ((0, 0), (0, eptp - ept))
    src3 = jnp.pad(src.reshape(NC * NS, ept), pad).reshape(NC * NS, nch, CB)
    dst3 = jnp.pad(dst.reshape(NC * NS, ept), pad,
                   constant_values=npad - 1).reshape(NC * NS, nch, CB)

    degp = _make_degree_kernel(nch, npad)(dst3)
    degT = jnp.transpose(degp[:, :n])
    y0, dinv = _tcy(degT, x)
    aggp = _make_agg_kernel(nch, npad, x.shape[1])(y0, src3, dst3)
    y2 = _tc2(aggp, y0, dinv, W1, b1.reshape(1, -1), W2)

    tpad = (0, npad - n)
    t0p = jnp.pad(y2[:, 0], tpad)
    t1p = jnp.pad(y2[:, 1], tpad)
    dinvp = jnp.pad(dinv[:, 0], tpad)
    b2b = jnp.broadcast_to(b2.reshape(-1, 1), (2, 16))
    src16 = src3.reshape(NS, NC * nch, CB)
    dst16 = dst3.reshape(NS, NC * nch, CB)
    planes = _make_agg2_kernel(NC * nch, npad)(
        t0p, t1p, dinvp, b2b, src16, dst16)
    return jnp.stack([planes[0, :n], planes[1, :n]], axis=1)

# --- scband reference (transcript-rebuilt; emitter-appended) ---
"""Pipeline reference for scband-gcnnet-74861279969818 (READ-ONLY COPY).

The authoritative reference and input builder live on the scoring server;
editing this copy changes nothing except your own understanding.
"""

import jax, jax.numpy as jnp
import numpy as np

N = 10000
E = 320000
D_IN = 128
D_HID = 128
D_OUT = 2


def setup_inputs(seed: int = 0) -> dict:
    key = jax.random.key(seed)
    k1, k2, k3, k4, k5, k6 = jax.random.split(key, 6)
    x = jax.random.normal(k1, (N, D_IN), dtype=jnp.float32)
    edge_index = jax.random.randint(k2, (2, E), 0, N, dtype=jnp.int32)
    W1 = jax.random.normal(k3, (D_IN, D_HID), dtype=jnp.float32) * (1.0 / np.sqrt(D_IN))
    b1 = jnp.zeros((D_HID,), dtype=jnp.float32)
    W2 = jax.random.normal(k4, (D_HID, D_OUT), dtype=jnp.float32) * (1.0 / np.sqrt(D_HID))
    b2 = jnp.zeros((D_OUT,), dtype=jnp.float32)
    return {"x": x, "edge_index": edge_index, "W1": W1, "b1": b1, "W2": W2, "b2": b2}


def _gcn_conv(x, edge_index, W, b):
    # PyG GCNConv: add self-loops, symmetric normalization D^-1/2 (A+I) D^-1/2, then linear + bias
    src = edge_index[0]
    dst = edge_index[1]
    sl = jnp.arange(N, dtype=src.dtype)
    src = jnp.concatenate([src, sl])
    dst = jnp.concatenate([dst, sl])
    deg = jnp.zeros((N,), dtype=x.dtype).at[dst].add(1.0)
    dinv = jnp.where(deg > 0, 1.0 / jnp.sqrt(deg), 0.0)
    norm = dinv[src] * dinv[dst]
    xw = x @ W
    msg = jnp.take(xw, src, axis=0) * norm[:, None]
    out = jnp.zeros((N, W.shape[1]), dtype=x.dtype).at[dst].add(msg)
    return out + b


def reference(x, edge_index, W1, b1, W2, b2):
    h = jax.nn.relu(_gcn_conv(x, edge_index, W1, b1))
    # dropout p=0.5 is identity in eval mode
    return _gcn_conv(h, edge_index, W2, b2)

if __name__ == "__main__":
    import jax
    _d = setup_inputs()
    print(jax.jit(kernel)(*tuple(_d.values())))

</pallas_src>

<mosaic_0001>
#map = affine_map<(d0, d1) -> (0, 0)>
#map1 = affine_map<(d0, d1) -> (0, 0, 0)>
module attributes {stable_mosaic.version = 14 : i64} {
  func.func @agg_kernel(%arg0: i32, %arg1: i32, %arg2: memref<10000x128xf32, #tpu.memory_space<hbm>>, %arg3: memref<32x315x32xi32, #tpu.memory_space<hbm>>, %arg4: memref<32x315x32xi32, #tpu.memory_space<hbm>>, %arg5: memref<2x10240x128xf32, #tpu.memory_space<hbm>>, %arg6: memref<315x32xi32, #tpu.memory_space<vmem>>, %arg7: memref<315x32xi32, #tpu.memory_space<vmem>>, %arg8: memref<10240x128xf32, #tpu.memory_space<vmem_shared>>, %arg9: memref<32x128xf32, #tpu.memory_space<vmem>>, %arg10: memref<32x128xf32, #tpu.memory_space<vmem>>, %arg11: memref<32x128xf32, #tpu.memory_space<vmem>>, %arg12: memref<32x128xf32, #tpu.memory_space<vmem>>, %arg13: memref<32x128xf32, #tpu.memory_space<vmem>>, %arg14: memref<!tpu.dma_semaphore, #tpu.memory_space<semaphore_mem>>, %arg15: memref<!tpu.dma_semaphore, #tpu.memory_space<semaphore_mem>>, %arg16: memref<!tpu.dma_semaphore, #tpu.memory_space<semaphore_mem>>, %arg17: memref<!tpu.dma_semaphore, #tpu.memory_space<semaphore_mem>>, %arg18: memref<!tpu.dma_semaphore, #tpu.memory_space<semaphore_mem>>, %arg19: memref<!tpu.dma_semaphore, #tpu.memory_space<semaphore_mem>>, %arg20: memref<!tpu.dma_semaphore, #tpu.memory_space<semaphore_mem>>, %arg21: memref<!tpu.dma_semaphore, #tpu.memory_space<semaphore_mem>>, %arg22: memref<!tpu.dma_semaphore, #tpu.memory_space<semaphore_mem>>, %arg23: memref<!tpu.dma_semaphore, #tpu.memory_space<semaphore_mem>>) attributes {dimension_semantics = [#tpu.dimension_semantics<core_parallel>, #tpu.dimension_semantics<subcore_parallel>], iteration_bounds = array<i64: 2, 16>, scalar_prefetch = 0 : i64, scratch_operands = 18 : i64, tpu.core_type = #tpu.core_type<sc_vector_subcore>, window_params = [{transform_indices = #map}, {transform_indices = #map1}, {transform_indices = #map1}, {transform_indices = #map1}]} {
    %mul3A = arith.constant 16 : i32
    %mul3A_0 = arith.muli %arg0, %mul3A : i32
    %add3A = arith.addi %mul3A_0, %arg1 : i32
    "tpu.region"() ({
      %run_scoped3A = tpu.sem_alloc : memref<!tpu.dma_semaphore, #tpu.memory_space<semaphore_mem>>
      %dma_start3A_129 = arith.constant 0 : i32
      %dma_start3A_130 = arith.constant 0 : i32
      %dma_start3A_131 = tpu.memref_slice %arg3[%add3A, %dma_start3A_129, %dma_start3A_130] : memref<32x315x32xi32, #tpu.memory_space<hbm>> -> memref<1x315x32xi32, #tpu.memory_space<hbm>>
      %dma_start3A_132 = tpu.memref_squeeze %dma_start3A_131 : memref<1x315x32xi32, #tpu.memory_space<hbm>> -> memref<315x32xi32, #tpu.memory_space<hbm>>
      %dma_start3A_133 = arith.constant 0 : i32
      %dma_start3A_134 = arith.constant 0 : i32
      %dma_start3A_135 = tpu.memref_slice %arg3[%add3A, %dma_start3A_133, %dma_start3A_134] : memref<32x315x32xi32, #tpu.memory_space<hbm>> -> memref<1x315x32xi32, #tpu.memory_space<hbm>>
      %dma_start3A_136 = tpu.memref_squeeze %dma_start3A_135 : memref<1x315x32xi32, #tpu.memory_space<hbm>> -> memref<315x32xi32, #tpu.memory_space<hbm>>
      tpu.enqueue_dma source(%dma_start3A_136 : memref<315x32xi32, #tpu.memory_space<hbm>>) target(%arg6 : memref<315x32xi32, #tpu.memory_space<vmem>>) target_semaphore(%run_scoped3A : memref<!tpu.dma_semaphore, #tpu.memory_space<semaphore_mem>>)
      %dma_wait3A = arith.constant 0 : i32
      %dma_wait3A_137 = arith.constant 0 : i32
      %dma_wait3A_138 = tpu.memref_slice %arg3[%add3A, %dma_wait3A, %dma_wait3A_137] : memref<32x315x32xi32, #tpu.memory_space<hbm>> -> memref<1x315x32xi32, #tpu.memory_space<hbm>>
      %dma_wait3A_139 = tpu.memref_squeeze %dma_wait3A_138 : memref<1x315x32xi32, #tpu.memory_space<hbm>> -> memref<315x32xi32, #tpu.memory_space<hbm>>
      %dma_wait3A_140 = arith.constant 0 : i32
      %dma_wait3A_141 = arith.constant 0 : i32
      %dma_wait3A_142 = tpu.memref_slice %arg3[%add3A, %dma_wait3A_140, %dma_wait3A_141] : memref<32x315x32xi32, #tpu.memory_space<hbm>> -> memref<1x315x32xi32, #tpu.memory_space<hbm>>
      %dma_wait3A_143 = tpu.memref_squeeze %dma_wait3A_142 : memref<1x315x32xi32, #tpu.memory_space<hbm>> -> memref<315x32xi32, #tpu.memory_space<hbm>>
      tpu.wait_dma2 semaphore(%run_scoped3A : memref<!tpu.dma_semaphore, #tpu.memory_space<semaphore_mem>>) src(%dma_wait3A_143 : memref<315x32xi32, #tpu.memory_space<hbm>>) dst(%arg6 : memref<315x32xi32, #tpu.memory_space<vmem>>)
      tpu.yield
    }) : () -> ()
    "tpu.region"() ({
      %run_scoped3A = tpu.sem_alloc : memref<!tpu.dma_semaphore, #tpu.memory_space<semaphore_mem>>
      %dma_start3A_129 = arith.constant 0 : i32
      %dma_start3A_130 = arith.constant 0 : i32
      %dma_start3A_131 = tpu.memref_slice %arg4[%add3A, %dma_start3A_129, %dma_start3A_130] : memref<32x315x32xi32, #tpu.memory_space<hbm>> -> memref<1x315x32xi32, #tpu.memory_space<hbm>>
      %dma_start3A_132 = tpu.memref_squeeze %dma_start3A_131 : memref<1x315x32xi32, #tpu.memory_space<hbm>> -> memref<315x32xi32, #tpu.memory_space<hbm>>
      %dma_start3A_133 = arith.constant 0 : i32
      %dma_start3A_134 = arith.constant 0 : i32
      %dma_start3A_135 = tpu.memref_slice %arg4[%add3A, %dma_start3A_133, %dma_start3A_134] : memref<32x315x32xi32, #tpu.memory_space<hbm>> -> memref<1x315x32xi32, #tpu.memory_space<hbm>>
      %dma_start3A_136 = tpu.memref_squeeze %dma_start3A_135 : memref<1x315x32xi32, #tpu.memory_space<hbm>> -> memref<315x32xi32, #tpu.memory_space<hbm>>
      tpu.enqueue_dma source(%dma_start3A_136 : memref<315x32xi32, #tpu.memory_space<hbm>>) target(%arg7 : memref<315x32xi32, #tpu.memory_space<vmem>>) target_semaphore(%run_scoped3A : memref<!tpu.dma_semaphore, #tpu.memory_space<semaphore_mem>>)
      %dma_wait3A = arith.constant 0 : i32
      %dma_wait3A_137 = arith.constant 0 : i32
      %dma_wait3A_138 = tpu.memref_slice %arg4[%add3A, %dma_wait3A, %dma_wait3A_137] : memref<32x315x32xi32, #tpu.memory_space<hbm>> -> memref<1x315x32xi32, #tpu.memory_space<hbm>>
      %dma_wait3A_139 = tpu.memref_squeeze %dma_wait3A_138 : memref<1x315x32xi32, #tpu.memory_space<hbm>> -> memref<315x32xi32, #tpu.memory_space<hbm>>
      %dma_wait3A_140 = arith.constant 0 : i32
      %dma_wait3A_141 = arith.constant 0 : i32
      %dma_wait3A_142 = tpu.memref_slice %arg4[%add3A, %dma_wait3A_140, %dma_wait3A_141] : memref<32x315x32xi32, #tpu.memory_space<hbm>> -> memref<1x315x32xi32, #tpu.memory_space<hbm>>
      %dma_wait3A_143 = tpu.memref_squeeze %dma_wait3A_142 : memref<1x315x32xi32, #tpu.memory_space<hbm>> -> memref<315x32xi32, #tpu.memory_space<hbm>>
      tpu.wait_dma2 semaphore(%run_scoped3A : memref<!tpu.dma_semaphore, #tpu.memory_space<semaphore_mem>>) src(%dma_wait3A_143 : memref<315x32xi32, #tpu.memory_space<hbm>>) dst(%arg7 : memref<315x32xi32, #tpu.memory_space<vmem>>)
      tpu.yield
    }) : () -> ()
    %scan3A = arith.constant 0 : i32
    %scan3A_1 = arith.constant 32 : i32
    %scan3A_2 = arith.addi %scan3A, %scan3A_1 : i32
    %scan3A_3 = arith.constant 1 : i32
    scf.for %scan3A_129 = %scan3A to %scan3A_2 step %scan3A_3  : i32 {
      %mul3A_130 = arith.constant 1 : i32
      %mul3A_131 = arith.muli %scan3A_129, %mul3A_130 : i32
      %add3A_132 = arith.constant 0 : i32
      %add3A_133 = arith.addi %add3A_132, %mul3A_131 : i32
      %scan3A_134 = arith.constant 0 : i32
      %scan3A_135 = arith.constant 8 : i32
      %scan3A_136 = arith.addi %scan3A_134, %scan3A_135 : i32
      %scan3A_137 = arith.constant 1 : i32
      scf.for %scan3A_139 = %scan3A_134 to %scan3A_136 step %scan3A_137  : i32 {
        %mul3A_140 = arith.constant 1 : i32
        %mul3A_141 = arith.muli %scan3A_139, %mul3A_140 : i32
        %add3A_142 = arith.constant 0 : i32
        %add3A_143 = arith.addi %add3A_142, %mul3A_141 : i32
        %broadcast_in_dim3A = arith.constant 0.000000e+00 : f32
        %broadcast_in_dim3A_144 = vector.broadcast %broadcast_in_dim3A : f32 to vector<16xf32>
        %mul3A_145 = arith.constant 16 : i32
        %mul3A_146 = arith.muli %add3A_143, %mul3A_145 : i32
        %swap3A = arith.index_cast %add3A_133 : i32 to index
        %swap3A_147 = arith.index_cast %mul3A_146 : i32 to index
        %swap3A_148 = tpu.vector_load %arg9[%swap3A, %swap3A_147] {strides = array<i32>} : memref<32x128xf32, #tpu.memory_space<vmem>>, vector<1x16xf32>,
        %swap3A_149 = vector.shape_cast %swap3A_148 : vector<1x16xf32> to vector<16xf32>
        %swap3A_150 = vector.shape_cast %broadcast_in_dim3A_144 : vector<16xf32> to vector<1x16xf32>
        tpu.vector_store %arg9[%swap3A, %swap3A_147], %swap3A_150 {strides = array<i32>} : memref<32x128xf32, #tpu.memory_space<vmem>>, vector<1x16xf32>,
      }
      %scan3A_138 = arith.constant 8 : i32
    }
    %scan3A_4 = arith.constant 32 : i32
    %mul3A_5 = arith.constant 640 : i32
    %mul3A_6 = arith.muli %arg1, %mul3A_5 : i32
    %add3A_7 = arith.constant 0 : i32
    %add3A_8 = arith.addi %mul3A_6, %add3A_7 : i32
    "tpu.region"() ({
      %run_scoped3A = tpu.sem_alloc : memref<!tpu.dma_semaphore, #tpu.memory_space<semaphore_mem>>
      %dma_start3A_129 = arith.constant 0 : i32
      %dma_start3A_130 = tpu.memref_slice %arg8[%add3A_8, %dma_start3A_129] : memref<10240x128xf32, #tpu.memory_space<vmem_shared>> -> memref<32x128xf32, #tpu.memory_space<vmem_shared>>
      %dma_start3A_131 = arith.constant 0 : i32
      %dma_start3A_132 = tpu.memref_slice %arg8[%add3A_8, %dma_start3A_131] : memref<10240x128xf32, #tpu.memory_space<vmem_shared>> -> memref<32x128xf32, #tpu.memory_space<vmem_shared>>
      tpu.enqueue_dma source(%arg9 : memref<32x128xf32, #tpu.memory_space<vmem>>) target(%dma_start3A_132 : memref<32x128xf32, #tpu.memory_space<vmem_shared>>) target_semaphore(%run_scoped3A : memref<!tpu.dma_semaphore, #tpu.memory_space<semaphore_mem>>)
      %dma_wait3A = arith.constant 0 : i32
      %dma_wait3A_133 = tpu.memref_slice %arg8[%add3A_8, %dma_wait3A] : memref<10240x128xf32, #tpu.memory_space<vmem_shared>> -> memref<32x128xf32, #tpu.memory_space<vmem_shared>>
      %dma_wait3A_134 = arith.constant 0 : i32
      %dma_wait3A_135 = tpu.memref_slice %arg8[%add3A_8, %dma_wait3A_134] : memref<10240x128xf32, #tpu.memory_space<vmem_shared>> -> memref<32x128xf32, #tpu.memory_space<vmem_shared>>
      tpu.wait_dma2 semaphore(%run_scoped3A : memref<!tpu.dma_semaphore, #tpu.memory_space<semaphore_mem>>) src(%arg9 : memref<32x128xf32, #tpu.memory_space<vmem>>) dst(%dma_wait3A_135 : memref<32x128xf32, #tpu.memory_space<vmem_shared>>)
      tpu.yield
    }) : () -> ()
    %mul3A_9 = arith.constant 640 : i32
    %mul3A_10 = arith.muli %arg1, %mul3A_9 : i32
    %add3A_11 = arith.constant 32 : i32
    %add3A_12 = arith.addi %mul3A_10, %add3A_11 : i32
    "tpu.region"() ({
      %run_scoped3A = tpu.sem_alloc : memref<!tpu.dma_semaphore, #tpu.memory_space<semaphore_mem>>
      %dma_start3A_129 = arith.constant 0 : i32
      %dma_start3A_130 = tpu.memref_slice %arg8[%add3A_12, %dma_start3A_129] : memref<10240x128xf32, #tpu.memory_space<vmem_shared>> -> memref<32x128xf32, #tpu.memory_space<vmem_shared>>
      %dma_start3A_131 = arith.constant 0 : i32
      %dma_start3A_132 = tpu.memref_slice %arg8[%add3A_12, %dma_start3A_131] : memref<10240x128xf32, #tpu.memory_space<vmem_shared>> -> memref<32x128xf32, #tpu.memory_space<vmem_shared>>
      tpu.enqueue_dma source(%arg9 : memref<32x128xf32, #tpu.memory_space<vmem>>) target(%dma_start3A_132 : memref<32x128xf32, #tpu.memory_space<vmem_shared>>) target_semaphore(%run_scoped3A : memref<!tpu.dma_semaphore, #tpu.memory_space<semaphore_mem>>)
      %dma_wait3A = arith.constant 0 : i32
      %dma_wait3A_133 = tpu.memref_slice %arg8[%add3A_12, %dma_wait3A] : memref<10240x128xf32, #tpu.memory_space<vmem_shared>> -> memref<32x128xf32, #tpu.memory_space<vmem_shared>>
      %dma_wait3A_134 = arith.constant 0 : i32
      %dma_wait3A_135 = tpu.memref_slice %arg8[%add3A_12, %dma_wait3A_134] : memref<10240x128xf32, #tpu.memory_space<vmem_shared>> -> memref<32x128xf32, #tpu.memory_space<vmem_shared>>
      tpu.wait_dma2 semaphore(%run_scoped3A : memref<!tpu.dma_semaphore, #tpu.memory_space<semaphore_mem>>) src(%arg9 : memref<32x128xf32, #tpu.memory_space<vmem>>) dst(%dma_wait3A_135 : memref<32x128xf32, #tpu.memory_space<vmem_shared>>)
      tpu.yield
    }) : () -> ()
    %mul3A_13 = arith.constant 640 : i32
    %mul3A_14 = arith.muli %arg1, %mul3A_13 : i32
    %add3A_15 = arith.constant 64 : i32
    %add3A_16 = arith.addi %mul3A_14, %add3A_15 : i32
    "tpu.region"() ({
      %run_scoped3A = tpu.sem_alloc : memref<!tpu.dma_semaphore, #tpu.memory_space<semaphore_mem>>
      %dma_start3A_129 = arith.constant 0 : i32
      %dma_start3A_130 = tpu.memref_slice %arg8[%add3A_16, %dma_start3A_129] : memref<10240x128xf32, #tpu.memory_space<vmem_shared>> -> memref<32x128xf32, #tpu.memory_space<vmem_shared>>
      %dma_start3A_131 = arith.constant 0 : i32
      %dma_start3A_132 = tpu.memref_slice %arg8[%add3A_16, %dma_start3A_131] : memref<10240x128xf32, #tpu.memory_space<vmem_shared>> -> memref<32x128xf32, #tpu.memory_space<vmem_shared>>
      tpu.enqueue_dma source(%arg9 : memref<32x128xf32, #tpu.memory_space<vmem>>) target(%dma_start3A_132 : memref<32x128xf32, #tpu.memory_space<vmem_shared>>) target_semaphore(%run_scoped3A : memref<!tpu.dma_semaphore, #tpu.memory_space<semaphore_mem>>)
      %dma_wait3A = arith.constant 0 : i32
      %dma_wait3A_133 = tpu.memref_slice %arg8[%add3A_16, %dma_wait3A] : memref<10240x128xf32, #tpu.memory_space<vmem_shared>> -> memref<32x128xf32, #tpu.memory_space<vmem_shared>>
      %dma_wait3A_134 = arith.constant 0 : i32
      %dma_wait3A_135 = tpu.memref_slice %arg8[%add3A_16, %dma_wait3A_134] : memref<10240x128xf32, #tpu.memory_space<vmem_shared>> -> memref<32x128xf32, #tpu.memory_space<vmem_shared>>
      tpu.wait_dma2 semaphore(%run_scoped3A : memref<!tpu.dma_semaphore, #tpu.memory_space<semaphore_mem>>) src(%arg9 : memref<32x128xf32, #tpu.memory_space<vmem>>) dst(%dma_wait3A_135 : memref<32x128xf32, #tpu.memory_space<vmem_shared>>)
      tpu.yield
    }) : () -> ()
    %mul3A_17 = arith.constant 640 : i32
    %mul3A_18 = arith.muli %arg1, %mul3A_17 : i32
    %add3A_19 = arith.constant 96 : i32
    %add3A_20 = arith.addi %mul3A_18, %add3A_19 : i32
    "tpu.region"() ({
      %run_scoped3A = tpu.sem_alloc : memref<!tpu.dma_semaphore, #tpu.memory_space<semaphore_mem>>
      %dma_start3A_129 = arith.constant 0 : i32
      %dma_start3A_130 = tpu.memref_slice %arg8[%add3A_20, %dma_start3A_129] : memref<10240x128xf32, #tpu.memory_space<vmem_shared>> -> memref<32x128xf32, #tpu.memory_space<vmem_shared>>
      %dma_start3A_131 = arith.constant 0 : i32
      %dma_start3A_132 = tpu.memref_slice %arg8[%add3A_20, %dma_start3A_131] : memref<10240x128xf32, #tpu.memory_space<vmem_shared>> -> memref<32x128xf32, #tpu.memory_space<vmem_shared>>
      tpu.enqueue_dma source(%arg9 : memref<32x128xf32, #tpu.memory_space<vmem>>) target(%dma_start3A_132 : memref<32x128xf32, #tpu.memory_space<vmem_shared>>) target_semaphore(%run_scoped3A : memref<!tpu.dma_semaphore, #tpu.memory_space<semaphore_mem>>)
      %dma_wait3A = arith.constant 0 : i32
      %dma_wait3A_133 = tpu.memref_slice %arg8[%add3A_20, %dma_wait3A] : memref<10240x128xf32, #tpu.memory_space<vmem_shared>> -> memref<32x128xf32, #tpu.memory_space<vmem_shared>>
      %dma_wait3A_134 = arith.constant 0 : i32
      %dma_wait3A_135 = tpu.memref_slice %arg8[%add3A_20, %dma_wait3A_134] : memref<10240x128xf32, #tpu.memory_space<vmem_shared>> -> memref<32x128xf32, #tpu.memory_space<vmem_shared>>
      tpu.wait_dma2 semaphore(%run_scoped3A : memref<!tpu.dma_semaphore, #tpu.memory_space<semaphore_mem>>) src(%arg9 : memref<32x128xf32, #tpu.memory_space<vmem>>) dst(%dma_wait3A_135 : memref<32x128xf32, #tpu.memory_space<vmem_shared>>)
      tpu.yield
    }) : () -> ()
    %mul3A_21 = arith.constant 640 : i32
    %mul3A_22 = arith.muli %arg1, %mul3A_21 : i32
    %add3A_23 = arith.constant 128 : i32
    %add3A_24 = arith.addi %mul3A_22, %add3A_23 : i32
    "tpu.region"() ({
      %run_scoped3A = tpu.sem_alloc : memref<!tpu.dma_semaphore, #tpu.memory_space<semaphore_mem>>
      %dma_start3A_129 = arith.constant 0 : i32
      %dma_start3A_130 = tpu.memref_slice %arg8[%add3A_24, %dma_start3A_129] : memref<10240x128xf32, #tpu.memory_space<vmem_shared>> -> memref<32x128xf32, #tpu.memory_space<vmem_shared>>
      %dma_start3A_131 = arith.constant 0 : i32
      %dma_start3A_132 = tpu.memref_slice %arg8[%add3A_24, %dma_start3A_131] : memref<10240x128xf32, #tpu.memory_space<vmem_shared>> -> memref<32x128xf32, #tpu.memory_space<vmem_shared>>
      tpu.enqueue_dma source(%arg9 : memref<32x128xf32, #tpu.memory_space<vmem>>) target(%dma_start3A_132 : memref<32x128xf32, #tpu.memory_space<vmem_shared>>) target_semaphore(%run_scoped3A : memref<!tpu.dma_semaphore, #tpu.memory_space<semaphore_mem>>)
      %dma_wait3A = arith.constant 0 : i32
      %dma_wait3A_133 = tpu.memref_slice %arg8[%add3A_24, %dma_wait3A] : memref<10240x128xf32, #tpu.memory_space<vmem_shared>> -> memref<32x128xf32, #tpu.memory_space<vmem_shared>>
      %dma_wait3A_134 = arith.constant 0 : i32
      %dma_wait3A_135 = tpu.memref_slice %arg8[%add3A_24, %dma_wait3A_134] : memref<10240x128xf32, #tpu.memory_space<vmem_shared>> -> memref<32x128xf32, #tpu.memory_space<vmem_shared>>
      tpu.wait_dma2 semaphore(%run_scoped3A : memref<!tpu.dma_semaphore, #tpu.memory_space<semaphore_mem>>) src(%arg9 : memref<32x128xf32, #tpu.memory_space<vmem>>) dst(%dma_wait3A_135 : memref<32x128xf32, #tpu.memory_space<vmem_shared>>)
      tpu.yield
    }) : () -> ()
    %mul3A_25 = arith.constant 640 : i32
    %mul3A_26 = arith.muli %arg1, %mul3A_25 : i32
    %add3A_27 = arith.constant 160 : i32
    %add3A_28 = arith.addi %mul3A_26, %add3A_27 : i32
    "tpu.region"() ({
      %run_scoped3A = tpu.sem_alloc : memref<!tpu.dma_semaphore, #tpu.memory_space<semaphore_mem>>
      %dma_start3A_129 = arith.constant 0 : i32
      %dma_start3A_130 = tpu.memref_slice %arg8[%add3A_28, %dma_start3A_129] : memref<10240x128xf32, #tpu.memory_space<vmem_shared>> -> memref<32x128xf32, #tpu.memory_space<vmem_shared>>
      %dma_start3A_131 = arith.constant 0 : i32
      %dma_start3A_132 = tpu.memref_slice %arg8[%add3A_28, %dma_start3A_131] : memref<10240x128xf32, #tpu.memory_space<vmem_shared>> -> memref<32x128xf32, #tpu.memory_space<vmem_shared>>
      tpu.enqueue_dma source(%arg9 : memref<32x128xf32, #tpu.memory_space<vmem>>) target(%dma_start3A_132 : memref<32x128xf32, #tpu.memory_space<vmem_shared>>) target_semaphore(%run_scoped3A : memref<!tpu.dma_semaphore, #tpu.memory_space<semaphore_mem>>)
      %dma_wait3A = arith.constant 0 : i32
      %dma_wait3A_133 = tpu.memref_slice %arg8[%add3A_28, %dma_wait3A] : memref<10240x128xf32, #tpu.memory_space<vmem_shared>> -> memref<32x128xf32, #tpu.memory_space<vmem_shared>>
      %dma_wait3A_134 = arith.constant 0 : i32
      %dma_wait3A_135 = tpu.memref_slice %arg8[%add3A_28, %dma_wait3A_134] : memref<10240x128xf32, #tpu.memory_space<vmem_shared>> -> memref<32x128xf32, #tpu.memory_space<vmem_shared>>
      tpu.wait_dma2 semaphore(%run_scoped3A : memref<!tpu.dma_semaphore, #tpu.memory_space<semaphore_mem>>) src(%arg9 : memref<32x128xf32, #tpu.memory_space<vmem>>) dst(%dma_wait3A_135 : memref<32x128xf32, #tpu.memory_space<vmem_shared>>)
      tpu.yield
    }) : () -> ()
    %mul3A_29 = arith.constant 640 : i32
    %mul3A_30 = arith.muli %arg1, %mul3A_29 : i32
    %add3A_31 = arith.constant 192 : i32
    %add3A_32 = arith.addi %mul3A_30, %add3A_31 : i32
    "tpu.region"() ({
      %run_scoped3A = tpu.sem_alloc : memref<!tpu.dma_semaphore, #tpu.memory_space<semaphore_mem>>
      %dma_start3A_129 = arith.constant 0 : i32
      %dma_start3A_130 = tpu.memref_slice %arg8[%add3A_32, %dma_start3A_129] : memref<10240x128xf32, #tpu.memory_space<vmem_shared>> -> memref<32x128xf32, #tpu.memory_space<vmem_shared>>
      %dma_start3A_131 = arith.constant 0 : i32
      %dma_start3A_132 = tpu.memref_slice %arg8[%add3A_32, %dma_start3A_131] : memref<10240x128xf32, #tpu.memory_space<vmem_shared>> -> memref<32x128xf32, #tpu.memory_space<vmem_shared>>
      tpu.enqueue_dma source(%arg9 : memref<32x128xf32, #tpu.memory_space<vmem>>) target(%dma_start3A_132 : memref<32x128xf32, #tpu.memory_space<vmem_shared>>) target_semaphore(%run_scoped3A : memref<!tpu.dma_semaphore, #tpu.memory_space<semaphore_mem>>)
      %dma_wait3A = arith.constant 0 : i32
      %dma_wait3A_133 = tpu.memref_slice %arg8[%add3A_32, %dma_wait3A] : memref<10240x128xf32, #tpu.memory_space<vmem_shared>> -> memref<32x128xf32, #tpu.memory_space<vmem_shared>>
      %dma_wait3A_134 = arith.constant 0 : i32
      %dma_wait3A_135 = tpu.memref_slice %arg8[%add3A_32, %dma_wait3A_134] : memref<10240x128xf32, #tpu.memory_space<vmem_shared>> -> memref<32x128xf32, #tpu.memory_space<vmem_shared>>
      tpu.wait_dma2 semaphore(%run_scoped3A : memref<!tpu.dma_semaphore, #tpu.memory_space<semaphore_mem>>) src(%arg9 : memref<32x128xf32, #tpu.memory_space<vmem>>) dst(%dma_wait3A_135 : memref<32x128xf32, #tpu.memory_space<vmem_shared>>)
      tpu.yield
    }) : () -> ()
    %mul3A_33 = arith.constant 640 : i32
    %mul3A_34 = arith.muli %arg1, %mul3A_33 : i32
    %add3A_35 = arith.constant 224 : i32
    %add3A_36 = arith.addi %mul3A_34, %add3A_35 : i32
    "tpu.region"() ({
      %run_scoped3A = tpu.sem_alloc : memref<!tpu.dma_semaphore, #tpu.memory_space<semaphore_mem>>
      %dma_start3A_129 = arith.constant 0 : i32
      %dma_start3A_130 = tpu.memref_slice %arg8[%add3A_36, %dma_start3A_129] : memref<10240x128xf32, #tpu.memory_space<vmem_shared>> -> memref<32x128xf32, #tpu.memory_space<vmem_shared>>
      %dma_start3A_131 = arith.constant 0 : i32
      %dma_start3A_132 = tpu.memref_slice %arg8[%add3A_36, %dma_start3A_131] : memref<10240x128xf32, #tpu.memory_space<vmem_shared>> -> memref<32x128xf32, #tpu.memory_space<vmem_shared>>
      tpu.enqueue_dma source(%arg9 : memref<32x128xf32, #tpu.memory_space<vmem>>) target(%dma_start3A_132 : memref<32x128xf32, #tpu.memory_space<vmem_shared>>) target_semaphore(%run_scoped3A : memref<!tpu.dma_semaphore, #tpu.memory_space<semaphore_mem>>)
      %dma_wait3A = arith.constant 0 : i32
      %dma_wait3A_133 = tpu.memref_slice %arg8[%add3A_36, %dma_wait3A] : memref<10240x128xf32, #tpu.memory_space<vmem_shared>> -> memref<32x128xf32, #tpu.memory_space<vmem_shared>>
      %dma_wait3A_134 = arith.constant 0 : i32
      %dma_wait3A_135 = tpu.memref_slice %arg8[%add3A_36, %dma_wait3A_134] : memref<10240x128xf32, #tpu.memory_space<vmem_shared>> -> memref<32x128xf32, #tpu.memory_space<vmem_shared>>
      tpu.wait_dma2 semaphore(%run_scoped3A : memref<!tpu.dma_semaphore, #tpu.memory_space<semaphore_mem>>) src(%arg9 : memref<32x128xf32, #tpu.memory_space<vmem>>) dst(%dma_wait3A_135 : memref<32x128xf32, #tpu.memory_space<vmem_shared>>)
      tpu.yield
    }) : () -> ()
    %mul3A_37 = arith.constant 640 : i32
    %mul3A_38 = arith.muli %arg1, %mul3A_37 : i32
    %add3A_39 = arith.constant 256 : i32
    %add3A_40 = arith.addi %mul3A_38, %add3A_39 : i32
    "tpu.region"() ({
      %run_scoped3A = tpu.sem_alloc : memref<!tpu.dma_semaphore, #tpu.memory_space<semaphore_mem>>
      %dma_start3A_129 = arith.constant 0 : i32
      %dma_start3A_130 = tpu.memref_slice %arg8[%add3A_40, %dma_start3A_129] : memref<10240x128xf32, #tpu.memory_space<vmem_shared>> -> memref<32x128xf32, #tpu.memory_space<vmem_shared>>
      %dma_start3A_131 = arith.constant 0 : i32
      %dma_start3A_132 = tpu.memref_slice %arg8[%add3A_40, %dma_start3A_131] : memref<10240x128xf32, #tpu.memory_space<vmem_shared>> -> memref<32x128xf32, #tpu.memory_space<vmem_shared>>
      tpu.enqueue_dma source(%arg9 : memref<32x128xf32, #tpu.memory_space<vmem>>) target(%dma_start3A_132 : memref<32x128xf32, #tpu.memory_space<vmem_shared>>) target_semaphore(%run_scoped3A : memref<!tpu.dma_semaphore, #tpu.memory_space<semaphore_mem>>)
      %dma_wait3A = arith.constant 0 : i32
      %dma_wait3A_133 = tpu.memref_slice %arg8[%add3A_40, %dma_wait3A] : memref<10240x128xf32, #tpu.memory_space<vmem_shared>> -> memref<32x128xf32, #tpu.memory_space<vmem_shared>>
      %dma_wait3A_134 = arith.constant 0 : i32
      %dma_wait3A_135 = tpu.memref_slice %arg8[%add3A_40, %dma_wait3A_134] : memref<10240x128xf32, #tpu.memory_space<vmem_shared>> -> memref<32x128xf32, #tpu.memory_space<vmem_shared>>
      tpu.wait_dma2 semaphore(%run_scoped3A : memref<!tpu.dma_semaphore, #tpu.memory_space<semaphore_mem>>) src(%arg9 : memref<32x128xf32, #tpu.memory_space<vmem>>) dst(%dma_wait3A_135 : memref<32x128xf32, #tpu.memory_space<vmem_shared>>)
      tpu.yield
    }) : () -> ()
    %mul3A_41 = arith.constant 640 : i32
    %mul3A_42 = arith.muli %arg1, %mul3A_41 : i32
    %add3A_43 = arith.constant 288 : i32
    %add3A_44 = arith.addi %mul3A_42, %add3A_43 : i32
    "tpu.region"() ({
      %run_scoped3A = tpu.sem_alloc : memref<!tpu.dma_semaphore, #tpu.memory_space<semaphore_mem>>
      %dma_start3A_129 = arith.constant 0 : i32
      %dma_start3A_130 = tpu.memref_slice %arg8[%add3A_44, %dma_start3A_129] : memref<10240x128xf32, #tpu.memory_space<vmem_shared>> -> memref<32x128xf32, #tpu.memory_space<vmem_shared>>
      %dma_start3A_131 = arith.constant 0 : i32
      %dma_start3A_132 = tpu.memref_slice %arg8[%add3A_44, %dma_start3A_131] : memref<10240x128xf32, #tpu.memory_space<vmem_shared>> -> memref<32x128xf32, #tpu.memory_space<vmem_shared>>
      tpu.enqueue_dma source(%arg9 : memref<32x128xf32, #tpu.memory_space<vmem>>) target(%dma_start3A_132 : memref<32x128xf32, #tpu.memory_space<vmem_shared>>) target_semaphore(%run_scoped3A : memref<!tpu.dma_semaphore, #tpu.memory_space<semaphore_mem>>)
      %dma_wait3A = arith.constant 0 : i32
      %dma_wait3A_133 = tpu.memref_slice %arg8[%add3A_44, %dma_wait3A] : memref<10240x128xf32, #tpu.memory_space<vmem_shared>> -> memref<32x128xf32, #tpu.memory_space<vmem_shared>>
      %dma_wait3A_134 = arith.constant 0 : i32
      %dma_wait3A_135 = tpu.memref_slice %arg8[%add3A_44, %dma_wait3A_134] : memref<10240x128xf32, #tpu.memory_space<vmem_shared>> -> memref<32x128xf32, #tpu.memory_space<vmem_shared>>
      tpu.wait_dma2 semaphore(%run_scoped3A : memref<!tpu.dma_semaphore, #tpu.memory_space<semaphore_mem>>) src(%arg9 : memref<32x128xf32, #tpu.memory_space<vmem>>) dst(%dma_wait3A_135 : memref<32x128xf32, #tpu.memory_space<vmem_shared>>)
      tpu.yield
    }) : () -> ()
    %mul3A_45 = arith.constant 640 : i32
    %mul3A_46 = arith.muli %arg1, %mul3A_45 : i32
    %add3A_47 = arith.constant 320 : i32
    %add3A_48 = arith.addi %mul3A_46, %add3A_47 : i32
    "tpu.region"() ({
      %run_scoped3A = tpu.sem_alloc : memref<!tpu.dma_semaphore, #tpu.memory_space<semaphore_mem>>
      %dma_start3A_129 = arith.constant 0 : i32
      %dma_start3A_130 = tpu.memref_slice %arg8[%add3A_48, %dma_start3A_129] : memref<10240x128xf32, #tpu.memory_space<vmem_shared>> -> memref<32x128xf32, #tpu.memory_space<vmem_shared>>
      %dma_start3A_131 = arith.constant 0 : i32
      %dma_start3A_132 = tpu.memref_slice %arg8[%add3A_48, %dma_start3A_131] : memref<10240x128xf32, #tpu.memory_space<vmem_shared>> -> memref<32x128xf32, #tpu.memory_space<vmem_shared>>
      tpu.enqueue_dma source(%arg9 : memref<32x128xf32, #tpu.memory_space<vmem>>) target(%dma_start3A_132 : memref<32x128xf32, #tpu.memory_space<vmem_shared>>) target_semaphore(%run_scoped3A : memref<!tpu.dma_semaphore, #tpu.memory_space<semaphore_mem>>)
      %dma_wait3A = arith.constant 0 : i32
      %dma_wait3A_133 = tpu.memref_slice %arg8[%add3A_48, %dma_wait3A] : memref<10240x128xf32, #tpu.memory_space<vmem_shared>> -> memref<32x128xf32, #tpu.memory_space<vmem_shared>>
      %dma_wait3A_134 = arith.constant 0 : i32
      %dma_wait3A_135 = tpu.memref_slice %arg8[%add3A_48, %dma_wait3A_134] : memref<10240x128xf32, #tpu.memory_space<vmem_shared>> -> memref<32x128xf32, #tpu.memory_space<vmem_shared>>
      tpu.wait_dma2 semaphore(%run_scoped3A : memref<!tpu.dma_semaphore, #tpu.memory_space<semaphore_mem>>) src(%arg9 : memref<32x128xf32, #tpu.memory_space<vmem>>) dst(%dma_wait3A_135 : memref<32x128xf32, #tpu.memory_space<vmem_shared>>)
      tpu.yield
    }) : () -> ()
    %mul3A_49 = arith.constant 640 : i32
    %mul3A_50 = arith.muli %arg1, %mul3A_49 : i32
    %add3A_51 = arith.constant 352 : i32
    %add3A_52 = arith.addi %mul3A_50, %add3A_51 : i32
    "tpu.region"() ({
      %run_scoped3A = tpu.sem_alloc : memref<!tpu.dma_semaphore, #tpu.memory_space<semaphore_mem>>
      %dma_start3A_129 = arith.constant 0 : i32
      %dma_start3A_130 = tpu.memref_slice %arg8[%add3A_52, %dma_start3A_129] : memref<10240x128xf32, #tpu.memory_space<vmem_shared>> -> memref<32x128xf32, #tpu.memory_space<vmem_shared>>
      %dma_start3A_131 = arith.constant 0 : i32
      %dma_start3A_132 = tpu.memref_slice %arg8[%add3A_52, %dma_start3A_131] : memref<10240x128xf32, #tpu.memory_space<vmem_shared>> -> memref<32x128xf32, #tpu.memory_space<vmem_shared>>
      tpu.enqueue_dma source(%arg9 : memref<32x128xf32, #tpu.memory_space<vmem>>) target(%dma_start3A_132 : memref<32x128xf32, #tpu.memory_space<vmem_shared>>) target_semaphore(%run_scoped3A : memref<!tpu.dma_semaphore, #tpu.memory_space<semaphore_mem>>)
      %dma_wait3A = arith.constant 0 : i32
      %dma_wait3A_133 = tpu.memref_slice %arg8[%add3A_52, %dma_wait3A] : memref<10240x128xf32, #tpu.memory_space<vmem_shared>> -> memref<32x128xf32, #tpu.memory_space<vmem_shared>>
      %dma_wait3A_134 = arith.constant 0 : i32
      %dma_wait3A_135 = tpu.memref_slice %arg8[%add3A_52, %dma_wait3A_134] : memref<10240x128xf32, #tpu.memory_space<vmem_shared>> -> memref<32x128xf32, #tpu.memory_space<vmem_shared>>
      tpu.wait_dma2 semaphore(%run_scoped3A : memref<!tpu.dma_semaphore, #tpu.memory_space<semaphore_mem>>) src(%arg9 : memref<32x128xf32, #tpu.memory_space<vmem>>) dst(%dma_wait3A_135 : memref<32x128xf32, #tpu.memory_space<vmem_shared>>)
      tpu.yield
    }) : () -> ()
    %mul3A_53 = arith.constant 640 : i32
    %mul3A_54 = arith.muli %arg1, %mul3A_53 : i32
    %add3A_55 = arith.constant 384 : i32
    %add3A_56 = arith.addi %mul3A_54, %add3A_55 : i32
    "tpu.region"() ({
      %run_scoped3A = tpu.sem_alloc : memref<!tpu.dma_semaphore, #tpu.memory_space<semaphore_mem>>
      %dma_start3A_129 = arith.constant 0 : i32
      %dma_start3A_130 = tpu.memref_slice %arg8[%add3A_56, %dma_start3A_129] : memref<10240x128xf32, #tpu.memory_space<vmem_shared>> -> memref<32x128xf32, #tpu.memory_space<vmem_shared>>
      %dma_start3A_131 = arith.constant 0 : i32
      %dma_start3A_132 = tpu.memref_slice %arg8[%add3A_56, %dma_start3A_131] : memref<10240x128xf32, #tpu.memory_space<vmem_shared>> -> memref<32x128xf32, #tpu.memory_space<vmem_shared>>
      tpu.enqueue_dma source(%arg9 : memref<32x128xf32, #tpu.memory_space<vmem>>) target(%dma_start3A_132 : memref<32x128xf32, #tpu.memory_space<vmem_shared>>) target_semaphore(%run_scoped3A : memref<!tpu.dma_semaphore, #tpu.memory_space<semaphore_mem>>)
      %dma_wait3A = arith.constant 0 : i32
      %dma_wait3A_133 = tpu.memref_slice %arg8[%add3A_56, %dma_wait3A] : memref<10240x128xf32, #tpu.memory_space<vmem_shared>> -> memref<32x128xf32, #tpu.memory_space<vmem_shared>>
      %dma_wait3A_134 = arith.constant 0 : i32
      %dma_wait3A_135 = tpu.memref_slice %arg8[%add3A_56, %dma_wait3A_134] : memref<10240x128xf32, #tpu.memory_space<vmem_shared>> -> memref<32x128xf32, #tpu.memory_space<vmem_shared>>
      tpu.wait_dma2 semaphore(%run_scoped3A : memref<!tpu.dma_semaphore, #tpu.memory_space<semaphore_mem>>) src(%arg9 : memref<32x128xf32, #tpu.memory_space<vmem>>) dst(%dma_wait3A_135 : memref<32x128xf32, #tpu.memory_space<vmem_shared>>)
      tpu.yield
    }) : () -> ()
    %mul3A_57 = arith.constant 640 : i32
    %mul3A_58 = arith.muli %arg1, %mul3A_57 : i32
    %add3A_59 = arith.constant 416 : i32
    %add3A_60 = arith.addi %mul3A_58, %add3A_59 : i32
    "tpu.region"() ({
      %run_scoped3A = tpu.sem_alloc : memref<!tpu.dma_semaphore, #tpu.memory_space<semaphore_mem>>
      %dma_start3A_129 = arith.constant 0 : i32
      %dma_start3A_130 = tpu.memref_slice %arg8[%add3A_60, %dma_start3A_129] : memref<10240x128xf32, #tpu.memory_space<vmem_shared>> -> memref<32x128xf32, #tpu.memory_space<vmem_shared>>
      %dma_start3A_131 = arith.constant 0 : i32
      %dma_start3A_132 = tpu.memref_slice %arg8[%add3A_60, %dma_start3A_131] : memref<10240x128xf32, #tpu.memory_space<vmem_shared>> -> memref<32x128xf32, #tpu.memory_space<vmem_shared>>
      tpu.enqueue_dma source(%arg9 : memref<32x128xf32, #tpu.memory_space<vmem>>) target(%dma_start3A_132 : memref<32x128xf32, #tpu.memory_space<vmem_shared>>) target_semaphore(%run_scoped3A : memref<!tpu.dma_semaphore, #tpu.memory_space<semaphore_mem>>)
      %dma_wait3A = arith.constant 0 : i32
      %dma_wait3A_133 = tpu.memref_slice %arg8[%add3A_60, %dma_wait3A] : memref<10240x128xf32, #tpu.memory_space<vmem_shared>> -> memref<32x128xf32, #tpu.memory_space<vmem_shared>>
      %dma_wait3A_134 = arith.constant 0 : i32
      %dma_wait3A_135 = tpu.memref_slice %arg8[%add3A_60, %dma_wait3A_134] : memref<10240x128xf32, #tpu.memory_space<vmem_shared>> -> memref<32x128xf32, #tpu.memory_space<vmem_shared>>
      tpu.wait_dma2 semaphore(%run_scoped3A : memref<!tpu.dma_semaphore, #tpu.memory_space<semaphore_mem>>) src(%arg9 : memref<32x128xf32, #tpu.memory_space<vmem>>) dst(%dma_wait3A_135 : memref<32x128xf32, #tpu.memory_space<vmem_shared>>)
      tpu.yield
    }) : () -> ()
    %mul3A_61 = arith.constant 640 : i32
    %mul3A_62 = arith.muli %arg1, %mul3A_61 : i32
    %add3A_63 = arith.constant 448 : i32
    %add3A_64 = arith.addi %mul3A_62, %add3A_63 : i32
    "tpu.region"() ({
      %run_scoped3A = tpu.sem_alloc : memref<!tpu.dma_semaphore, #tpu.memory_space<semaphore_mem>>
      %dma_start3A_129 = arith.constant 0 : i32
      %dma_start3A_130 = tpu.memref_slice %arg8[%add3A_64, %dma_start3A_129] : memref<10240x128xf32, #tpu.memory_space<vmem_shared>> -> memref<32x128xf32, #tpu.memory_space<vmem_shared>>
      %dma_start3A_131 = arith.constant 0 : i32
      %dma_start3A_132 = tpu.memref_slice %arg8[%add3A_64, %dma_start3A_131] : memref<10240x128xf32, #tpu.memory_space<vmem_shared>> -> memref<32x128xf32, #tpu.memory_space<vmem_shared>>
      tpu.enqueue_dma source(%arg9 : memref<32x128xf32, #tpu.memory_space<vmem>>) target(%dma_start3A_132 : memref<32x128xf32, #tpu.memory_space<vmem_shared>>) target_semaphore(%run_scoped3A : memref<!tpu.dma_semaphore, #tpu.memory_space<semaphore_mem>>)
      %dma_wait3A = arith.constant 0 : i32
      %dma_wait3A_133 = tpu.memref_slice %arg8[%add3A_64, %dma_wait3A] : memref<10240x128xf32, #tpu.memory_space<vmem_shared>> -> memref<32x128xf32, #tpu.memory_space<vmem_shared>>
      %dma_wait3A_134 = arith.constant 0 : i32
      %dma_wait3A_135 = tpu.memref_slice %arg8[%add3A_64, %dma_wait3A_134] : memref<10240x128xf32, #tpu.memory_space<vmem_shared>> -> memref<32x128xf32, #tpu.memory_space<vmem_shared>>
      tpu.wait_dma2 semaphore(%run_scoped3A : memref<!tpu.dma_semaphore, #tpu.memory_space<semaphore_mem>>) src(%arg9 : memref<32x128xf32, #tpu.memory_space<vmem>>) dst(%dma_wait3A_135 : memref<32x128xf32, #tpu.memory_space<vmem_shared>>)
      tpu.yield
    }) : () -> ()
    %mul3A_65 = arith.constant 640 : i32
    %mul3A_66 = arith.muli %arg1, %mul3A_65 : i32
    %add3A_67 = arith.constant 480 : i32
    %add3A_68 = arith.addi %mul3A_66, %add3A_67 : i32
    "tpu.region"() ({
      %run_scoped3A = tpu.sem_alloc : memref<!tpu.dma_semaphore, #tpu.memory_space<semaphore_mem>>
      %dma_start3A_129 = arith.constant 0 : i32
      %dma_start3A_130 = tpu.memref_slice %arg8[%add3A_68, %dma_start3A_129] : memref<10240x128xf32, #tpu.memory_space<vmem_shared>> -> memref<32x128xf32, #tpu.memory_space<vmem_shared>>
      %dma_start3A_131 = arith.constant 0 : i32
      %dma_start3A_132 = tpu.memref_slice %arg8[%add3A_68, %dma_start3A_131] : memref<10240x128xf32, #tpu.memory_space<vmem_shared>> -> memref<32x128xf32, #tpu.memory_space<vmem_shared>>
      tpu.enqueue_dma source(%arg9 : memref<32x128xf32, #tpu.memory_space<vmem>>) target(%dma_start3A_132 : memref<32x128xf32, #tpu.memory_space<vmem_shared>>) target_semaphore(%run_scoped3A : memref<!tpu.dma_semaphore, #tpu.memory_space<semaphore_mem>>)
      %dma_wait3A = arith.constant 0 : i32
      %dma_wait3A_133 = tpu.memref_slice %arg8[%add3A_68, %dma_wait3A] : memref<10240x128xf32, #tpu.memory_space<vmem_shared>> -> memref<32x128xf32, #tpu.memory_space<vmem_shared>>
      %dma_wait3A_134 = arith.constant 0 : i32
      %dma_wait3A_135 = tpu.memref_slice %arg8[%add3A_68, %dma_wait3A_134] : memref<10240x128xf32, #tpu.memory_space<vmem_shared>> -> memref<32x128xf32, #tpu.memory_space<vmem_shared>>
      tpu.wait_dma2 semaphore(%run_scoped3A : memref<!tpu.dma_semaphore, #tpu.memory_space<semaphore_mem>>) src(%arg9 : memref<32x128xf32, #tpu.memory_space<vmem>>) dst(%dma_wait3A_135 : memref<32x128xf32, #tpu.memory_space<vmem_shared>>)
      tpu.yield
    }) : () -> ()
    %mul3A_69 = arith.constant 640 : i32
    %mul3A_70 = arith.muli %arg1, %mul3A_69 : i32
    %add3A_71 = arith.constant 512 : i32
    %add3A_72 = arith.addi %mul3A_70, %add3A_71 : i32
    "tpu.region"() ({
      %run_scoped3A = tpu.sem_alloc : memref<!tpu.dma_semaphore, #tpu.memory_space<semaphore_mem>>
      %dma_start3A_129 = arith.constant 0 : i32
      %dma_start3A_130 = tpu.memref_slice %arg8[%add3A_72, %dma_start3A_129] : memref<10240x128xf32, #tpu.memory_space<vmem_shared>> -> memref<32x128xf32, #tpu.memory_space<vmem_shared>>
      %dma_start3A_131 = arith.constant 0 : i32
      %dma_start3A_132 = tpu.memref_slice %arg8[%add3A_72, %dma_start3A_131] : memref<10240x128xf32, #tpu.memory_space<vmem_shared>> -> memref<32x128xf32, #tpu.memory_space<vmem_shared>>
      tpu.enqueue_dma source(%arg9 : memref<32x128xf32, #tpu.memory_space<vmem>>) target(%dma_start3A_132 : memref<32x128xf32, #tpu.memory_space<vmem_shared>>) target_semaphore(%run_scoped3A : memref<!tpu.dma_semaphore, #tpu.memory_space<semaphore_mem>>)
      %dma_wait3A = arith.constant 0 : i32
      %dma_wait3A_133 = tpu.memref_slice %arg8[%add3A_72, %dma_wait3A] : memref<10240x128xf32, #tpu.memory_space<vmem_shared>> -> memref<32x128xf32, #tpu.memory_space<vmem_shared>>
      %dma_wait3A_134 = arith.constant 0 : i32
      %dma_wait3A_135 = tpu.memref_slice %arg8[%add3A_72, %dma_wait3A_134] : memref<10240x128xf32, #tpu.memory_space<vmem_shared>> -> memref<32x128xf32, #tpu.memory_space<vmem_shared>>
      tpu.wait_dma2 semaphore(%run_scoped3A : memref<!tpu.dma_semaphore, #tpu.memory_space<semaphore_mem>>) src(%arg9 : memref<32x128xf32, #tpu.memory_space<vmem>>) dst(%dma_wait3A_135 : memref<32x128xf32, #tpu.memory_space<vmem_shared>>)
      tpu.yield
    }) : () -> ()
    %mul3A_73 = arith.constant 640 : i32
    %mul3A_74 = arith.muli %arg1, %mul3A_73 : i32
    %add3A_75 = arith.constant 544 : i32
    %add3A_76 = arith.addi %mul3A_74, %add3A_75 : i32
    "tpu.region"() ({
      %run_scoped3A = tpu.sem_alloc : memref<!tpu.dma_semaphore, #tpu.memory_space<semaphore_mem>>
      %dma_start3A_129 = arith.constant 0 : i32
      %dma_start3A_130 = tpu.memref_slice %arg8[%add3A_76, %dma_start3A_129] : memref<10240x128xf32, #tpu.memory_space<vmem_shared>> -> memref<32x128xf32, #tpu.memory_space<vmem_shared>>
      %dma_start3A_131 = arith.constant 0 : i32
      %dma_start3A_132 = tpu.memref_slice %arg8[%add3A_76, %dma_start3A_131] : memref<10240x128xf32, #tpu.memory_space<vmem_shared>> -> memref<32x128xf32, #tpu.memory_space<vmem_shared>>
      tpu.enqueue_dma source(%arg9 : memref<32x128xf32, #tpu.memory_space<vmem>>) target(%dma_start3A_132 : memref<32x128xf32, #tpu.memory_space<vmem_shared>>) target_semaphore(%run_scoped3A : memref<!tpu.dma_semaphore, #tpu.memory_space<semaphore_mem>>)
      %dma_wait3A = arith.constant 0 : i32
      %dma_wait3A_133 = tpu.memref_slice %arg8[%add3A_76, %dma_wait3A] : memref<10240x128xf32, #tpu.memory_space<vmem_shared>> -> memref<32x128xf32, #tpu.memory_space<vmem_shared>>
      %dma_wait3A_134 = arith.constant 0 : i32
      %dma_wait3A_135 = tpu.memref_slice %arg8[%add3A_76, %dma_wait3A_134] : memref<10240x128xf32, #tpu.memory_space<vmem_shared>> -> memref<32x128xf32, #tpu.memory_space<vmem_shared>>
      tpu.wait_dma2 semaphore(%run_scoped3A : memref<!tpu.dma_semaphore, #tpu.memory_space<semaphore_mem>>) src(%arg9 : memref<32x128xf32, #tpu.memory_space<vmem>>) dst(%dma_wait3A_135 : memref<32x128xf32, #tpu.memory_space<vmem_shared>>)
      tpu.yield
    }) : () -> ()
    %mul3A_77 = arith.constant 640 : i32
    %mul3A_78 = arith.muli %arg1, %mul3A_77 : i32
    %add3A_79 = arith.constant 576 : i32
    %add3A_80 = arith.addi %mul3A_78, %add3A_79 : i32
    "tpu.region"() ({
      %run_scoped3A = tpu.sem_alloc : memref<!tpu.dma_semaphore, #tpu.memory_space<semaphore_mem>>
      %dma_start3A_129 = arith.constant 0 : i32
      %dma_start3A_130 = tpu.memref_slice %arg8[%add3A_80, %dma_start3A_129] : memref<10240x128xf32, #tpu.memory_space<vmem_shared>> -> memref<32x128xf32, #tpu.memory_space<vmem_shared>>
      %dma_start3A_131 = arith.constant 0 : i32
      %dma_start3A_132 = tpu.memref_slice %arg8[%add3A_80, %dma_start3A_131] : memref<10240x128xf32, #tpu.memory_space<vmem_shared>> -> memref<32x128xf32, #tpu.memory_space<vmem_shared>>
      tpu.enqueue_dma source(%arg9 : memref<32x128xf32, #tpu.memory_space<vmem>>) target(%dma_start3A_132 : memref<32x128xf32, #tpu.memory_space<vmem_shared>>) target_semaphore(%run_scoped3A : memref<!tpu.dma_semaphore, #tpu.memory_space<semaphore_mem>>)
      %dma_wait3A = arith.constant 0 : i32
      %dma_wait3A_133 = tpu.memref_slice %arg8[%add3A_80, %dma_wait3A] : memref<10240x128xf32, #tpu.memory_space<vmem_shared>> -> memref<32x128xf32, #tpu.memory_space<vmem_shared>>
      %dma_wait3A_134 = arith.constant 0 : i32
      %dma_wait3A_135 = tpu.memref_slice %arg8[%add3A_80, %dma_wait3A_134] : memref<10240x128xf32, #tpu.memory_space<vmem_shared>> -> memref<32x128xf32, #tpu.memory_space<vmem_shared>>
      tpu.wait_dma2 semaphore(%run_scoped3A : memref<!tpu.dma_semaphore, #tpu.memory_space<semaphore_mem>>) src(%arg9 : memref<32x128xf32, #tpu.memory_space<vmem>>) dst(%dma_wait3A_135 : memref<32x128xf32, #tpu.memory_space<vmem_shared>>)
      tpu.yield
    }) : () -> ()
    %mul3A_81 = arith.constant 640 : i32
    %mul3A_82 = arith.muli %arg1, %mul3A_81 : i32
    %add3A_83 = arith.constant 608 : i32
    %add3A_84 = arith.addi %mul3A_82, %add3A_83 : i32
    "tpu.region"() ({
      %run_scoped3A = tpu.sem_alloc : memref<!tpu.dma_semaphore, #tpu.memory_space<semaphore_mem>>
      %dma_start3A_129 = arith.constant 0 : i32
      %dma_start3A_130 = tpu.memref_slice %arg8[%add3A_84, %dma_start3A_129] : memref<10240x128xf32, #tpu.memory_space<vmem_shared>> -> memref<32x128xf32, #tpu.memory_space<vmem_shared>>
      %dma_start3A_131 = arith.constant 0 : i32
      %dma_start3A_132 = tpu.memref_slice %arg8[%add3A_84, %dma_start3A_131] : memref<10240x128xf32, #tpu.memory_space<vmem_shared>> -> memref<32x128xf32, #tpu.memory_space<vmem_shared>>
      tpu.enqueue_dma source(%arg9 : memref<32x128xf32, #tpu.memory_space<vmem>>) target(%dma_start3A_132 : memref<32x128xf32, #tpu.memory_space<vmem_shared>>) target_semaphore(%run_scoped3A : memref<!tpu.dma_semaphore, #tpu.memory_space<semaphore_mem>>)
      %dma_wait3A = arith.constant 0 : i32
      %dma_wait3A_133 = tpu.memref_slice %arg8[%add3A_84, %dma_wait3A] : memref<10240x128xf32, #tpu.memory_space<vmem_shared>> -> memref<32x128xf32, #tpu.memory_space<vmem_shared>>
      %dma_wait3A_134 = arith.constant 0 : i32
      %dma_wait3A_135 = tpu.memref_slice %arg8[%add3A_84, %dma_wait3A_134] : memref<10240x128xf32, #tpu.memory_space<vmem_shared>> -> memref<32x128xf32, #tpu.memory_space<vmem_shared>>
      tpu.wait_dma2 semaphore(%run_scoped3A : memref<!tpu.dma_semaphore, #tpu.memory_space<semaphore_mem>>) src(%arg9 : memref<32x128xf32, #tpu.memory_space<vmem>>) dst(%dma_wait3A_135 : memref<32x128xf32, #tpu.memory_space<vmem_shared>>)
      tpu.yield
    }) : () -> ()
    %dma_start3A = arith.constant 0 : i32
    %dma_start3A_85 = arith.constant 0 : i32
    %dma_start3A_86 = tpu.memref_slice %arg6[%dma_start3A, %dma_start3A_85] : memref<315x32xi32, #tpu.memory_space<vmem>> -> memref<1x32xi32, #tpu.memory_space<vmem>>
    %dma_start3A_87 = tpu.memref_squeeze %dma_start3A_86 : memref<1x32xi32, #tpu.memory_space<vmem>> -> memref<32xi32, #tpu.memory_space<vmem>>
    %dma_start3A_88 = arith.constant 0 : i32
    %dma_start3A_89 = arith.constant 0 : i32
    %dma_start3A_90 = tpu.memref_slice %arg2[%dma_start3A_88, %dma_start3A_89] : memref<10000x128xf32, #tpu.memory_space<hbm>> -> memref<10000x128xf32, #tpu.memory_space<hbm>>
    tpu.enqueue_indirect_dma source(%dma_start3A_90 : memref<10000x128xf32, #tpu.memory_space<hbm>>) target(%arg9 : memref<32x128xf32, #tpu.memory_space<vmem>>) offsets(%dma_start3A_87 : memref<32xi32, #tpu.memory_space<vmem>>) semaphore(%arg14 : memref<!tpu.dma_semaphore, #tpu.memory_space<semaphore_mem>>)
    %dma_start3A_91 = arith.constant 1 : i32
    %dma_start3A_92 = arith.constant 0 : i32
    %dma_start3A_93 = tpu.memref_slice %arg6[%dma_start3A_91, %dma_start3A_92] : memref<315x32xi32, #tpu.memory_space<vmem>> -> memref<1x32xi32, #tpu.memory_space<vmem>>
    %dma_start3A_94 = tpu.memref_squeeze %dma_start3A_93 : memref<1x32xi32, #tpu.memory_space<vmem>> -> memref<32xi32, #tpu.memory_space<vmem>>
    %dma_start3A_95 = arith.constant 0 : i32
    %dma_start3A_96 = arith.constant 0 : i32
    %dma_start3A_97 = tpu.memref_slice %arg2[%dma_start3A_95, %dma_start3A_96] : memref<10000x128xf32, #tpu.memory_space<hbm>> -> memref<10000x128xf32, #tpu.memory_space<hbm>>
    tpu.enqueue_indirect_dma source(%dma_start3A_97 : memref<10000x128xf32, #tpu.memory_space<hbm>>) target(%arg10 : memref<32x128xf32, #tpu.memory_space<vmem>>) offsets(%dma_start3A_94 : memref<32xi32, #tpu.memory_space<vmem>>) semaphore(%arg15 : memref<!tpu.dma_semaphore, #tpu.memory_space<semaphore_mem>>)
    %dma_start3A_98 = arith.constant 2 : i32
    %dma_start3A_99 = arith.constant 0 : i32
    %dma_start3A_100 = tpu.memref_slice %arg6[%dma_start3A_98, %dma_start3A_99] : memref<315x32xi32, #tpu.memory_space<vmem>> -> memref<1x32xi32, #tpu.memory_space<vmem>>
    %dma_start3A_101 = tpu.memref_squeeze %dma_start3A_100 : memref<1x32xi32, #tpu.memory_space<vmem>> -> memref<32xi32, #tpu.memory_space<vmem>>
    %dma_start3A_102 = arith.constant 0 : i32
    %dma_start3A_103 = arith.constant 0 : i32
    %dma_start3A_104 = tpu.memref_slice %arg2[%dma_start3A_102, %dma_start3A_103] : memref<10000x128xf32, #tpu.memory_space<hbm>> -> memref<10000x128xf32, #tpu.memory_space<hbm>>
    tpu.enqueue_indirect_dma source(%dma_start3A_104 : memref<10000x128xf32, #tpu.memory_space<hbm>>) target(%arg11 : memref<32x128xf32, #tpu.memory_space<vmem>>) offsets(%dma_start3A_101 : memref<32xi32, #tpu.memory_space<vmem>>) semaphore(%arg16 : memref<!tpu.dma_semaphore, #tpu.memory_space<semaphore_mem>>)
    %dma_start3A_105 = arith.constant 3 : i32
    %dma_start3A_106 = arith.constant 0 : i32
    %dma_start3A_107 = tpu.memref_slice %arg6[%dma_start3A_105, %dma_start3A_106] : memref<315x32xi32, #tpu.memory_space<vmem>> -> memref<1x32xi32, #tpu.memory_space<vmem>>
    %dma_start3A_108 = tpu.memref_squeeze %dma_start3A_107 : memref<1x32xi32, #tpu.memory_space<vmem>> -> memref<32xi32, #tpu.memory_space<vmem>>
    %dma_start3A_109 = arith.constant 0 : i32
    %dma_start3A_110 = arith.constant 0 : i32
    %dma_start3A_111 = tpu.memref_slice %arg2[%dma_start3A_109, %dma_start3A_110] : memref<10000x128xf32, #tpu.memory_space<hbm>> -> memref<10000x128xf32, #tpu.memory_space<hbm>>
    tpu.enqueue_indirect_dma source(%dma_start3A_111 : memref<10000x128xf32, #tpu.memory_space<hbm>>) target(%arg12 : memref<32x128xf32, #tpu.memory_space<vmem>>) offsets(%dma_start3A_108 : memref<32xi32, #tpu.memory_space<vmem>>) semaphore(%arg17 : memref<!tpu.dma_semaphore, #tpu.memory_space<semaphore_mem>>)
    %dma_start3A_112 = arith.constant 4 : i32
    %dma_start3A_113 = arith.constant 0 : i32
    %dma_start3A_114 = tpu.memref_slice %arg6[%dma_start3A_112, %dma_start3A_113] : memref<315x32xi32, #tpu.memory_space<vmem>> -> memref<1x32xi32, #tpu.memory_space<vmem>>
    %dma_start3A_115 = tpu.memref_squeeze %dma_start3A_114 : memref<1x32xi32, #tpu.memory_space<vmem>> -> memref<32xi32, #tpu.memory_space<vmem>>
    %dma_start3A_116 = arith.constant 0 : i32
    %dma_start3A_117 = arith.constant 0 : i32
    %dma_start3A_118 = tpu.memref_slice %arg2[%dma_start3A_116, %dma_start3A_117] : memref<10000x128xf32, #tpu.memory_space<hbm>> -> memref<10000x128xf32, #tpu.memory_space<hbm>>
    tpu.enqueue_indirect_dma source(%dma_start3A_118 : memref<10000x128xf32, #tpu.memory_space<hbm>>) target(%arg13 : memref<32x128xf32, #tpu.memory_space<vmem>>) offsets(%dma_start3A_115 : memref<32xi32, #tpu.memory_space<vmem>>) semaphore(%arg18 : memref<!tpu.dma_semaphore, #tpu.memory_space<semaphore_mem>>)
    %barrier3A = arith.constant 0 : index
    tpu.barrier barrier_id(%barrier3A)
    %scan3A_119 = arith.constant 0 : i32
    %scan3A_120 = arith.constant 63 : i32
    %scan3A_121 = arith.addi %scan3A_119, %scan3A_120 : i32
    %scan3A_122 = arith.constant 1 : i32
    scf.for %scan3A_129 = %scan3A_119 to %scan3A_121 step %scan3A_122  : i32 {
      %mul3A_130 = arith.constant 1 : i32
      %mul3A_131 = arith.muli %scan3A_129, %mul3A_130 : i32
      %add3A_132 = arith.constant 0 : i32
      %add3A_133 = arith.addi %add3A_132, %mul3A_131 : i32
      %mul3A_134 = arith.constant 5 : i32
      %mul3A_135 = arith.muli %add3A_133, %mul3A_134 : i32
      %add3A_136 = arith.constant 0 : i32
      %add3A_137 = arith.addi %mul3A_135, %add3A_136 : i32
      %dma_wait3A = arith.constant 0 : i32
      %dma_wait3A_138 = tpu.memref_slice %arg6[%add3A_137, %dma_wait3A] : memref<315x32xi32, #tpu.memory_space<vmem>> -> memref<1x32xi32, #tpu.memory_space<vmem>>
      %dma_wait3A_139 = tpu.memref_squeeze %dma_wait3A_138 : memref<1x32xi32, #tpu.memory_space<vmem>> -> memref<32xi32, #tpu.memory_space<vmem>>
      %dma_wait3A_140 = arith.constant 0 : i32
      %dma_wait3A_141 = arith.constant 0 : i32
      %dma_wait3A_142 = tpu.memref_slice %arg2[%dma_wait3A_140, %dma_wait3A_141] : memref<10000x128xf32, #tpu.memory_space<hbm>> -> memref<10000x128xf32, #tpu.memory_space<hbm>>
      tpu.wait_indirect_dma semaphore(%arg14 : memref<!tpu.dma_semaphore, #tpu.memory_space<semaphore_mem>>) src(%dma_wait3A_142 : memref<10000x128xf32, #tpu.memory_space<hbm>>) dst(%arg9 : memref<32x128xf32, #tpu.memory_space<vmem>>)
      %dma_start3A_143 = arith.constant 0 : i32
      %dma_start3A_144 = tpu.memref_slice %arg7[%add3A_137, %dma_start3A_143] : memref<315x32xi32, #tpu.memory_space<vmem>> -> memref<1x32xi32, #tpu.memory_space<vmem>>
      %dma_start3A_145 = tpu.memref_squeeze %dma_start3A_144 : memref<1x32xi32, #tpu.memory_space<vmem>> -> memref<32xi32, #tpu.memory_space<vmem>>
      %dma_start3A_146 = arith.constant 0 : i32
      %dma_start3A_147 = arith.constant 0 : i32
      %dma_start3A_148 = tpu.memref_slice %arg8[%dma_start3A_146, %dma_start3A_147] : memref<10240x128xf32, #tpu.memory_space<vmem_shared>> -> memref<10240x128xf32, #tpu.memory_space<vmem_shared>>
      tpu.enqueue_indirect_dma source(%arg9 : memref<32x128xf32, #tpu.memory_space<vmem>>) target(%dma_start3A_148 : memref<10240x128xf32, #tpu.memory_space<vmem_shared>>) offsets(%dma_start3A_145 : memref<32xi32, #tpu.memory_space<vmem>>) semaphore(%arg19 : memref<!tpu.dma_semaphore, #tpu.memory_space<semaphore_mem>>) {add = true}
      %mul3A_149 = arith.constant 5 : i32
      %mul3A_150 = arith.muli %add3A_133, %mul3A_149 : i32
      %add3A_151 = arith.constant 1 : i32
      %add3A_152 = arith.addi %mul3A_150, %add3A_151 : i32
      %dma_wait3A_153 = arith.constant 0 : i32
      %dma_wait3A_154 = tpu.memref_slice %arg6[%add3A_152, %dma_wait3A_153] : memref<315x32xi32, #tpu.memory_space<vmem>> -> memref<1x32xi32, #tpu.memory_space<vmem>>
      %dma_wait3A_155 = tpu.memref_squeeze %dma_wait3A_154 : memref<1x32xi32, #tpu.memory_space<vmem>> -> memref<32xi32, #tpu.memory_space<vmem>>
      %dma_wait3A_156 = arith.constant 0 : i32
      %dma_wait3A_157 = arith.constant 0 : i32
      %dma_wait3A_158 = tpu.memref_slice %arg2[%dma_wait3A_156, %dma_wait3A_157] : memref<10000x128xf32, #tpu.memory_space<hbm>> -> memref<10000x128xf32, #tpu.memory_space<hbm>>
      tpu.wait_indirect_dma semaphore(%arg15 : memref<!tpu.dma_semaphore, #tpu.memory_space<semaphore_mem>>) src(%dma_wait3A_158 : memref<10000x128xf32, #tpu.memory_space<hbm>>) dst(%arg10 : memref<32x128xf32, #tpu.memory_space<vmem>>)
      %dma_start3A_159 = arith.constant 0 : i32
      %dma_start3A_160 = tpu.memref_slice %arg7[%add3A_152, %dma_start3A_159] : memref<315x32xi32, #tpu.memory_space<vmem>> -> memref<1x32xi32, #tpu.memory_space<vmem>>
      %dma_start3A_161 = tpu.memref_squeeze %dma_start3A_160 : memref<1x32xi32, #tpu.memory_space<vmem>> -> memref<32xi32, #tpu.memory_space<vmem>>
      %dma_start3A_162 = arith.constant 0 : i32
      %dma_start3A_163 = arith.constant 0 : i32
      %dma_start3A_164 = tpu.memref_slice %arg8[%dma_start3A_162, %dma_start3A_163] : memref<10240x128xf32, #tpu.memory_space<vmem_shared>> -> memref<10240x128xf32, #tpu.memory_space<vmem_shared>>
      tpu.enqueue_indirect_dma source(%arg10 : memref<32x128xf32, #tpu.memory_space<vmem>>) target(%dma_start3A_164 : memref<10240x128xf32, #tpu.memory_space<vmem_shared>>) offsets(%dma_start3A_161 : memref<32xi32, #tpu.memory_space<vmem>>) semaphore(%arg20 : memref<!tpu.dma_semaphore, #tpu.memory_space<semaphore_mem>>) {add = true}
      %mul3A_165 = arith.constant 5 : i32
      %mul3A_166 = arith.muli %add3A_133, %mul3A_165 : i32
      %add3A_167 = arith.constant 2 : i32
      %add3A_168 = arith.addi %mul3A_166, %add3A_167 : i32
      %dma_wait3A_169 = arith.constant 0 : i32
      %dma_wait3A_170 = tpu.memref_slice %arg6[%add3A_168, %dma_wait3A_169] : memref<315x32xi32, #tpu.memory_space<vmem>> -> memref<1x32xi32, #tpu.memory_space<vmem>>
      %dma_wait3A_171 = tpu.memref_squeeze %dma_wait3A_170 : memref<1x32xi32, #tpu.memory_space<vmem>> -> memref<32xi32, #tpu.memory_space<vmem>>
      %dma_wait3A_172 = arith.constant 0 : i32
      %dma_wait3A_173 = arith.constant 0 : i32
      %dma_wait3A_174 = tpu.memref_slice %arg2[%dma_wait3A_172, %dma_wait3A_173] : memref<10000x128xf32, #tpu.memory_space<hbm>> -> memref<10000x128xf32, #tpu.memory_space<hbm>>
      tpu.wait_indirect_dma semaphore(%arg16 : memref<!tpu.dma_semaphore, #tpu.memory_space<semaphore_mem>>) src(%dma_wait3A_174 : memref<10000x128xf32, #tpu.memory_space<hbm>>) dst(%arg11 : memref<32x128xf32, #tpu.memory_space<vmem>>)
      %dma_start3A_175 = arith.constant 0 : i32
      %dma_start3A_176 = tpu.memref_slice %arg7[%add3A_168, %dma_start3A_175] : memref<315x32xi32, #tpu.memory_space<vmem>> -> memref<1x32xi32, #tpu.memory_space<vmem>>
      %dma_start3A_177 = tpu.memref_squeeze %dma_start3A_176 : memref<1x32xi32, #tpu.memory_space<vmem>> -> memref<32xi32, #tpu.memory_space<vmem>>
      %dma_start3A_178 = arith.constant 0 : i32
      %dma_start3A_179 = arith.constant 0 : i32
      %dma_start3A_180 = tpu.memref_slice %arg8[%dma_start3A_178, %dma_start3A_179] : memref<10240x128xf32, #tpu.memory_space<vmem_shared>> -> memref<10240x128xf32, #tpu.memory_space<vmem_shared>>
      tpu.enqueue_indirect_dma source(%arg11 : memref<32x128xf32, #tpu.memory_space<vmem>>) target(%dma_start3A_180 : memref<10240x128xf32, #tpu.memory_space<vmem_shared>>) offsets(%dma_start3A_177 : memref<32xi32, #tpu.memory_space<vmem>>) semaphore(%arg21 : memref<!tpu.dma_semaphore, #tpu.memory_space<semaphore_mem>>) {add = true}
      %mul3A_181 = arith.constant 5 : i32
      %mul3A_182 = arith.muli %add3A_133, %mul3A_181 : i32
      %add3A_183 = arith.constant 3 : i32
      %add3A_184 = arith.addi %mul3A_182, %add3A_183 : i32
      %dma_wait3A_185 = arith.constant 0 : i32
      %dma_wait3A_186 = tpu.memref_slice %arg6[%add3A_184, %dma_wait3A_185] : memref<315x32xi32, #tpu.memory_space<vmem>> -> memref<1x32xi32, #tpu.memory_space<vmem>>
      %dma_wait3A_187 = tpu.memref_squeeze %dma_wait3A_186 : memref<1x32xi32, #tpu.memory_space<vmem>> -> memref<32xi32, #tpu.memory_space<vmem>>
      %dma_wait3A_188 = arith.constant 0 : i32
      %dma_wait3A_189 = arith.constant 0 : i32
      %dma_wait3A_190 = tpu.memref_slice %arg2[%dma_wait3A_188, %dma_wait3A_189] : memref<10000x128xf32, #tpu.memory_space<hbm>> -> memref<10000x128xf32, #tpu.memory_space<hbm>>
      tpu.wait_indirect_dma semaphore(%arg17 : memref<!tpu.dma_semaphore, #tpu.memory_space<semaphore_mem>>) src(%dma_wait3A_190 : memref<10000x128xf32, #tpu.memory_space<hbm>>) dst(%arg12 : memref<32x128xf32, #tpu.memory_space<vmem>>)
      %dma_start3A_191 = arith.constant 0 : i32
      %dma_start3A_192 = tpu.memref_slice %arg7[%add3A_184, %dma_start3A_191] : memref<315x32xi32, #tpu.memory_space<vmem>> -> memref<1x32xi32, #tpu.memory_space<vmem>>
      %dma_start3A_193 = tpu.memref_squeeze %dma_start3A_192 : memref<1x32xi32, #tpu.memory_space<vmem>> -> memref<32xi32, #tpu.memory_space<vmem>>
      %dma_start3A_194 = arith.constant 0 : i32
      %dma_start3A_195 = arith.constant 0 : i32
      %dma_start3A_196 = tpu.memref_slice %arg8[%dma_start3A_194, %dma_start3A_195] : memref<10240x128xf32, #tpu.memory_space<vmem_shared>> -> memref<10240x128xf32, #tpu.memory_space<vmem_shared>>
      tpu.enqueue_indirect_dma source(%arg12 : memref<32x128xf32, #tpu.memory_space<vmem>>) target(%dma_start3A_196 : memref<10240x128xf32, #tpu.memory_space<vmem_shared>>) offsets(%dma_start3A_193 : memref<32xi32, #tpu.memory_space<vmem>>) semaphore(%arg22 : memref<!tpu.dma_semaphore, #tpu.memory_space<semaphore_mem>>) {add = true}
      %mul3A_197 = arith.constant 5 : i32
      %mul3A_198 = arith.muli %add3A_133, %mul3A_197 : i32
      %add3A_199 = arith.constant 4 : i32
      %add3A_200 = arith.addi %mul3A_198, %add3A_199 : i32
      %dma_wait3A_201 = arith.constant 0 : i32
      %dma_wait3A_202 = tpu.memref_slice %arg6[%add3A_200, %dma_wait3A_201] : memref<315x32xi32, #tpu.memory_space<vmem>> -> memref<1x32xi32, #tpu.memory_space<vmem>>
      %dma_wait3A_203 = tpu.memref_squeeze %dma_wait3A_202 : memref<1x32xi32, #tpu.memory_space<vmem>> -> memref<32xi32, #tpu.memory_space<vmem>>
      %dma_wait3A_204 = arith.constant 0 : i32
      %dma_wait3A_205 = arith.constant 0 : i32
      %dma_wait3A_206 = tpu.memref_slice %arg2[%dma_wait3A_204, %dma_wait3A_205] : memref<10000x128xf32, #tpu.memory_space<hbm>> -> memref<10000x128xf32, #tpu.memory_space<hbm>>
      tpu.wait_indirect_dma semaphore(%arg18 : memref<!tpu.dma_semaphore, #tpu.memory_space<semaphore_mem>>) src(%dma_wait3A_206 : memref<10000x128xf32, #tpu.memory_space<hbm>>) dst(%arg13 : memref<32x128xf32, #tpu.memory_space<vmem>>)
      %dma_start3A_207 = arith.constant 0 : i32
      %dma_start3A_208 = tpu.memref_slice %arg7[%add3A_200, %dma_start3A_207] : memref<315x32xi32, #tpu.memory_space<vmem>> -> memref<1x32xi32, #tpu.memory_space<vmem>>
      %dma_start3A_209 = tpu.memref_squeeze %dma_start3A_208 : memref<1x32xi32, #tpu.memory_space<vmem>> -> memref<32xi32, #tpu.memory_space<vmem>>
      %dma_start3A_210 = arith.constant 0 : i32
      %dma_start3A_211 = arith.constant 0 : i32
      %dma_start3A_212 = tpu.memref_slice %arg8[%dma_start3A_210, %dma_start3A_211] : memref<10240x128xf32, #tpu.memory_space<vmem_shared>> -> memref<10240x128xf32, #tpu.memory_space<vmem_shared>>
      tpu.enqueue_indirect_dma source(%arg13 : memref<32x128xf32, #tpu.memory_space<vmem>>) target(%dma_start3A_212 : memref<10240x128xf32, #tpu.memory_space<vmem_shared>>) offsets(%dma_start3A_209 : memref<32xi32, #tpu.memory_space<vmem>>) semaphore(%arg23 : memref<!tpu.dma_semaphore, #tpu.memory_space<semaphore_mem>>) {add = true}
      %mul3A_213 = arith.constant 5 : i32
      %mul3A_214 = arith.muli %add3A_133, %mul3A_213 : i32
      %add3A_215 = arith.constant 0 : i32
      %add3A_216 = arith.addi %mul3A_214, %add3A_215 : i32
      %dma_wait3A_217 = arith.constant 0 : i32
      %dma_wait3A_218 = tpu.memref_slice %arg7[%add3A_216, %dma_wait3A_217] : memref<315x32xi32, #tpu.memory_space<vmem>> -> memref<1x32xi32, #tpu.memory_space<vmem>>
      %dma_wait3A_219 = tpu.memref_squeeze %dma_wait3A_218 : memref<1x32xi32, #tpu.memory_space<vmem>> -> memref<32xi32, #tpu.memory_space<vmem>>
      %dma_wait3A_220 = arith.constant 0 : i32
      %dma_wait3A_221 = arith.constant 0 : i32
      %dma_wait3A_222 = tpu.memref_slice %arg8[%dma_wait3A_220, %dma_wait3A_221] : memref<10240x128xf32, #tpu.memory_space<vmem_shared>> -> memref<10240x128xf32, #tpu.memory_space<vmem_shared>>
      tpu.wait_indirect_dma semaphore(%arg19 : memref<!tpu.dma_semaphore, #tpu.memory_space<semaphore_mem>>) src(%arg9 : memref<32x128xf32, #tpu.memory_space<vmem>>) dst(%dma_wait3A_222 : memref<10240x128xf32, #tpu.memory_space<vmem_shared>>)
      %add3A_223 = arith.constant 5 : i32
      %add3A_224 = arith.addi %add3A_216, %add3A_223 : i32
      %lt3A = arith.constant 315 : i32
      %lt3A_225 = arith.cmpi slt, %add3A_224, %lt3A : i32
      %convert_element_type3A = arith.extui %lt3A_225 : i1 to i32
      %cond3A = arith.constant 0 : i32
      %cond3A_226 = arith.cmpi ne, %convert_element_type3A, %cond3A : i32
      scf.if %cond3A_226 {
        %add3A_295 = arith.constant 5 : i32
        %add3A_296 = arith.addi %add3A_216, %add3A_295 : i32
        %dma_start3A_297 = arith.constant 0 : i32
        %dma_start3A_298 = tpu.memref_slice %arg6[%add3A_296, %dma_start3A_297] : memref<315x32xi32, #tpu.memory_space<vmem>> -> memref<1x32xi32, #tpu.memory_space<vmem>>
        %dma_start3A_299 = tpu.memref_squeeze %dma_start3A_298 : memref<1x32xi32, #tpu.memory_space<vmem>> -> memref<32xi32, #tpu.memory_space<vmem>>
        %dma_start3A_300 = arith.constant 0 : i32
        %dma_start3A_301 = arith.constant 0 : i32
        %dma_start3A_302 = tpu.memref_slice %arg2[%dma_start3A_300, %dma_start3A_301] : memref<10000x128xf32, #tpu.memory_space<hbm>> -> memref<10000x128xf32, #tpu.memory_space<hbm>>
        tpu.enqueue_indirect_dma source(%dma_start3A_302 : memref<10000x128xf32, #tpu.memory_space<hbm>>) target(%arg9 : memref<32x128xf32, #tpu.memory_space<vmem>>) offsets(%dma_start3A_299 : memref<32xi32, #tpu.memory_space<vmem>>) semaphore(%arg14 : memref<!tpu.dma_semaphore, #tpu.memory_space<semaphore_mem>>)
      } else {
      }
      %mul3A_227 = arith.constant 5 : i32
      %mul3A_228 = arith.muli %add3A_133, %mul3A_227 : i32
      %add3A_229 = arith.constant 1 : i32
      %add3A_230 = arith.addi %mul3A_228, %add3A_229 : i32
      %dma_wait3A_231 = arith.constant 0 : i32
      %dma_wait3A_232 = tpu.memref_slice %arg7[%add3A_230, %dma_wait3A_231] : memref<315x32xi32, #tpu.memory_space<vmem>> -> memref<1x32xi32, #tpu.memory_space<vmem>>
      %dma_wait3A_233 = tpu.memref_squeeze %dma_wait3A_232 : memref<1x32xi32, #tpu.memory_space<vmem>> -> memref<32xi32, #tpu.memory_space<vmem>>
      %dma_wait3A_234 = arith.constant 0 : i32
      %dma_wait3A_235 = arith.constant 0 : i32
      %dma_wait3A_236 = tpu.memref_slice %arg8[%dma_wait3A_234, %dma_wait3A_235] : memref<10240x128xf32, #tpu.memory_space<vmem_shared>> -> memref<10240x128xf32, #tpu.memory_space<vmem_shared>>
      tpu.wait_indirect_dma semaphore(%arg20 : memref<!tpu.dma_semaphore, #tpu.memory_space<semaphore_mem>>) src(%arg10 : memref<32x128xf32, #tpu.memory_space<vmem>>) dst(%dma_wait3A_236 : memref<10240x128xf32, #tpu.memory_space<vmem_shared>>)
      %add3A_237 = arith.constant 5 : i32
      %add3A_238 = arith.addi %add3A_230, %add3A_237 : i32
      %lt3A_239 = arith.constant 315 : i32
      %lt3A_240 = arith.cmpi slt, %add3A_238, %lt3A_239 : i32
      %convert_element_type3A_241 = arith.extui %lt3A_240 : i1 to i32
      %cond3A_242 = arith.constant 0 : i32
      %cond3A_243 = arith.cmpi ne, %convert_element_type3A_241, %cond3A_242 : i32
      scf.if %cond3A_243 {
        %add3A_295 = arith.constant 5 : i32
        %add3A_296 = arith.addi %add3A_230, %add3A_295 : i32
        %dma_start3A_297 = arith.constant 0 : i32
        %dma_start3A_298 = tpu.memref_slice %arg6[%add3A_296, %dma_start3A_297] : memref<315x32xi32, #tpu.memory_space<vmem>> -> memref<1x32xi32, #tpu.memory_space<vmem>>
        %dma_start3A_299 = tpu.memref_squeeze %dma_start3A_298 : memref<1x32xi32, #tpu.memory_space<vmem>> -> memref<32xi32, #tpu.memory_space<vmem>>
        %dma_start3A_300 = arith.constant 0 : i32
        %dma_start3A_301 = arith.constant 0 : i32
        %dma_start3A_302 = tpu.memref_slice %arg2[%dma_start3A_300, %dma_start3A_301] : memref<10000x128xf32, #tpu.memory_space<hbm>> -> memref<10000x128xf32, #tpu.memory_space<hbm>>
        tpu.enqueue_indirect_dma source(%dma_start3A_302 : memref<10000x128xf32, #tpu.memory_space<hbm>>) target(%arg10 : memref<32x128xf32, #tpu.memory_space<vmem>>) offsets(%dma_start3A_299 : memref<32xi32, #tpu.memory_space<vmem>>) semaphore(%arg15 : memref<!tpu.dma_semaphore, #tpu.memory_space<semaphore_mem>>)
      } else {
      }
      %mul3A_244 = arith.constant 5 : i32
      %mul3A_245 = arith.muli %add3A_133, %mul3A_244 : i32
      %add3A_246 = arith.constant 2 : i32
      %add3A_247 = arith.addi %mul3A_245, %add3A_246 : i32
      %dma_wait3A_248 = arith.constant 0 : i32
      %dma_wait3A_249 = tpu.memref_slice %arg7[%add3A_247, %dma_wait3A_248] : memref<315x32xi32, #tpu.memory_space<vmem>> -> memref<1x32xi32, #tpu.memory_space<vmem>>
      %dma_wait3A_250 = tpu.memref_squeeze %dma_wait3A_249 : memref<1x32xi32, #tpu.memory_space<vmem>> -> memref<32xi32, #tpu.memory_space<vmem>>
      %dma_wait3A_251 = arith.constant 0 : i32
      %dma_wait3A_252 = arith.constant 0 : i32
      %dma_wait3A_253 = tpu.memref_slice %arg8[%dma_wait3A_251, %dma_wait3A_252] : memref<10240x128xf32, #tpu.memory_space<vmem_shared>> -> memref<10240x128xf32, #tpu.memory_space<vmem_shared>>
      tpu.wait_indirect_dma semaphore(%arg21 : memref<!tpu.dma_semaphore, #tpu.memory_space<semaphore_mem>>) src(%arg11 : memref<32x128xf32, #tpu.memory_space<vmem>>) dst(%dma_wait3A_253 : memref<10240x128xf32, #tpu.memory_space<vmem_shared>>)
      %add3A_254 = arith.constant 5 : i32
      %add3A_255 = arith.addi %add3A_247, %add3A_254 : i32
      %lt3A_256 = arith.constant 315 : i32
      %lt3A_257 = arith.cmpi slt, %add3A_255, %lt3A_256 : i32
      %convert_element_type3A_258 = arith.extui %lt3A_257 : i1 to i32
      %cond3A_259 = arith.constant 0 : i32
      %cond3A_260 = arith.cmpi ne, %convert_element_type3A_258, %cond3A_259 : i32
      scf.if %cond3A_260 {
        %add3A_295 = arith.constant 5 : i32
        %add3A_296 = arith.addi %add3A_247, %add3A_295 : i32
        %dma_start3A_297 = arith.constant 0 : i32
        %dma_start3A_298 = tpu.memref_slice %arg6[%add3A_296, %dma_start3A_297] : memref<315x32xi32, #tpu.memory_space<vmem>> -> memref<1x32xi32, #tpu.memory_space<vmem>>
        %dma_start3A_299 = tpu.memref_squeeze %dma_start3A_298 : memref<1x32xi32, #tpu.memory_space<vmem>> -> memref<32xi32, #tpu.memory_space<vmem>>
        %dma_start3A_300 = arith.constant 0 : i32
        %dma_start3A_301 = arith.constant 0 : i32
        %dma_start3A_302 = tpu.memref_slice %arg2[%dma_start3A_300, %dma_start3A_301] : memref<10000x128xf32, #tpu.memory_space<hbm>> -> memref<10000x128xf32, #tpu.memory_space<hbm>>
        tpu.enqueue_indirect_dma source(%dma_start3A_302 : memref<10000x128xf32, #tpu.memory_space<hbm>>) target(%arg11 : memref<32x128xf32, #tpu.memory_space<vmem>>) offsets(%dma_start3A_299 : memref<32xi32, #tpu.memory_space<vmem>>) semaphore(%arg16 : memref<!tpu.dma_semaphore, #tpu.memory_space<semaphore_mem>>)
      } else {
      }
      %mul3A_261 = arith.constant 5 : i32
      %mul3A_262 = arith.muli %add3A_133, %mul3A_261 : i32
      %add3A_263 = arith.constant 3 : i32
      %add3A_264 = arith.addi %mul3A_262, %add3A_263 : i32
      %dma_wait3A_265 = arith.constant 0 : i32
      %dma_wait3A_266 = tpu.memref_slice %arg7[%add3A_264, %dma_wait3A_265] : memref<315x32xi32, #tpu.memory_space<vmem>> -> memref<1x32xi32, #tpu.memory_space<vmem>>
      %dma_wait3A_267 = tpu.memref_squeeze %dma_wait3A_266 : memref<1x32xi32, #tpu.memory_space<vmem>> -> memref<32xi32, #tpu.memory_space<vmem>>
      %dma_wait3A_268 = arith.constant 0 : i32
      %dma_wait3A_269 = arith.constant 0 : i32
      %dma_wait3A_270 = tpu.memref_slice %arg8[%dma_wait3A_268, %dma_wait3A_269] : memref<10240x128xf32, #tpu.memory_space<vmem_shared>> -> memref<10240x128xf32, #tpu.memory_space<vmem_shared>>
      tpu.wait_indirect_dma semaphore(%arg22 : memref<!tpu.dma_semaphore, #tpu.memory_space<semaphore_mem>>) src(%arg12 : memref<32x128xf32, #tpu.memory_space<vmem>>) dst(%dma_wait3A_270 : memref<10240x128xf32, #tpu.memory_space<vmem_shared>>)
      %add3A_271 = arith.constant 5 : i32
      %add3A_272 = arith.addi %add3A_264, %add3A_271 : i32
      %lt3A_273 = arith.constant 315 : i32
      %lt3A_274 = arith.cmpi slt, %add3A_272, %lt3A_273 : i32
      %convert_element_type3A_275 = arith.extui %lt3A_274 : i1 to i32
      %cond3A_276 = arith.constant 0 : i32
      %cond3A_277 = arith.cmpi ne, %convert_element_type3A_275, %cond3A_276 : i32
      scf.if %cond3A_277 {
        %add3A_295 = arith.constant 5 : i32
        %add3A_296 = arith.addi %add3A_264, %add3A_295 : i32
        %dma_start3A_297 = arith.constant 0 : i32
        %dma_start3A_298 = tpu.memref_slice %arg6[%add3A_296, %dma_start3A_297] : memref<315x32xi32, #tpu.memory_space<vmem>> -> memref<1x32xi32, #tpu.memory_space<vmem>>
        %dma_start3A_299 = tpu.memref_squeeze %dma_start3A_298 : memref<1x32xi32, #tpu.memory_space<vmem>> -> memref<32xi32, #tpu.memory_space<vmem>>
        %dma_start3A_300 = arith.constant 0 : i32
        %dma_start3A_301 = arith.constant 0 : i32
        %dma_start3A_302 = tpu.memref_slice %arg2[%dma_start3A_300, %dma_start3A_301] : memref<10000x128xf32, #tpu.memory_space<hbm>> -> memref<10000x128xf32, #tpu.memory_space<hbm>>
        tpu.enqueue_indirect_dma source(%dma_start3A_302 : memref<10000x128xf32, #tpu.memory_space<hbm>>) target(%arg12 : memref<32x128xf32, #tpu.memory_space<vmem>>) offsets(%dma_start3A_299 : memref<32xi32, #tpu.memory_space<vmem>>) semaphore(%arg17 : memref<!tpu.dma_semaphore, #tpu.memory_space<semaphore_mem>>)
      } else {
      }
      %mul3A_278 = arith.constant 5 : i32
      %mul3A_279 = arith.muli %add3A_133, %mul3A_278 : i32
      %add3A_280 = arith.constant 4 : i32
      %add3A_281 = arith.addi %mul3A_279, %add3A_280 : i32
      %dma_wait3A_282 = arith.constant 0 : i32
      %dma_wait3A_283 = tpu.memref_slice %arg7[%add3A_281, %dma_wait3A_282] : memref<315x32xi32, #tpu.memory_space<vmem>> -> memref<1x32xi32, #tpu.memory_space<vmem>>
      %dma_wait3A_284 = tpu.memref_squeeze %dma_wait3A_283 : memref<1x32xi32, #tpu.memory_space<vmem>> -> memref<32xi32, #tpu.memory_space<vmem>>
      %dma_wait3A_285 = arith.constant 0 : i32
      %dma_wait3A_286 = arith.constant 0 : i32
      %dma_wait3A_287 = tpu.memref_slice %arg8[%dma_wait3A_285, %dma_wait3A_286] : memref<10240x128xf32, #tpu.memory_space<vmem_shared>> -> memref<10240x128xf32, #tpu.memory_space<vmem_shared>>
      tpu.wait_indirect_dma semaphore(%arg23 : memref<!tpu.dma_semaphore, #tpu.memory_space<semaphore_mem>>) src(%arg13 : memref<32x128xf32, #tpu.memory_space<vmem>>) dst(%dma_wait3A_287 : memref<10240x128xf32, #tpu.memory_space<vmem_shared>>)
      %add3A_288 = arith.constant 5 : i32
      %add3A_289 = arith.addi %add3A_281, %add3A_288 : i32
      %lt3A_290 = arith.constant 315 : i32
      %lt3A_291 = arith.cmpi slt, %add3A_289, %lt3A_290 : i32
      %convert_element_type3A_292 = arith.extui %lt3A_291 : i1 to i32
      %cond3A_293 = arith.constant 0 : i32
      %cond3A_294 = arith.cmpi ne, %convert_element_type3A_292, %cond3A_293 : i32
      scf.if %cond3A_294 {
        %add3A_295 = arith.constant 5 : i32
        %add3A_296 = arith.addi %add3A_281, %add3A_295 : i32
        %dma_start3A_297 = arith.constant 0 : i32
        %dma_start3A_298 = tpu.memref_slice %arg6[%add3A_296, %dma_start3A_297] : memref<315x32xi32, #tpu.memory_space<vmem>> -> memref<1x32xi32, #tpu.memory_space<vmem>>
        %dma_start3A_299 = tpu.memref_squeeze %dma_start3A_298 : memref<1x32xi32, #tpu.memory_space<vmem>> -> memref<32xi32, #tpu.memory_space<vmem>>
        %dma_start3A_300 = arith.constant 0 : i32
        %dma_start3A_301 = arith.constant 0 : i32
        %dma_start3A_302 = tpu.memref_slice %arg2[%dma_start3A_300, %dma_start3A_301] : memref<10000x128xf32, #tpu.memory_space<hbm>> -> memref<10000x128xf32, #tpu.memory_space<hbm>>
        tpu.enqueue_indirect_dma source(%dma_start3A_302 : memref<10000x128xf32, #tpu.memory_space<hbm>>) target(%arg13 : memref<32x128xf32, #tpu.memory_space<vmem>>) offsets(%dma_start3A_299 : memref<32xi32, #tpu.memory_space<vmem>>) semaphore(%arg18 : memref<!tpu.dma_semaphore, #tpu.memory_space<semaphore_mem>>)
      } else {
      }
    }
    %scan3A_123 = arith.constant 63 : i32
    %barrier3A_124 = arith.constant 0 : index
    tpu.barrier barrier_id(%barrier3A_124)
    %mul3A_125 = arith.constant 640 : i32
    %mul3A_126 = arith.muli %arg1, %mul3A_125 : i32
    %mul3A_127 = arith.constant 640 : i32
    %mul3A_128 = arith.muli %arg1, %mul3A_127 : i32
    "tpu.region"() ({
      %run_scoped3A = tpu.sem_alloc : memref<!tpu.dma_semaphore, #tpu.memory_space<semaphore_mem>>
      %dma_start3A_129 = arith.constant 0 : i32
      %dma_start3A_130 = tpu.memref_slice %arg5[%arg0, %mul3A_128, %dma_start3A_129] : memref<2x10240x128xf32, #tpu.memory_space<hbm>> -> memref<1x640x128xf32, #tpu.memory_space<hbm>>
      %dma_start3A_131 = tpu.memref_squeeze %dma_start3A_130 : memref<1x640x128xf32, #tpu.memory_space<hbm>> -> memref<640x128xf32, #tpu.memory_space<hbm>>
      %dma_start3A_132 = arith.constant 0 : i32
      %dma_start3A_133 = tpu.memref_slice %arg8[%mul3A_126, %dma_start3A_132] : memref<10240x128xf32, #tpu.memory_space<vmem_shared>> -> memref<640x128xf32, #tpu.memory_space<vmem_shared>>
      tpu.enqueue_dma source(%dma_start3A_133 : memref<640x128xf32, #tpu.memory_space<vmem_shared>>) target(%dma_start3A_131 : memref<640x128xf32, #tpu.memory_space<hbm>>) target_semaphore(%run_scoped3A : memref<!tpu.dma_semaphore, #tpu.memory_space<semaphore_mem>>)
      %dma_wait3A = arith.constant 0 : i32
      %dma_wait3A_134 = tpu.memref_slice %arg5[%arg0, %mul3A_128, %dma_wait3A] : memref<2x10240x128xf32, #tpu.memory_space<hbm>> -> memref<1x640x128xf32, #tpu.memory_space<hbm>>
      %dma_wait3A_135 = tpu.memref_squeeze %dma_wait3A_134 : memref<1x640x128xf32, #tpu.memory_space<hbm>> -> memref<640x128xf32, #tpu.memory_space<hbm>>
      %dma_wait3A_136 = arith.constant 0 : i32
      %dma_wait3A_137 = tpu.memref_slice %arg8[%mul3A_126, %dma_wait3A_136] : memref<10240x128xf32, #tpu.memory_space<vmem_shared>> -> memref<640x128xf32, #tpu.memory_space<vmem_shared>>
      tpu.wait_dma2 semaphore(%run_scoped3A : memref<!tpu.dma_semaphore, #tpu.memory_space<semaphore_mem>>) src(%dma_wait3A_137 : memref<640x128xf32, #tpu.memory_space<vmem_shared>>) dst(%dma_wait3A_135 : memref<640x128xf32, #tpu.memory_space<hbm>>)
      tpu.yield
    }) : () -> ()
    return
  }
}

#map = affine_map<(d0, d1) -> (0, 0, 0)>
#map1 = affine_map<(d0, d1) -> (0, 0)>
module attributes {stable_mosaic.version = 14 : i64} {
  func.func @deg_kernel(%arg0: i32, %arg1: i32, %arg2: memref<32x315x32xi32, #tpu.memory_space<hbm>>, %arg3: memref<2x10240xf32, #tpu.memory_space<hbm>>, %arg4: memref<315x32xi32, #tpu.memory_space<vmem>>, %arg5: memref<32xf32, #tpu.memory_space<vmem>>, %arg6: memref<32xf32, #tpu.memory_space<vmem>>, %arg7: memref<10240xf32, #tpu.memory_space<vmem_shared>>, %arg8: memref<!tpu.dma_semaphore, #tpu.memory_space<semaphore_mem>>) attributes {dimension_semantics = [#tpu.dimension_semantics<core_parallel>, #tpu.dimension_semantics<subcore_parallel>], iteration_bounds = array<i64: 2, 16>, scalar_prefetch = 0 : i64, scratch_operands = 5 : i64, tpu.core_type = #tpu.core_type<sc_vector_subcore>, window_params = [{transform_indices = #map}, {transform_indices = #map1}]} {
    %mul3A = arith.constant 16 : i32
    %mul3A_0 = arith.muli %arg0, %mul3A : i32
    %add3A = arith.addi %mul3A_0, %arg1 : i32
    "tpu.region"() ({
      %run_scoped3A = tpu.sem_alloc : memref<!tpu.dma_semaphore, #tpu.memory_space<semaphore_mem>>
      %dma_start3A = arith.constant 0 : i32
      %dma_start3A_105 = arith.constant 0 : i32
      %dma_start3A_106 = tpu.memref_slice %arg2[%add3A, %dma_start3A, %dma_start3A_105] : memref<32x315x32xi32, #tpu.memory_space<hbm>> -> memref<1x315x32xi32, #tpu.memory_space<hbm>>
      %dma_start3A_107 = tpu.memref_squeeze %dma_start3A_106 : memref<1x315x32xi32, #tpu.memory_space<hbm>> -> memref<315x32xi32, #tpu.memory_space<hbm>>
      %dma_start3A_108 = arith.constant 0 : i32
      %dma_start3A_109 = arith.constant 0 : i32
      %dma_start3A_110 = tpu.memref_slice %arg2[%add3A, %dma_start3A_108, %dma_start3A_109] : memref<32x315x32xi32, #tpu.memory_space<hbm>> -> memref<1x315x32xi32, #tpu.memory_space<hbm>>
      %dma_start3A_111 = tpu.memref_squeeze %dma_start3A_110 : memref<1x315x32xi32, #tpu.memory_space<hbm>> -> memref<315x32xi32, #tpu.memory_space<hbm>>
      tpu.enqueue_dma source(%dma_start3A_111 : memref<315x32xi32, #tpu.memory_space<hbm>>) target(%arg4 : memref<315x32xi32, #tpu.memory_space<vmem>>) target_semaphore(%run_scoped3A : memref<!tpu.dma_semaphore, #tpu.memory_space<semaphore_mem>>)
      %dma_wait3A = arith.constant 0 : i32
      %dma_wait3A_112 = arith.constant 0 : i32
      %dma_wait3A_113 = tpu.memref_slice %arg2[%add3A, %dma_wait3A, %dma_wait3A_112] : memref<32x315x32xi32, #tpu.memory_space<hbm>> -> memref<1x315x32xi32, #tpu.memory_space<hbm>>
      %dma_wait3A_114 = tpu.memref_squeeze %dma_wait3A_113 : memref<1x315x32xi32, #tpu.memory_space<hbm>> -> memref<315x32xi32, #tpu.memory_space<hbm>>
      %dma_wait3A_115 = arith.constant 0 : i32
      %dma_wait3A_116 = arith.constant 0 : i32
      %dma_wait3A_117 = tpu.memref_slice %arg2[%add3A, %dma_wait3A_115, %dma_wait3A_116] : memref<32x315x32xi32, #tpu.memory_space<hbm>> -> memref<1x315x32xi32, #tpu.memory_space<hbm>>
      %dma_wait3A_118 = tpu.memref_squeeze %dma_wait3A_117 : memref<1x315x32xi32, #tpu.memory_space<hbm>> -> memref<315x32xi32, #tpu.memory_space<hbm>>
      tpu.wait_dma2 semaphore(%run_scoped3A : memref<!tpu.dma_semaphore, #tpu.memory_space<semaphore_mem>>) src(%dma_wait3A_118 : memref<315x32xi32, #tpu.memory_space<hbm>>) dst(%arg4 : memref<315x32xi32, #tpu.memory_space<vmem>>)
      tpu.yield
    }) : () -> ()
    %scan3A = arith.constant 0 : i32
    %scan3A_1 = arith.constant 2 : i32
    %scan3A_2 = arith.addi %scan3A, %scan3A_1 : i32
    %scan3A_3 = arith.constant 1 : i32
    scf.for %scan3A_105 = %scan3A to %scan3A_2 step %scan3A_3  : i32 {
      %mul3A_106 = arith.constant 1 : i32
      %mul3A_107 = arith.muli %scan3A_105, %mul3A_106 : i32
      %add3A_108 = arith.constant 0 : i32
      %add3A_109 = arith.addi %add3A_108, %mul3A_107 : i32
      %broadcast_in_dim3A = arith.constant 1.000000e+00 : f32
      %broadcast_in_dim3A_110 = vector.broadcast %broadcast_in_dim3A : f32 to vector<16xf32>
      %mul3A_111 = arith.constant 16 : i32
      %mul3A_112 = arith.muli %add3A_109, %mul3A_111 : i32
      %swap3A = arith.index_cast %mul3A_112 : i32 to index
      %swap3A_113 = tpu.vector_load %arg5[%swap3A] {strides = array<i32>} : memref<32xf32, #tpu.memory_space<vmem>>, vector<16xf32>,
      %swap3A_114 = vector.shape_cast %swap3A_113 : vector<16xf32> to vector<16xf32>
      %swap3A_115 = vector.shape_cast %broadcast_in_dim3A_110 : vector<16xf32> to vector<16xf32>
      tpu.vector_store %arg5[%swap3A], %swap3A_115 {strides = array<i32>} : memref<32xf32, #tpu.memory_space<vmem>>, vector<16xf32>,
    }
    %scan3A_4 = arith.constant 2 : i32
    %scan3A_5 = arith.constant 0 : i32
    %scan3A_6 = arith.constant 2 : i32
    %scan3A_7 = arith.addi %scan3A_5, %scan3A_6 : i32
    %scan3A_8 = arith.constant 1 : i32
    scf.for %scan3A_105 = %scan3A_5 to %scan3A_7 step %scan3A_8  : i32 {
      %mul3A_106 = arith.constant 1 : i32
      %mul3A_107 = arith.muli %scan3A_105, %mul3A_106 : i32
      %add3A_108 = arith.constant 0 : i32
      %add3A_109 = arith.addi %add3A_108, %mul3A_107 : i32
      %broadcast_in_dim3A = arith.constant 0.000000e+00 : f32
      %broadcast_in_dim3A_110 = vector.broadcast %broadcast_in_dim3A : f32 to vector<16xf32>
      %mul3A_111 = arith.constant 16 : i32
      %mul3A_112 = arith.muli %add3A_109, %mul3A_111 : i32
      %swap3A = arith.index_cast %mul3A_112 : i32 to index
      %swap3A_113 = tpu.vector_load %arg6[%swap3A] {strides = array<i32>} : memref<32xf32, #tpu.memory_space<vmem>>, vector<16xf32>,
      %swap3A_114 = vector.shape_cast %swap3A_113 : vector<16xf32> to vector<16xf32>
      %swap3A_115 = vector.shape_cast %broadcast_in_dim3A_110 : vector<16xf32> to vector<16xf32>
      tpu.vector_store %arg6[%swap3A], %swap3A_115 {strides = array<i32>} : memref<32xf32, #tpu.memory_space<vmem>>, vector<16xf32>,
    }
    %scan3A_9 = arith.constant 2 : i32
    %mul3A_10 = arith.constant 640 : i32
    %mul3A_11 = arith.muli %arg1, %mul3A_10 : i32
    %add3A_12 = arith.constant 0 : i32
    %add3A_13 = arith.addi %mul3A_11, %add3A_12 : i32
    "tpu.region"() ({
      %run_scoped3A = tpu.sem_alloc : memref<!tpu.dma_semaphore, #tpu.memory_space<semaphore_mem>>
      %dma_start3A = tpu.memref_slice %arg7[%add3A_13] : memref<10240xf32, #tpu.memory_space<vmem_shared>> -> memref<32xf32, #tpu.memory_space<vmem_shared>>
      %dma_start3A_105 = tpu.memref_slice %arg7[%add3A_13] : memref<10240xf32, #tpu.memory_space<vmem_shared>> -> memref<32xf32, #tpu.memory_space<vmem_shared>>
      tpu.enqueue_dma source(%arg6 : memref<32xf32, #tpu.memory_space<vmem>>) target(%dma_start3A_105 : memref<32xf32, #tpu.memory_space<vmem_shared>>) target_semaphore(%run_scoped3A : memref<!tpu.dma_semaphore, #tpu.memory_space<semaphore_mem>>)
      %dma_wait3A = tpu.memref_slice %arg7[%add3A_13] : memref<10240xf32, #tpu.memory_space<vmem_shared>> -> memref<32xf32, #tpu.memory_space<vmem_shared>>
      %dma_wait3A_106 = tpu.memref_slice %arg7[%add3A_13] : memref<10240xf32, #tpu.memory_space<vmem_shared>> -> memref<32xf32, #tpu.memory_space<vmem_shared>>
      tpu.wait_dma2 semaphore(%run_scoped3A : memref<!tpu.dma_semaphore, #tpu.memory_space<semaphore_mem>>) src(%arg6 : memref<32xf32, #tpu.memory_space<vmem>>) dst(%dma_wait3A_106 : memref<32xf32, #tpu.memory_space<vmem_shared>>)
      tpu.yield
    }) : () -> ()
    %mul3A_14 = arith.constant 640 : i32
    %mul3A_15 = arith.muli %arg1, %mul3A_14 : i32
    %add3A_16 = arith.constant 32 : i32
    %add3A_17 = arith.addi %mul3A_15, %add3A_16 : i32
    "tpu.region"() ({
      %run_scoped3A = tpu.sem_alloc : memref<!tpu.dma_semaphore, #tpu.memory_space<semaphore_mem>>
      %dma_start3A = tpu.memref_slice %arg7[%add3A_17] : memref<10240xf32, #tpu.memory_space<vmem_shared>> -> memref<32xf32, #tpu.memory_space<vmem_shared>>
      %dma_start3A_105 = tpu.memref_slice %arg7[%add3A_17] : memref<10240xf32, #tpu.memory_space<vmem_shared>> -> memref<32xf32, #tpu.memory_space<vmem_shared>>
      tpu.enqueue_dma source(%arg6 : memref<32xf32, #tpu.memory_space<vmem>>) target(%dma_start3A_105 : memref<32xf32, #tpu.memory_space<vmem_shared>>) target_semaphore(%run_scoped3A : memref<!tpu.dma_semaphore, #tpu.memory_space<semaphore_mem>>)
      %dma_wait3A = tpu.memref_slice %arg7[%add3A_17] : memref<10240xf32, #tpu.memory_space<vmem_shared>> -> memref<32xf32, #tpu.memory_space<vmem_shared>>
      %dma_wait3A_106 = tpu.memref_slice %arg7[%add3A_17] : memref<10240xf32, #tpu.memory_space<vmem_shared>> -> memref<32xf32, #tpu.memory_space<vmem_shared>>
      tpu.wait_dma2 semaphore(%run_scoped3A : memref<!tpu.dma_semaphore, #tpu.memory_space<semaphore_mem>>) src(%arg6 : memref<32xf32, #tpu.memory_space<vmem>>) dst(%dma_wait3A_106 : memref<32xf32, #tpu.memory_space<vmem_shared>>)
      tpu.yield
    }) : () -> ()
    %mul3A_18 = arith.constant 640 : i32
    %mul3A_19 = arith.muli %arg1, %mul3A_18 : i32
    %add3A_20 = arith.constant 64 : i32
    %add3A_21 = arith.addi %mul3A_19, %add3A_20 : i32
    "tpu.region"() ({
      %run_scoped3A = tpu.sem_alloc : memref<!tpu.dma_semaphore, #tpu.memory_space<semaphore_mem>>
      %dma_start3A = tpu.memref_slice %arg7[%add3A_21] : memref<10240xf32, #tpu.memory_space<vmem_shared>> -> memref<32xf32, #tpu.memory_space<vmem_shared>>
      %dma_start3A_105 = tpu.memref_slice %arg7[%add3A_21] : memref<10240xf32, #tpu.memory_space<vmem_shared>> -> memref<32xf32, #tpu.memory_space<vmem_shared>>
      tpu.enqueue_dma source(%arg6 : memref<32xf32, #tpu.memory_space<vmem>>) target(%dma_start3A_105 : memref<32xf32, #tpu.memory_space<vmem_shared>>) target_semaphore(%run_scoped3A : memref<!tpu.dma_semaphore, #tpu.memory_space<semaphore_mem>>)
      %dma_wait3A = tpu.memref_slice %arg7[%add3A_21] : memref<10240xf32, #tpu.memory_space<vmem_shared>> -> memref<32xf32, #tpu.memory_space<vmem_shared>>
      %dma_wait3A_106 = tpu.memref_slice %arg7[%add3A_21] : memref<10240xf32, #tpu.memory_space<vmem_shared>> -> memref<32xf32, #tpu.memory_space<vmem_shared>>
      tpu.wait_dma2 semaphore(%run_scoped3A : memref<!tpu.dma_semaphore, #tpu.memory_space<semaphore_mem>>) src(%arg6 : memref<32xf32, #tpu.memory_space<vmem>>) dst(%dma_wait3A_106 : memref<32xf32, #tpu.memory_space<vmem_shared>>)
      tpu.yield
    }) : () -> ()
    %mul3A_22 = arith.constant 640 : i32
    %mul3A_23 = arith.muli %arg1, %mul3A_22 : i32
    %add3A_24 = arith.constant 96 : i32
    %add3A_25 = arith.addi %mul3A_23, %add3A_24 : i32
    "tpu.region"() ({
      %run_scoped3A = tpu.sem_alloc : memref<!tpu.dma_semaphore, #tpu.memory_space<semaphore_mem>>
      %dma_start3A = tpu.memref_slice %arg7[%add3A_25] : memref<10240xf32, #tpu.memory_space<vmem_shared>> -> memref<32xf32, #tpu.memory_space<vmem_shared>>
      %dma_start3A_105 = tpu.memref_slice %arg7[%add3A_25] : memref<10240xf32, #tpu.memory_space<vmem_shared>> -> memref<32xf32, #tpu.memory_space<vmem_shared>>
      tpu.enqueue_dma source(%arg6 : memref<32xf32, #tpu.memory_space<vmem>>) target(%dma_start3A_105 : memref<32xf32, #tpu.memory_space<vmem_shared>>) target_semaphore(%run_scoped3A : memref<!tpu.dma_semaphore, #tpu.memory_space<semaphore_mem>>)
      %dma_wait3A = tpu.memref_slice %arg7[%add3A_25] : memref<10240xf32, #tpu.memory_space<vmem_shared>> -> memref<32xf32, #tpu.memory_space<vmem_shared>>
      %dma_wait3A_106 = tpu.memref_slice %arg7[%add3A_25] : memref<10240xf32, #tpu.memory_space<vmem_shared>> -> memref<32xf32, #tpu.memory_space<vmem_shared>>
      tpu.wait_dma2 semaphore(%run_scoped3A : memref<!tpu.dma_semaphore, #tpu.memory_space<semaphore_mem>>) src(%arg6 : memref<32xf32, #tpu.memory_space<vmem>>) dst(%dma_wait3A_106 : memref<32xf32, #tpu.memory_space<vmem_shared>>)
      tpu.yield
    }) : () -> ()
    %mul3A_26 = arith.constant 640 : i32
    %mul3A_27 = arith.muli %arg1, %mul3A_26 : i32
    %add3A_28 = arith.constant 128 : i32
    %add3A_29 = arith.addi %mul3A_27, %add3A_28 : i32
    "tpu.region"() ({
      %run_scoped3A = tpu.sem_alloc : memref<!tpu.dma_semaphore, #tpu.memory_space<semaphore_mem>>
      %dma_start3A = tpu.memref_slice %arg7[%add3A_29] : memref<10240xf32, #tpu.memory_space<vmem_shared>> -> memref<32xf32, #tpu.memory_space<vmem_shared>>
      %dma_start3A_105 = tpu.memref_slice %arg7[%add3A_29] : memref<10240xf32, #tpu.memory_space<vmem_shared>> -> memref<32xf32, #tpu.memory_space<vmem_shared>>
      tpu.enqueue_dma source(%arg6 : memref<32xf32, #tpu.memory_space<vmem>>) target(%dma_start3A_105 : memref<32xf32, #tpu.memory_space<vmem_shared>>) target_semaphore(%run_scoped3A : memref<!tpu.dma_semaphore, #tpu.memory_space<semaphore_mem>>)
      %dma_wait3A = tpu.memref_slice %arg7[%add3A_29] : memref<10240xf32, #tpu.memory_space<vmem_shared>> -> memref<32xf32, #tpu.memory_space<vmem_shared>>
      %dma_wait3A_106 = tpu.memref_slice %arg7[%add3A_29] : memref<10240xf32, #tpu.memory_space<vmem_shared>> -> memref<32xf32, #tpu.memory_space<vmem_shared>>
      tpu.wait_dma2 semaphore(%run_scoped3A : memref<!tpu.dma_semaphore, #tpu.memory_space<semaphore_mem>>) src(%arg6 : memref<32xf32, #tpu.memory_space<vmem>>) dst(%dma_wait3A_106 : memref<32xf32, #tpu.memory_space<vmem_shared>>)
      tpu.yield
    }) : () -> ()
    %mul3A_30 = arith.constant 640 : i32
    %mul3A_31 = arith.muli %arg1, %mul3A_30 : i32
    %add3A_32 = arith.constant 160 : i32
    %add3A_33 = arith.addi %mul3A_31, %add3A_32 : i32
    "tpu.region"() ({
      %run_scoped3A = tpu.sem_alloc : memref<!tpu.dma_semaphore, #tpu.memory_space<semaphore_mem>>
      %dma_start3A = tpu.memref_slice %arg7[%add3A_33] : memref<10240xf32, #tpu.memory_space<vmem_shared>> -> memref<32xf32, #tpu.memory_space<vmem_shared>>
      %dma_start3A_105 = tpu.memref_slice %arg7[%add3A_33] : memref<10240xf32, #tpu.memory_space<vmem_shared>> -> memref<32xf32, #tpu.memory_space<vmem_shared>>
      tpu.enqueue_dma source(%arg6 : memref<32xf32, #tpu.memory_space<vmem>>) target(%dma_start3A_105 : memref<32xf32, #tpu.memory_space<vmem_shared>>) target_semaphore(%run_scoped3A : memref<!tpu.dma_semaphore, #tpu.memory_space<semaphore_mem>>)
      %dma_wait3A = tpu.memref_slice %arg7[%add3A_33] : memref<10240xf32, #tpu.memory_space<vmem_shared>> -> memref<32xf32, #tpu.memory_space<vmem_shared>>
      %dma_wait3A_106 = tpu.memref_slice %arg7[%add3A_33] : memref<10240xf32, #tpu.memory_space<vmem_shared>> -> memref<32xf32, #tpu.memory_space<vmem_shared>>
      tpu.wait_dma2 semaphore(%run_scoped3A : memref<!tpu.dma_semaphore, #tpu.memory_space<semaphore_mem>>) src(%arg6 : memref<32xf32, #tpu.memory_space<vmem>>) dst(%dma_wait3A_106 : memref<32xf32, #tpu.memory_space<vmem_shared>>)
      tpu.yield
    }) : () -> ()
    %mul3A_34 = arith.constant 640 : i32
    %mul3A_35 = arith.muli %arg1, %mul3A_34 : i32
    %add3A_36 = arith.constant 192 : i32
    %add3A_37 = arith.addi %mul3A_35, %add3A_36 : i32
    "tpu.region"() ({
      %run_scoped3A = tpu.sem_alloc : memref<!tpu.dma_semaphore, #tpu.memory_space<semaphore_mem>>
      %dma_start3A = tpu.memref_slice %arg7[%add3A_37] : memref<10240xf32, #tpu.memory_space<vmem_shared>> -> memref<32xf32, #tpu.memory_space<vmem_shared>>
      %dma_start3A_105 = tpu.memref_slice %arg7[%add3A_37] : memref<10240xf32, #tpu.memory_space<vmem_shared>> -> memref<32xf32, #tpu.memory_space<vmem_shared>>
      tpu.enqueue_dma source(%arg6 : memref<32xf32, #tpu.memory_space<vmem>>) target(%dma_start3A_105 : memref<32xf32, #tpu.memory_space<vmem_shared>>) target_semaphore(%run_scoped3A : memref<!tpu.dma_semaphore, #tpu.memory_space<semaphore_mem>>)
      %dma_wait3A = tpu.memref_slice %arg7[%add3A_37] : memref<10240xf32, #tpu.memory_space<vmem_shared>> -> memref<32xf32, #tpu.memory_space<vmem_shared>>
      %dma_wait3A_106 = tpu.memref_slice %arg7[%add3A_37] : memref<10240xf32, #tpu.memory_space<vmem_shared>> -> memref<32xf32, #tpu.memory_space<vmem_shared>>
      tpu.wait_dma2 semaphore(%run_scoped3A : memref<!tpu.dma_semaphore, #tpu.memory_space<semaphore_mem>>) src(%arg6 : memref<32xf32, #tpu.memory_space<vmem>>) dst(%dma_wait3A_106 : memref<32xf32, #tpu.memory_space<vmem_shared>>)
      tpu.yield
    }) : () -> ()
    %mul3A_38 = arith.constant 640 : i32
    %mul3A_39 = arith.muli %arg1, %mul3A_38 : i32
    %add3A_40 = arith.constant 224 : i32
    %add3A_41 = arith.addi %mul3A_39, %add3A_40 : i32
    "tpu.region"() ({
      %run_scoped3A = tpu.sem_alloc : memref<!tpu.dma_semaphore, #tpu.memory_space<semaphore_mem>>
      %dma_start3A = tpu.memref_slice %arg7[%add3A_41] : memref<10240xf32, #tpu.memory_space<vmem_shared>> -> memref<32xf32, #tpu.memory_space<vmem_shared>>
      %dma_start3A_105 = tpu.memref_slice %arg7[%add3A_41] : memref<10240xf32, #tpu.memory_space<vmem_shared>> -> memref<32xf32, #tpu.memory_space<vmem_shared>>
      tpu.enqueue_dma source(%arg6 : memref<32xf32, #tpu.memory_space<vmem>>) target(%dma_start3A_105 : memref<32xf32, #tpu.memory_space<vmem_shared>>) target_semaphore(%run_scoped3A : memref<!tpu.dma_semaphore, #tpu.memory_space<semaphore_mem>>)
      %dma_wait3A = tpu.memref_slice %arg7[%add3A_41] : memref<10240xf32, #tpu.memory_space<vmem_shared>> -> memref<32xf32, #tpu.memory_space<vmem_shared>>
      %dma_wait3A_106 = tpu.memref_slice %arg7[%add3A_41] : memref<10240xf32, #tpu.memory_space<vmem_shared>> -> memref<32xf32, #tpu.memory_space<vmem_shared>>
      tpu.wait_dma2 semaphore(%run_scoped3A : memref<!tpu.dma_semaphore, #tpu.memory_space<semaphore_mem>>) src(%arg6 : memref<32xf32, #tpu.memory_space<vmem>>) dst(%dma_wait3A_106 : memref<32xf32, #tpu.memory_space<vmem_shared>>)
      tpu.yield
    }) : () -> ()
    %mul3A_42 = arith.constant 640 : i32
    %mul3A_43 = arith.muli %arg1, %mul3A_42 : i32
    %add3A_44 = arith.constant 256 : i32
    %add3A_45 = arith.addi %mul3A_43, %add3A_44 : i32
    "tpu.region"() ({
      %run_scoped3A = tpu.sem_alloc : memref<!tpu.dma_semaphore, #tpu.memory_space<semaphore_mem>>
      %dma_start3A = tpu.memref_slice %arg7[%add3A_45] : memref<10240xf32, #tpu.memory_space<vmem_shared>> -> memref<32xf32, #tpu.memory_space<vmem_shared>>
      %dma_start3A_105 = tpu.memref_slice %arg7[%add3A_45] : memref<10240xf32, #tpu.memory_space<vmem_shared>> -> memref<32xf32, #tpu.memory_space<vmem_shared>>
      tpu.enqueue_dma source(%arg6 : memref<32xf32, #tpu.memory_space<vmem>>) target(%dma_start3A_105 : memref<32xf32, #tpu.memory_space<vmem_shared>>) target_semaphore(%run_scoped3A : memref<!tpu.dma_semaphore, #tpu.memory_space<semaphore_mem>>)
      %dma_wait3A = tpu.memref_slice %arg7[%add3A_45] : memref<10240xf32, #tpu.memory_space<vmem_shared>> -> memref<32xf32, #tpu.memory_space<vmem_shared>>
      %dma_wait3A_106 = tpu.memref_slice %arg7[%add3A_45] : memref<10240xf32, #tpu.memory_space<vmem_shared>> -> memref<32xf32, #tpu.memory_space<vmem_shared>>
      tpu.wait_dma2 semaphore(%run_scoped3A : memref<!tpu.dma_semaphore, #tpu.memory_space<semaphore_mem>>) src(%arg6 : memref<32xf32, #tpu.memory_space<vmem>>) dst(%dma_wait3A_106 : memref<32xf32, #tpu.memory_space<vmem_shared>>)
      tpu.yield
    }) : () -> ()
    %mul3A_46 = arith.constant 640 : i32
    %mul3A_47 = arith.muli %arg1, %mul3A_46 : i32
    %add3A_48 = arith.constant 288 : i32
    %add3A_49 = arith.addi %mul3A_47, %add3A_48 : i32
    "tpu.region"() ({
      %run_scoped3A = tpu.sem_alloc : memref<!tpu.dma_semaphore, #tpu.memory_space<semaphore_mem>>
      %dma_start3A = tpu.memref_slice %arg7[%add3A_49] : memref<10240xf32, #tpu.memory_space<vmem_shared>> -> memref<32xf32, #tpu.memory_space<vmem_shared>>
      %dma_start3A_105 = tpu.memref_slice %arg7[%add3A_49] : memref<10240xf32, #tpu.memory_space<vmem_shared>> -> memref<32xf32, #tpu.memory_space<vmem_shared>>
      tpu.enqueue_dma source(%arg6 : memref<32xf32, #tpu.memory_space<vmem>>) target(%dma_start3A_105 : memref<32xf32, #tpu.memory_space<vmem_shared>>) target_semaphore(%run_scoped3A : memref<!tpu.dma_semaphore, #tpu.memory_space<semaphore_mem>>)
      %dma_wait3A = tpu.memref_slice %arg7[%add3A_49] : memref<10240xf32, #tpu.memory_space<vmem_shared>> -> memref<32xf32, #tpu.memory_space<vmem_shared>>
      %dma_wait3A_106 = tpu.memref_slice %arg7[%add3A_49] : memref<10240xf32, #tpu.memory_space<vmem_shared>> -> memref<32xf32, #tpu.memory_space<vmem_shared>>
      tpu.wait_dma2 semaphore(%run_scoped3A : memref<!tpu.dma_semaphore, #tpu.memory_space<semaphore_mem>>) src(%arg6 : memref<32xf32, #tpu.memory_space<vmem>>) dst(%dma_wait3A_106 : memref<32xf32, #tpu.memory_space<vmem_shared>>)
      tpu.yield
    }) : () -> ()
    %mul3A_50 = arith.constant 640 : i32
    %mul3A_51 = arith.muli %arg1, %mul3A_50 : i32
    %add3A_52 = arith.constant 320 : i32
    %add3A_53 = arith.addi %mul3A_51, %add3A_52 : i32
    "tpu.region"() ({
      %run_scoped3A = tpu.sem_alloc : memref<!tpu.dma_semaphore, #tpu.memory_space<semaphore_mem>>
      %dma_start3A = tpu.memref_slice %arg7[%add3A_53] : memref<10240xf32, #tpu.memory_space<vmem_shared>> -> memref<32xf32, #tpu.memory_space<vmem_shared>>
      %dma_start3A_105 = tpu.memref_slice %arg7[%add3A_53] : memref<10240xf32, #tpu.memory_space<vmem_shared>> -> memref<32xf32, #tpu.memory_space<vmem_shared>>
      tpu.enqueue_dma source(%arg6 : memref<32xf32, #tpu.memory_space<vmem>>) target(%dma_start3A_105 : memref<32xf32, #tpu.memory_space<vmem_shared>>) target_semaphore(%run_scoped3A : memref<!tpu.dma_semaphore, #tpu.memory_space<semaphore_mem>>)
      %dma_wait3A = tpu.memref_slice %arg7[%add3A_53] : memref<10240xf32, #tpu.memory_space<vmem_shared>> -> memref<32xf32, #tpu.memory_space<vmem_shared>>
      %dma_wait3A_106 = tpu.memref_slice %arg7[%add3A_53] : memref<10240xf32, #tpu.memory_space<vmem_shared>> -> memref<32xf32, #tpu.memory_space<vmem_shared>>
      tpu.wait_dma2 semaphore(%run_scoped3A : memref<!tpu.dma_semaphore, #tpu.memory_space<semaphore_mem>>) src(%arg6 : memref<32xf32, #tpu.memory_space<vmem>>) dst(%dma_wait3A_106 : memref<32xf32, #tpu.memory_space<vmem_shared>>)
      tpu.yield
    }) : () -> ()
    %mul3A_54 = arith.constant 640 : i32
    %mul3A_55 = arith.muli %arg1, %mul3A_54 : i32
    %add3A_56 = arith.constant 352 : i32
    %add3A_57 = arith.addi %mul3A_55, %add3A_56 : i32
    "tpu.region"() ({
      %run_scoped3A = tpu.sem_alloc : memref<!tpu.dma_semaphore, #tpu.memory_space<semaphore_mem>>
      %dma_start3A = tpu.memref_slice %arg7[%add3A_57] : memref<10240xf32, #tpu.memory_space<vmem_shared>> -> memref<32xf32, #tpu.memory_space<vmem_shared>>
      %dma_start3A_105 = tpu.memref_slice %arg7[%add3A_57] : memref<10240xf32, #tpu.memory_space<vmem_shared>> -> memref<32xf32, #tpu.memory_space<vmem_shared>>
      tpu.enqueue_dma source(%arg6 : memref<32xf32, #tpu.memory_space<vmem>>) target(%dma_start3A_105 : memref<32xf32, #tpu.memory_space<vmem_shared>>) target_semaphore(%run_scoped3A : memref<!tpu.dma_semaphore, #tpu.memory_space<semaphore_mem>>)
      %dma_wait3A = tpu.memref_slice %arg7[%add3A_57] : memref<10240xf32, #tpu.memory_space<vmem_shared>> -> memref<32xf32, #tpu.memory_space<vmem_shared>>
      %dma_wait3A_106 = tpu.memref_slice %arg7[%add3A_57] : memref<10240xf32, #tpu.memory_space<vmem_shared>> -> memref<32xf32, #tpu.memory_space<vmem_shared>>
      tpu.wait_dma2 semaphore(%run_scoped3A : memref<!tpu.dma_semaphore, #tpu.memory_space<semaphore_mem>>) src(%arg6 : memref<32xf32, #tpu.memory_space<vmem>>) dst(%dma_wait3A_106 : memref<32xf32, #tpu.memory_space<vmem_shared>>)
      tpu.yield
    }) : () -> ()
    %mul3A_58 = arith.constant 640 : i32
    %mul3A_59 = arith.muli %arg1, %mul3A_58 : i32
    %add3A_60 = arith.constant 384 : i32
    %add3A_61 = arith.addi %mul3A_59, %add3A_60 : i32
    "tpu.region"() ({
      %run_scoped3A = tpu.sem_alloc : memref<!tpu.dma_semaphore, #tpu.memory_space<semaphore_mem>>
      %dma_start3A = tpu.memref_slice %arg7[%add3A_61] : memref<10240xf32, #tpu.memory_space<vmem_shared>> -> memref<32xf32, #tpu.memory_space<vmem_shared>>
      %dma_start3A_105 = tpu.memref_slice %arg7[%add3A_61] : memref<10240xf32, #tpu.memory_space<vmem_shared>> -> memref<32xf32, #tpu.memory_space<vmem_shared>>
      tpu.enqueue_dma source(%arg6 : memref<32xf32, #tpu.memory_space<vmem>>) target(%dma_start3A_105 : memref<32xf32, #tpu.memory_space<vmem_shared>>) target_semaphore(%run_scoped3A : memref<!tpu.dma_semaphore, #tpu.memory_space<semaphore_mem>>)
      %dma_wait3A = tpu.memref_slice %arg7[%add3A_61] : memref<10240xf32, #tpu.memory_space<vmem_shared>> -> memref<32xf32, #tpu.memory_space<vmem_shared>>
      %dma_wait3A_106 = tpu.memref_slice %arg7[%add3A_61] : memref<10240xf32, #tpu.memory_space<vmem_shared>> -> memref<32xf32, #tpu.memory_space<vmem_shared>>
      tpu.wait_dma2 semaphore(%run_scoped3A : memref<!tpu.dma_semaphore, #tpu.memory_space<semaphore_mem>>) src(%arg6 : memref<32xf32, #tpu.memory_space<vmem>>) dst(%dma_wait3A_106 : memref<32xf32, #tpu.memory_space<vmem_shared>>)
      tpu.yield
    }) : () -> ()
    %mul3A_62 = arith.constant 640 : i32
    %mul3A_63 = arith.muli %arg1, %mul3A_62 : i32
    %add3A_64 = arith.constant 416 : i32
    %add3A_65 = arith.addi %mul3A_63, %add3A_64 : i32
    "tpu.region"() ({
      %run_scoped3A = tpu.sem_alloc : memref<!tpu.dma_semaphore, #tpu.memory_space<semaphore_mem>>
      %dma_start3A = tpu.memref_slice %arg7[%add3A_65] : memref<10240xf32, #tpu.memory_space<vmem_shared>> -> memref<32xf32, #tpu.memory_space<vmem_shared>>
      %dma_start3A_105 = tpu.memref_slice %arg7[%add3A_65] : memref<10240xf32, #tpu.memory_space<vmem_shared>> -> memref<32xf32, #tpu.memory_space<vmem_shared>>
      tpu.enqueue_dma source(%arg6 : memref<32xf32, #tpu.memory_space<vmem>>) target(%dma_start3A_105 : memref<32xf32, #tpu.memory_space<vmem_shared>>) target_semaphore(%run_scoped3A : memref<!tpu.dma_semaphore, #tpu.memory_space<semaphore_mem>>)
      %dma_wait3A = tpu.memref_slice %arg7[%add3A_65] : memref<10240xf32, #tpu.memory_space<vmem_shared>> -> memref<32xf32, #tpu.memory_space<vmem_shared>>
      %dma_wait3A_106 = tpu.memref_slice %arg7[%add3A_65] : memref<10240xf32, #tpu.memory_space<vmem_shared>> -> memref<32xf32, #tpu.memory_space<vmem_shared>>
      tpu.wait_dma2 semaphore(%run_scoped3A : memref<!tpu.dma_semaphore, #tpu.memory_space<semaphore_mem>>) src(%arg6 : memref<32xf32, #tpu.memory_space<vmem>>) dst(%dma_wait3A_106 : memref<32xf32, #tpu.memory_space<vmem_shared>>)
      tpu.yield
    }) : () -> ()
    %mul3A_66 = arith.constant 640 : i32
    %mul3A_67 = arith.muli %arg1, %mul3A_66 : i32
    %add3A_68 = arith.constant 448 : i32
    %add3A_69 = arith.addi %mul3A_67, %add3A_68 : i32
    "tpu.region"() ({
      %run_scoped3A = tpu.sem_alloc : memref<!tpu.dma_semaphore, #tpu.memory_space<semaphore_mem>>
      %dma_start3A = tpu.memref_slice %arg7[%add3A_69] : memref<10240xf32, #tpu.memory_space<vmem_shared>> -> memref<32xf32, #tpu.memory_space<vmem_shared>>
      %dma_start3A_105 = tpu.memref_slice %arg7[%add3A_69] : memref<10240xf32, #tpu.memory_space<vmem_shared>> -> memref<32xf32, #tpu.memory_space<vmem_shared>>
      tpu.enqueue_dma source(%arg6 : memref<32xf32, #tpu.memory_space<vmem>>) target(%dma_start3A_105 : memref<32xf32, #tpu.memory_space<vmem_shared>>) target_semaphore(%run_scoped3A : memref<!tpu.dma_semaphore, #tpu.memory_space<semaphore_mem>>)
      %dma_wait3A = tpu.memref_slice %arg7[%add3A_69] : memref<10240xf32, #tpu.memory_space<vmem_shared>> -> memref<32xf32, #tpu.memory_space<vmem_shared>>
      %dma_wait3A_106 = tpu.memref_slice %arg7[%add3A_69] : memref<10240xf32, #tpu.memory_space<vmem_shared>> -> memref<32xf32, #tpu.memory_space<vmem_shared>>
      tpu.wait_dma2 semaphore(%run_scoped3A : memref<!tpu.dma_semaphore, #tpu.memory_space<semaphore_mem>>) src(%arg6 : memref<32xf32, #tpu.memory_space<vmem>>) dst(%dma_wait3A_106 : memref<32xf32, #tpu.memory_space<vmem_shared>>)
      tpu.yield
    }) : () -> ()
    %mul3A_70 = arith.constant 640 : i32
    %mul3A_71 = arith.muli %arg1, %mul3A_70 : i32
    %add3A_72 = arith.constant 480 : i32
    %add3A_73 = arith.addi %mul3A_71, %add3A_72 : i32
    "tpu.region"() ({
      %run_scoped3A = tpu.sem_alloc : memref<!tpu.dma_semaphore, #tpu.memory_space<semaphore_mem>>
      %dma_start3A = tpu.memref_slice %arg7[%add3A_73] : memref<10240xf32, #tpu.memory_space<vmem_shared>> -> memref<32xf32, #tpu.memory_space<vmem_shared>>
      %dma_start3A_105 = tpu.memref_slice %arg7[%add3A_73] : memref<10240xf32, #tpu.memory_space<vmem_shared>> -> memref<32xf32, #tpu.memory_space<vmem_shared>>
      tpu.enqueue_dma source(%arg6 : memref<32xf32, #tpu.memory_space<vmem>>) target(%dma_start3A_105 : memref<32xf32, #tpu.memory_space<vmem_shared>>) target_semaphore(%run_scoped3A : memref<!tpu.dma_semaphore, #tpu.memory_space<semaphore_mem>>)
      %dma_wait3A = tpu.memref_slice %arg7[%add3A_73] : memref<10240xf32, #tpu.memory_space<vmem_shared>> -> memref<32xf32, #tpu.memory_space<vmem_shared>>
      %dma_wait3A_106 = tpu.memref_slice %arg7[%add3A_73] : memref<10240xf32, #tpu.memory_space<vmem_shared>> -> memref<32xf32, #tpu.memory_space<vmem_shared>>
      tpu.wait_dma2 semaphore(%run_scoped3A : memref<!tpu.dma_semaphore, #tpu.memory_space<semaphore_mem>>) src(%arg6 : memref<32xf32, #tpu.memory_space<vmem>>) dst(%dma_wait3A_106 : memref<32xf32, #tpu.memory_space<vmem_shared>>)
      tpu.yield
    }) : () -> ()
    %mul3A_74 = arith.constant 640 : i32
    %mul3A_75 = arith.muli %arg1, %mul3A_74 : i32
    %add3A_76 = arith.constant 512 : i32
    %add3A_77 = arith.addi %mul3A_75, %add3A_76 : i32
    "tpu.region"() ({
      %run_scoped3A = tpu.sem_alloc : memref<!tpu.dma_semaphore, #tpu.memory_space<semaphore_mem>>
      %dma_start3A = tpu.memref_slice %arg7[%add3A_77] : memref<10240xf32, #tpu.memory_space<vmem_shared>> -> memref<32xf32, #tpu.memory_space<vmem_shared>>
      %dma_start3A_105 = tpu.memref_slice %arg7[%add3A_77] : memref<10240xf32, #tpu.memory_space<vmem_shared>> -> memref<32xf32, #tpu.memory_space<vmem_shared>>
      tpu.enqueue_dma source(%arg6 : memref<32xf32, #tpu.memory_space<vmem>>) target(%dma_start3A_105 : memref<32xf32, #tpu.memory_space<vmem_shared>>) target_semaphore(%run_scoped3A : memref<!tpu.dma_semaphore, #tpu.memory_space<semaphore_mem>>)
      %dma_wait3A = tpu.memref_slice %arg7[%add3A_77] : memref<10240xf32, #tpu.memory_space<vmem_shared>> -> memref<32xf32, #tpu.memory_space<vmem_shared>>
      %dma_wait3A_106 = tpu.memref_slice %arg7[%add3A_77] : memref<10240xf32, #tpu.memory_space<vmem_shared>> -> memref<32xf32, #tpu.memory_space<vmem_shared>>
      tpu.wait_dma2 semaphore(%run_scoped3A : memref<!tpu.dma_semaphore, #tpu.memory_space<semaphore_mem>>) src(%arg6 : memref<32xf32, #tpu.memory_space<vmem>>) dst(%dma_wait3A_106 : memref<32xf32, #tpu.memory_space<vmem_shared>>)
      tpu.yield
    }) : () -> ()
    %mul3A_78 = arith.constant 640 : i32
    %mul3A_79 = arith.muli %arg1, %mul3A_78 : i32
    %add3A_80 = arith.constant 544 : i32
    %add3A_81 = arith.addi %mul3A_79, %add3A_80 : i32
    "tpu.region"() ({
      %run_scoped3A = tpu.sem_alloc : memref<!tpu.dma_semaphore, #tpu.memory_space<semaphore_mem>>
      %dma_start3A = tpu.memref_slice %arg7[%add3A_81] : memref<10240xf32, #tpu.memory_space<vmem_shared>> -> memref<32xf32, #tpu.memory_space<vmem_shared>>
      %dma_start3A_105 = tpu.memref_slice %arg7[%add3A_81] : memref<10240xf32, #tpu.memory_space<vmem_shared>> -> memref<32xf32, #tpu.memory_space<vmem_shared>>
      tpu.enqueue_dma source(%arg6 : memref<32xf32, #tpu.memory_space<vmem>>) target(%dma_start3A_105 : memref<32xf32, #tpu.memory_space<vmem_shared>>) target_semaphore(%run_scoped3A : memref<!tpu.dma_semaphore, #tpu.memory_space<semaphore_mem>>)
      %dma_wait3A = tpu.memref_slice %arg7[%add3A_81] : memref<10240xf32, #tpu.memory_space<vmem_shared>> -> memref<32xf32, #tpu.memory_space<vmem_shared>>
      %dma_wait3A_106 = tpu.memref_slice %arg7[%add3A_81] : memref<10240xf32, #tpu.memory_space<vmem_shared>> -> memref<32xf32, #tpu.memory_space<vmem_shared>>
      tpu.wait_dma2 semaphore(%run_scoped3A : memref<!tpu.dma_semaphore, #tpu.memory_space<semaphore_mem>>) src(%arg6 : memref<32xf32, #tpu.memory_space<vmem>>) dst(%dma_wait3A_106 : memref<32xf32, #tpu.memory_space<vmem_shared>>)
      tpu.yield
    }) : () -> ()
    %mul3A_82 = arith.constant 640 : i32
    %mul3A_83 = arith.muli %arg1, %mul3A_82 : i32
    %add3A_84 = arith.constant 576 : i32
    %add3A_85 = arith.addi %mul3A_83, %add3A_84 : i32
    "tpu.region"() ({
      %run_scoped3A = tpu.sem_alloc : memref<!tpu.dma_semaphore, #tpu.memory_space<semaphore_mem>>
      %dma_start3A = tpu.memref_slice %arg7[%add3A_85] : memref<10240xf32, #tpu.memory_space<vmem_shared>> -> memref<32xf32, #tpu.memory_space<vmem_shared>>
      %dma_start3A_105 = tpu.memref_slice %arg7[%add3A_85] : memref<10240xf32, #tpu.memory_space<vmem_shared>> -> memref<32xf32, #tpu.memory_space<vmem_shared>>
      tpu.enqueue_dma source(%arg6 : memref<32xf32, #tpu.memory_space<vmem>>) target(%dma_start3A_105 : memref<32xf32, #tpu.memory_space<vmem_shared>>) target_semaphore(%run_scoped3A : memref<!tpu.dma_semaphore, #tpu.memory_space<semaphore_mem>>)
      %dma_wait3A = tpu.memref_slice %arg7[%add3A_85] : memref<10240xf32, #tpu.memory_space<vmem_shared>> -> memref<32xf32, #tpu.memory_space<vmem_shared>>
      %dma_wait3A_106 = tpu.memref_slice %arg7[%add3A_85] : memref<10240xf32, #tpu.memory_space<vmem_shared>> -> memref<32xf32, #tpu.memory_space<vmem_shared>>
      tpu.wait_dma2 semaphore(%run_scoped3A : memref<!tpu.dma_semaphore, #tpu.memory_space<semaphore_mem>>) src(%arg6 : memref<32xf32, #tpu.memory_space<vmem>>) dst(%dma_wait3A_106 : memref<32xf32, #tpu.memory_space<vmem_shared>>)
      tpu.yield
    }) : () -> ()
    %mul3A_86 = arith.constant 640 : i32
    %mul3A_87 = arith.muli %arg1, %mul3A_86 : i32
    %add3A_88 = arith.constant 608 : i32
    %add3A_89 = arith.addi %mul3A_87, %add3A_88 : i32
    "tpu.region"() ({
      %run_scoped3A = tpu.sem_alloc : memref<!tpu.dma_semaphore, #tpu.memory_space<semaphore_mem>>
      %dma_start3A = tpu.memref_slice %arg7[%add3A_89] : memref<10240xf32, #tpu.memory_space<vmem_shared>> -> memref<32xf32, #tpu.memory_space<vmem_shared>>
      %dma_start3A_105 = tpu.memref_slice %arg7[%add3A_89] : memref<10240xf32, #tpu.memory_space<vmem_shared>> -> memref<32xf32, #tpu.memory_space<vmem_shared>>
      tpu.enqueue_dma source(%arg6 : memref<32xf32, #tpu.memory_space<vmem>>) target(%dma_start3A_105 : memref<32xf32, #tpu.memory_space<vmem_shared>>) target_semaphore(%run_scoped3A : memref<!tpu.dma_semaphore, #tpu.memory_space<semaphore_mem>>)
      %dma_wait3A = tpu.memref_slice %arg7[%add3A_89] : memref<10240xf32, #tpu.memory_space<vmem_shared>> -> memref<32xf32, #tpu.memory_space<vmem_shared>>
      %dma_wait3A_106 = tpu.memref_slice %arg7[%add3A_89] : memref<10240xf32, #tpu.memory_space<vmem_shared>> -> memref<32xf32, #tpu.memory_space<vmem_shared>>
      tpu.wait_dma2 semaphore(%run_scoped3A : memref<!tpu.dma_semaphore, #tpu.memory_space<semaphore_mem>>) src(%arg6 : memref<32xf32, #tpu.memory_space<vmem>>) dst(%dma_wait3A_106 : memref<32xf32, #tpu.memory_space<vmem_shared>>)
      tpu.yield
    }) : () -> ()
    %barrier3A = arith.constant 0 : index
    tpu.barrier barrier_id(%barrier3A)
    %scan3A_90 = arith.constant 0 : i32
    %scan3A_91 = arith.constant 315 : i32
    %scan3A_92 = arith.addi %scan3A_90, %scan3A_91 : i32
    %scan3A_93 = arith.constant 1 : i32
    scf.for %scan3A_105 = %scan3A_90 to %scan3A_92 step %scan3A_93  : i32 {
      %mul3A_106 = arith.constant 1 : i32
      %mul3A_107 = arith.muli %scan3A_105, %mul3A_106 : i32
      %add3A_108 = arith.constant 0 : i32
      %add3A_109 = arith.addi %add3A_108, %mul3A_107 : i32
      %dma_start3A = arith.constant 0 : i32
      %dma_start3A_110 = tpu.memref_slice %arg4[%add3A_109, %dma_start3A] : memref<315x32xi32, #tpu.memory_space<vmem>> -> memref<1x32xi32, #tpu.memory_space<vmem>>
      %dma_start3A_111 = tpu.memref_squeeze %dma_start3A_110 : memref<1x32xi32, #tpu.memory_space<vmem>> -> memref<32xi32, #tpu.memory_space<vmem>>
      %dma_start3A_112 = arith.constant 0 : i32
      %dma_start3A_113 = tpu.memref_slice %arg7[%dma_start3A_112] : memref<10240xf32, #tpu.memory_space<vmem_shared>> -> memref<10240xf32, #tpu.memory_space<vmem_shared>>
      tpu.enqueue_indirect_dma source(%arg5 : memref<32xf32, #tpu.memory_space<vmem>>) target(%dma_start3A_113 : memref<10240xf32, #tpu.memory_space<vmem_shared>>) offsets(%dma_start3A_111 : memref<32xi32, #tpu.memory_space<vmem>>) semaphore(%arg8 : memref<!tpu.dma_semaphore, #tpu.memory_space<semaphore_mem>>) {add = true}
    }
    %scan3A_94 = arith.constant 315 : i32
    %scan3A_95 = arith.constant 0 : i32
    %scan3A_96 = arith.constant 315 : i32
    %scan3A_97 = arith.addi %scan3A_95, %scan3A_96 : i32
    %scan3A_98 = arith.constant 1 : i32
    scf.for %scan3A_105 = %scan3A_95 to %scan3A_97 step %scan3A_98  : i32 {
      %mul3A_106 = arith.constant 1 : i32
      %mul3A_107 = arith.muli %scan3A_105, %mul3A_106 : i32
      %add3A_108 = arith.constant 0 : i32
      %add3A_109 = arith.addi %add3A_108, %mul3A_107 : i32
      %dma_wait3A = arith.constant 0 : i32
      %dma_wait3A_110 = tpu.memref_slice %arg4[%add3A_109, %dma_wait3A] : memref<315x32xi32, #tpu.memory_space<vmem>> -> memref<1x32xi32, #tpu.memory_space<vmem>>
      %dma_wait3A_111 = tpu.memref_squeeze %dma_wait3A_110 : memref<1x32xi32, #tpu.memory_space<vmem>> -> memref<32xi32, #tpu.memory_space<vmem>>
      %dma_wait3A_112 = arith.constant 0 : i32
      %dma_wait3A_113 = tpu.memref_slice %arg7[%dma_wait3A_112] : memref<10240xf32, #tpu.memory_space<vmem_shared>> -> memref<10240xf32, #tpu.memory_space<vmem_shared>>
      tpu.wait_indirect_dma semaphore(%arg8 : memref<!tpu.dma_semaphore, #tpu.memory_space<semaphore_mem>>) src(%arg5 : memref<32xf32, #tpu.memory_space<vmem>>) dst(%dma_wait3A_113 : memref<10240xf32, #tpu.memory_space<vmem_shared>>)
    }
    %scan3A_99 = arith.constant 315 : i32
    %barrier3A_100 = arith.constant 0 : index
    tpu.barrier barrier_id(%barrier3A_100)
    %mul3A_101 = arith.constant 640 : i32
    %mul3A_102 = arith.muli %arg1, %mul3A_101 : i32
    %mul3A_103 = arith.constant 640 : i32
    %mul3A_104 = arith.muli %arg1, %mul3A_103 : i32
    "tpu.region"() ({
      %run_scoped3A = tpu.sem_alloc : memref<!tpu.dma_semaphore, #tpu.memory_space<semaphore_mem>>
      %dma_start3A = tpu.memref_slice %arg3[%arg0, %mul3A_104] : memref<2x10240xf32, #tpu.memory_space<hbm>> -> memref<1x640xf32, #tpu.memory_space<hbm>>
      %dma_start3A_105 = tpu.memref_squeeze %dma_start3A : memref<1x640xf32, #tpu.memory_space<hbm>> -> memref<640xf32, #tpu.memory_space<hbm>>
      %dma_start3A_106 = tpu.memref_slice %arg7[%mul3A_102] : memref<10240xf32, #tpu.memory_space<vmem_shared>> -> memref<640xf32, #tpu.memory_space<vmem_shared>>
      tpu.enqueue_dma source(%dma_start3A_106 : memref<640xf32, #tpu.memory_space<vmem_shared>>) target(%dma_start3A_105 : memref<640xf32, #tpu.memory_space<hbm>>) target_semaphore(%run_scoped3A : memref<!tpu.dma_semaphore, #tpu.memory_space<semaphore_mem>>)
      %dma_wait3A = tpu.memref_slice %arg3[%arg0, %mul3A_104] : memref<2x10240xf32, #tpu.memory_space<hbm>> -> memref<1x640xf32, #tpu.memory_space<hbm>>
      %dma_wait3A_107 = tpu.memref_squeeze %dma_wait3A : memref<1x640xf32, #tpu.memory_space<hbm>> -> memref<640xf32, #tpu.memory_space<hbm>>
      %dma_wait3A_108 = tpu.memref_slice %arg7[%mul3A_102] : memref<10240xf32, #tpu.memory_space<vmem_shared>> -> memref<640xf32, #tpu.memory_space<vmem_shared>>
      tpu.wait_dma2 semaphore(%run_scoped3A : memref<!tpu.dma_semaphore, #tpu.memory_space<semaphore_mem>>) src(%dma_wait3A_108 : memref<640xf32, #tpu.memory_space<vmem_shared>>) dst(%dma_wait3A_107 : memref<640xf32, #tpu.memory_space<hbm>>)
      tpu.yield
    }) : () -> ()
    return
  }
}

#map = affine_map<(d0, d1) -> (0)>
#map1 = affine_map<(d0, d1) -> (0, 0)>
#map2 = affine_map<(d0, d1) -> (0, 0, 0)>
module attributes {stable_mosaic.version = 14 : i64} {
  func.func @agg2_kernel(%arg0: i32, %arg1: i32, %arg2: memref<10240xf32, #tpu.memory_space<hbm>>, %arg3: memref<10240xf32, #tpu.memory_space<hbm>>, %arg4: memref<10240xf32, #tpu.memory_space<hbm>>, %arg5: memref<2x16xf32, #tpu.memory_space<hbm>>, %arg6: memref<16x630x32xi32, #tpu.memory_space<hbm>>, %arg7: memref<16x630x32xi32, #tpu.memory_space<hbm>>, %arg8: memref<2x10240xf32, #tpu.memory_space<hbm>>, %arg9: memref<630x32xi32, #tpu.memory_space<vmem>>, %arg10: memref<630x32xi32, #tpu.memory_space<vmem>>, %arg11: memref<10240xf32, #tpu.memory_space<vmem>>, %arg12: memref<10240xf32, #tpu.memory_space<vmem>>, %arg13: memref<630x32xf32, #tpu.memory_space<vmem>>, %arg14: memref<32xf32, #tpu.memory_space<vmem>>, %arg15: memref<16xf32, #tpu.memory_space<vmem>>, %arg16: memref<640xf32, #tpu.memory_space<vmem>>, %arg17: memref<640xf32, #tpu.memory_space<vmem>>, %arg18: memref<10240xf32, #tpu.memory_space<vmem_shared>>, %arg19: memref<!tpu.dma_semaphore, #tpu.memory_space<semaphore_mem>>) attributes {dimension_semantics = [#tpu.dimension_semantics<core_parallel>, #tpu.dimension_semantics<subcore_parallel>], iteration_bounds = array<i64: 2, 16>, scalar_prefetch = 0 : i64, scratch_operands = 11 : i64, tpu.core_type = #tpu.core_type<sc_vector_subcore>, window_params = [{transform_indices = #map}, {transform_indices = #map}, {transform_indices = #map}, {transform_indices = #map1}, {transform_indices = #map2}, {transform_indices = #map2}, {transform_indices = #map1}]} {
    "tpu.region"() ({
      %run_scoped3A = tpu.sem_alloc : memref<!tpu.dma_semaphore, #tpu.memory_space<semaphore_mem>>
      %dma_start3A = arith.constant 0 : i32
      %dma_start3A_114 = arith.constant 0 : i32
      %dma_start3A_115 = tpu.memref_slice %arg6[%arg1, %dma_start3A, %dma_start3A_114] : memref<16x630x32xi32, #tpu.memory_space<hbm>> -> memref<1x630x32xi32, #tpu.memory_space<hbm>>
      %dma_start3A_116 = tpu.memref_squeeze %dma_start3A_115 : memref<1x630x32xi32, #tpu.memory_space<hbm>> -> memref<630x32xi32, #tpu.memory_space<hbm>>
      %dma_start3A_117 = arith.constant 0 : i32
      %dma_start3A_118 = arith.constant 0 : i32
      %dma_start3A_119 = tpu.memref_slice %arg6[%arg1, %dma_start3A_117, %dma_start3A_118] : memref<16x630x32xi32, #tpu.memory_space<hbm>> -> memref<1x630x32xi32, #tpu.memory_space<hbm>>
      %dma_start3A_120 = tpu.memref_squeeze %dma_start3A_119 : memref<1x630x32xi32, #tpu.memory_space<hbm>> -> memref<630x32xi32, #tpu.memory_space<hbm>>
      tpu.enqueue_dma source(%dma_start3A_120 : memref<630x32xi32, #tpu.memory_space<hbm>>) target(%arg9 : memref<630x32xi32, #tpu.memory_space<vmem>>) target_semaphore(%run_scoped3A : memref<!tpu.dma_semaphore, #tpu.memory_space<semaphore_mem>>)
      %dma_wait3A = arith.constant 0 : i32
      %dma_wait3A_121 = arith.constant 0 : i32
      %dma_wait3A_122 = tpu.memref_slice %arg6[%arg1, %dma_wait3A, %dma_wait3A_121] : memref<16x630x32xi32, #tpu.memory_space<hbm>> -> memref<1x630x32xi32, #tpu.memory_space<hbm>>
      %dma_wait3A_123 = tpu.memref_squeeze %dma_wait3A_122 : memref<1x630x32xi32, #tpu.memory_space<hbm>> -> memref<630x32xi32, #tpu.memory_space<hbm>>
      %dma_wait3A_124 = arith.constant 0 : i32
      %dma_wait3A_125 = arith.constant 0 : i32
      %dma_wait3A_126 = tpu.memref_slice %arg6[%arg1, %dma_wait3A_124, %dma_wait3A_125] : memref<16x630x32xi32, #tpu.memory_space<hbm>> -> memref<1x630x32xi32, #tpu.memory_space<hbm>>
      %dma_wait3A_127 = tpu.memref_squeeze %dma_wait3A_126 : memref<1x630x32xi32, #tpu.memory_space<hbm>> -> memref<630x32xi32, #tpu.memory_space<hbm>>
      tpu.wait_dma2 semaphore(%run_scoped3A : memref<!tpu.dma_semaphore, #tpu.memory_space<semaphore_mem>>) src(%dma_wait3A_127 : memref<630x32xi32, #tpu.memory_space<hbm>>) dst(%arg9 : memref<630x32xi32, #tpu.memory_space<vmem>>)
      tpu.yield
    }) : () -> ()
    "tpu.region"() ({
      %run_scoped3A = tpu.sem_alloc : memref<!tpu.dma_semaphore, #tpu.memory_space<semaphore_mem>>
      %dma_start3A = arith.constant 0 : i32
      %dma_start3A_114 = arith.constant 0 : i32
      %dma_start3A_115 = tpu.memref_slice %arg7[%arg1, %dma_start3A, %dma_start3A_114] : memref<16x630x32xi32, #tpu.memory_space<hbm>> -> memref<1x630x32xi32, #tpu.memory_space<hbm>>
      %dma_start3A_116 = tpu.memref_squeeze %dma_start3A_115 : memref<1x630x32xi32, #tpu.memory_space<hbm>> -> memref<630x32xi32, #tpu.memory_space<hbm>>
      %dma_start3A_117 = arith.constant 0 : i32
      %dma_start3A_118 = arith.constant 0 : i32
      %dma_start3A_119 = tpu.memref_slice %arg7[%arg1, %dma_start3A_117, %dma_start3A_118] : memref<16x630x32xi32, #tpu.memory_space<hbm>> -> memref<1x630x32xi32, #tpu.memory_space<hbm>>
      %dma_start3A_120 = tpu.memref_squeeze %dma_start3A_119 : memref<1x630x32xi32, #tpu.memory_space<hbm>> -> memref<630x32xi32, #tpu.memory_space<hbm>>
      tpu.enqueue_dma source(%dma_start3A_120 : memref<630x32xi32, #tpu.memory_space<hbm>>) target(%arg10 : memref<630x32xi32, #tpu.memory_space<vmem>>) target_semaphore(%run_scoped3A : memref<!tpu.dma_semaphore, #tpu.memory_space<semaphore_mem>>)
      %dma_wait3A = arith.constant 0 : i32
      %dma_wait3A_121 = arith.constant 0 : i32
      %dma_wait3A_122 = tpu.memref_slice %arg7[%arg1, %dma_wait3A, %dma_wait3A_121] : memref<16x630x32xi32, #tpu.memory_space<hbm>> -> memref<1x630x32xi32, #tpu.memory_space<hbm>>
      %dma_wait3A_123 = tpu.memref_squeeze %dma_wait3A_122 : memref<1x630x32xi32, #tpu.memory_space<hbm>> -> memref<630x32xi32, #tpu.memory_space<hbm>>
      %dma_wait3A_124 = arith.constant 0 : i32
      %dma_wait3A_125 = arith.constant 0 : i32
      %dma_wait3A_126 = tpu.memref_slice %arg7[%arg1, %dma_wait3A_124, %dma_wait3A_125] : memref<16x630x32xi32, #tpu.memory_space<hbm>> -> memref<1x630x32xi32, #tpu.memory_space<hbm>>
      %dma_wait3A_127 = tpu.memref_squeeze %dma_wait3A_126 : memref<1x630x32xi32, #tpu.memory_space<hbm>> -> memref<630x32xi32, #tpu.memory_space<hbm>>
      tpu.wait_dma2 semaphore(%run_scoped3A : memref<!tpu.dma_semaphore, #tpu.memory_space<semaphore_mem>>) src(%dma_wait3A_127 : memref<630x32xi32, #tpu.memory_space<hbm>>) dst(%arg10 : memref<630x32xi32, #tpu.memory_space<vmem>>)
      tpu.yield
    }) : () -> ()
    %eq3A = arith.constant 0 : i32
    %eq3A_0 = arith.cmpi eq, %arg0, %eq3A : i32
    %convert_element_type3A = arith.extui %eq3A_0 : i1 to i32
    %cond3A = arith.constant 0 : i32
    %cond3A_1 = arith.cmpi ne, %convert_element_type3A, %cond3A : i32
    scf.if %cond3A_1 {
      "tpu.region"() ({
        %run_scoped3A = tpu.sem_alloc : memref<!tpu.dma_semaphore, #tpu.memory_space<semaphore_mem>>
        tpu.enqueue_dma source(%arg2 : memref<10240xf32, #tpu.memory_space<hbm>>) target(%arg11 : memref<10240xf32, #tpu.memory_space<vmem>>) target_semaphore(%run_scoped3A : memref<!tpu.dma_semaphore, #tpu.memory_space<semaphore_mem>>)
        tpu.wait_dma2 semaphore(%run_scoped3A : memref<!tpu.dma_semaphore, #tpu.memory_space<semaphore_mem>>) src(%arg2 : memref<10240xf32, #tpu.memory_space<hbm>>) dst(%arg11 : memref<10240xf32, #tpu.memory_space<vmem>>)
        tpu.yield
      }) : () -> ()
    } else {
    }
    %ne3A = arith.constant 0 : i32
    %ne3A_2 = arith.cmpi ne, %arg0, %ne3A : i32
    %convert_element_type3A_3 = arith.extui %ne3A_2 : i1 to i32
    %cond3A_4 = arith.constant 0 : i32
    %cond3A_5 = arith.cmpi ne, %convert_element_type3A_3, %cond3A_4 : i32
    scf.if %cond3A_5 {
      "tpu.region"() ({
        %run_scoped3A = tpu.sem_alloc : memref<!tpu.dma_semaphore, #tpu.memory_space<semaphore_mem>>
        tpu.enqueue_dma source(%arg3 : memref<10240xf32, #tpu.memory_space<hbm>>) target(%arg11 : memref<10240xf32, #tpu.memory_space<vmem>>) target_semaphore(%run_scoped3A : memref<!tpu.dma_semaphore, #tpu.memory_space<semaphore_mem>>)
        tpu.wait_dma2 semaphore(%run_scoped3A : memref<!tpu.dma_semaphore, #tpu.memory_space<semaphore_mem>>) src(%arg3 : memref<10240xf32, #tpu.memory_space<hbm>>) dst(%arg11 : memref<10240xf32, #tpu.memory_space<vmem>>)
        tpu.yield
      }) : () -> ()
    } else {
    }
    "tpu.region"() ({
      %run_scoped3A = tpu.sem_alloc : memref<!tpu.dma_semaphore, #tpu.memory_space<semaphore_mem>>
      tpu.enqueue_dma source(%arg4 : memref<10240xf32, #tpu.memory_space<hbm>>) target(%arg12 : memref<10240xf32, #tpu.memory_space<vmem>>) target_semaphore(%run_scoped3A : memref<!tpu.dma_semaphore, #tpu.memory_space<semaphore_mem>>)
      tpu.wait_dma2 semaphore(%run_scoped3A : memref<!tpu.dma_semaphore, #tpu.memory_space<semaphore_mem>>) src(%arg4 : memref<10240xf32, #tpu.memory_space<hbm>>) dst(%arg12 : memref<10240xf32, #tpu.memory_space<vmem>>)
      tpu.yield
    }) : () -> ()
    "tpu.region"() ({
      %run_scoped3A = tpu.sem_alloc : memref<!tpu.dma_semaphore, #tpu.memory_space<semaphore_mem>>
      %dma_start3A = arith.constant 0 : i32
      %dma_start3A_114 = tpu.memref_slice %arg5[%arg0, %dma_start3A] : memref<2x16xf32, #tpu.memory_space<hbm>> -> memref<1x16xf32, #tpu.memory_space<hbm>>
      %dma_start3A_115 = tpu.memref_squeeze %dma_start3A_114 : memref<1x16xf32, #tpu.memory_space<hbm>> -> memref<16xf32, #tpu.memory_space<hbm>>
      %dma_start3A_116 = arith.constant 0 : i32
      %dma_start3A_117 = tpu.memref_slice %arg5[%arg0, %dma_start3A_116] : memref<2x16xf32, #tpu.memory_space<hbm>> -> memref<1x16xf32, #tpu.memory_space<hbm>>
      %dma_start3A_118 = tpu.memref_squeeze %dma_start3A_117 : memref<1x16xf32, #tpu.memory_space<hbm>> -> memref<16xf32, #tpu.memory_space<hbm>>
      tpu.enqueue_dma source(%dma_start3A_118 : memref<16xf32, #tpu.memory_space<hbm>>) target(%arg15 : memref<16xf32, #tpu.memory_space<vmem>>) target_semaphore(%run_scoped3A : memref<!tpu.dma_semaphore, #tpu.memory_space<semaphore_mem>>)
      %dma_wait3A = arith.constant 0 : i32
      %dma_wait3A_119 = tpu.memref_slice %arg5[%arg0, %dma_wait3A] : memref<2x16xf32, #tpu.memory_space<hbm>> -> memref<1x16xf32, #tpu.memory_space<hbm>>
      %dma_wait3A_120 = tpu.memref_squeeze %dma_wait3A_119 : memref<1x16xf32, #tpu.memory_space<hbm>> -> memref<16xf32, #tpu.memory_space<hbm>>
      %dma_wait3A_121 = arith.constant 0 : i32
      %dma_wait3A_122 = tpu.memref_slice %arg5[%arg0, %dma_wait3A_121] : memref<2x16xf32, #tpu.memory_space<hbm>> -> memref<1x16xf32, #tpu.memory_space<hbm>>
      %dma_wait3A_123 = tpu.memref_squeeze %dma_wait3A_122 : memref<1x16xf32, #tpu.memory_space<hbm>> -> memref<16xf32, #tpu.memory_space<hbm>>
      tpu.wait_dma2 semaphore(%run_scoped3A : memref<!tpu.dma_semaphore, #tpu.memory_space<semaphore_mem>>) src(%dma_wait3A_123 : memref<16xf32, #tpu.memory_space<hbm>>) dst(%arg15 : memref<16xf32, #tpu.memory_space<vmem>>)
      tpu.yield
    }) : () -> ()
    %scan3A = arith.constant 0 : i32
    %scan3A_6 = arith.constant 2 : i32
    %scan3A_7 = arith.addi %scan3A, %scan3A_6 : i32
    %scan3A_8 = arith.constant 1 : i32
    scf.for %scan3A_114 = %scan3A to %scan3A_7 step %scan3A_8  : i32 {
      %mul3A_115 = arith.constant 1 : i32
      %mul3A_116 = arith.muli %scan3A_114, %mul3A_115 : i32
      %add3A_117 = arith.constant 0 : i32
      %add3A_118 = arith.addi %add3A_117, %mul3A_116 : i32
      %broadcast_in_dim3A = arith.constant 0.000000e+00 : f32
      %broadcast_in_dim3A_119 = vector.broadcast %broadcast_in_dim3A : f32 to vector<16xf32>
      %mul3A_120 = arith.constant 16 : i32
      %mul3A_121 = arith.muli %add3A_118, %mul3A_120 : i32
      %swap3A = arith.index_cast %mul3A_121 : i32 to index
      %swap3A_122 = tpu.vector_load %arg14[%swap3A] {strides = array<i32>} : memref<32xf32, #tpu.memory_space<vmem>>, vector<16xf32>,
      %swap3A_123 = vector.shape_cast %swap3A_122 : vector<16xf32> to vector<16xf32>
      %swap3A_124 = vector.shape_cast %broadcast_in_dim3A_119 : vector<16xf32> to vector<16xf32>
      tpu.vector_store %arg14[%swap3A], %swap3A_124 {strides = array<i32>} : memref<32xf32, #tpu.memory_space<vmem>>, vector<16xf32>,
    }
    %scan3A_9 = arith.constant 2 : i32
    %mul3A = arith.constant 640 : i32
    %mul3A_10 = arith.muli %arg1, %mul3A : i32
    %add3A = arith.constant 0 : i32
    %add3A_11 = arith.addi %mul3A_10, %add3A : i32
    "tpu.region"() ({
      %run_scoped3A = tpu.sem_alloc : memref<!tpu.dma_semaphore, #tpu.memory_space<semaphore_mem>>
      %dma_start3A = tpu.memref_slice %arg18[%add3A_11] : memref<10240xf32, #tpu.memory_space<vmem_shared>> -> memref<32xf32, #tpu.memory_space<vmem_shared>>
      %dma_start3A_114 = tpu.memref_slice %arg18[%add3A_11] : memref<10240xf32, #tpu.memory_space<vmem_shared>> -> memref<32xf32, #tpu.memory_space<vmem_shared>>
      tpu.enqueue_dma source(%arg14 : memref<32xf32, #tpu.memory_space<vmem>>) target(%dma_start3A_114 : memref<32xf32, #tpu.memory_space<vmem_shared>>) target_semaphore(%run_scoped3A : memref<!tpu.dma_semaphore, #tpu.memory_space<semaphore_mem>>)
      %dma_wait3A = tpu.memref_slice %arg18[%add3A_11] : memref<10240xf32, #tpu.memory_space<vmem_shared>> -> memref<32xf32, #tpu.memory_space<vmem_shared>>
      %dma_wait3A_115 = tpu.memref_slice %arg18[%add3A_11] : memref<10240xf32, #tpu.memory_space<vmem_shared>> -> memref<32xf32, #tpu.memory_space<vmem_shared>>
      tpu.wait_dma2 semaphore(%run_scoped3A : memref<!tpu.dma_semaphore, #tpu.memory_space<semaphore_mem>>) src(%arg14 : memref<32xf32, #tpu.memory_space<vmem>>) dst(%dma_wait3A_115 : memref<32xf32, #tpu.memory_space<vmem_shared>>)
      tpu.yield
    }) : () -> ()
    %mul3A_12 = arith.constant 640 : i32
    %mul3A_13 = arith.muli %arg1, %mul3A_12 : i32
    %add3A_14 = arith.constant 32 : i32
    %add3A_15 = arith.addi %mul3A_13, %add3A_14 : i32
    "tpu.region"() ({
      %run_scoped3A = tpu.sem_alloc : memref<!tpu.dma_semaphore, #tpu.memory_space<semaphore_mem>>
      %dma_start3A = tpu.memref_slice %arg18[%add3A_15] : memref<10240xf32, #tpu.memory_space<vmem_shared>> -> memref<32xf32, #tpu.memory_space<vmem_shared>>
      %dma_start3A_114 = tpu.memref_slice %arg18[%add3A_15] : memref<10240xf32, #tpu.memory_space<vmem_shared>> -> memref<32xf32, #tpu.memory_space<vmem_shared>>
      tpu.enqueue_dma source(%arg14 : memref<32xf32, #tpu.memory_space<vmem>>) target(%dma_start3A_114 : memref<32xf32, #tpu.memory_space<vmem_shared>>) target_semaphore(%run_scoped3A : memref<!tpu.dma_semaphore, #tpu.memory_space<semaphore_mem>>)
      %dma_wait3A = tpu.memref_slice %arg18[%add3A_15] : memref<10240xf32, #tpu.memory_space<vmem_shared>> -> memref<32xf32, #tpu.memory_space<vmem_shared>>
      %dma_wait3A_115 = tpu.memref_slice %arg18[%add3A_15] : memref<10240xf32, #tpu.memory_space<vmem_shared>> -> memref<32xf32, #tpu.memory_space<vmem_shared>>
      tpu.wait_dma2 semaphore(%run_scoped3A : memref<!tpu.dma_semaphore, #tpu.memory_space<semaphore_mem>>) src(%arg14 : memref<32xf32, #tpu.memory_space<vmem>>) dst(%dma_wait3A_115 : memref<32xf32, #tpu.memory_space<vmem_shared>>)
      tpu.yield
    }) : () -> ()
    %mul3A_16 = arith.constant 640 : i32
    %mul3A_17 = arith.muli %arg1, %mul3A_16 : i32
    %add3A_18 = arith.constant 64 : i32
    %add3A_19 = arith.addi %mul3A_17, %add3A_18 : i32
    "tpu.region"() ({
      %run_scoped3A = tpu.sem_alloc : memref<!tpu.dma_semaphore, #tpu.memory_space<semaphore_mem>>
      %dma_start3A = tpu.memref_slice %arg18[%add3A_19] : memref<10240xf32, #tpu.memory_space<vmem_shared>> -> memref<32xf32, #tpu.memory_space<vmem_shared>>
      %dma_start3A_114 = tpu.memref_slice %arg18[%add3A_19] : memref<10240xf32, #tpu.memory_space<vmem_shared>> -> memref<32xf32, #tpu.memory_space<vmem_shared>>
      tpu.enqueue_dma source(%arg14 : memref<32xf32, #tpu.memory_space<vmem>>) target(%dma_start3A_114 : memref<32xf32, #tpu.memory_space<vmem_shared>>) target_semaphore(%run_scoped3A : memref<!tpu.dma_semaphore, #tpu.memory_space<semaphore_mem>>)
      %dma_wait3A = tpu.memref_slice %arg18[%add3A_19] : memref<10240xf32, #tpu.memory_space<vmem_shared>> -> memref<32xf32, #tpu.memory_space<vmem_shared>>
      %dma_wait3A_115 = tpu.memref_slice %arg18[%add3A_19] : memref<10240xf32, #tpu.memory_space<vmem_shared>> -> memref<32xf32, #tpu.memory_space<vmem_shared>>
      tpu.wait_dma2 semaphore(%run_scoped3A : memref<!tpu.dma_semaphore, #tpu.memory_space<semaphore_mem>>) src(%arg14 : memref<32xf32, #tpu.memory_space<vmem>>) dst(%dma_wait3A_115 : memref<32xf32, #tpu.memory_space<vmem_shared>>)
      tpu.yield
    }) : () -> ()
    %mul3A_20 = arith.constant 640 : i32
    %mul3A_21 = arith.muli %arg1, %mul3A_20 : i32
    %add3A_22 = arith.constant 96 : i32
    %add3A_23 = arith.addi %mul3A_21, %add3A_22 : i32
    "tpu.region"() ({
      %run_scoped3A = tpu.sem_alloc : memref<!tpu.dma_semaphore, #tpu.memory_space<semaphore_mem>>
      %dma_start3A = tpu.memref_slice %arg18[%add3A_23] : memref<10240xf32, #tpu.memory_space<vmem_shared>> -> memref<32xf32, #tpu.memory_space<vmem_shared>>
      %dma_start3A_114 = tpu.memref_slice %arg18[%add3A_23] : memref<10240xf32, #tpu.memory_space<vmem_shared>> -> memref<32xf32, #tpu.memory_space<vmem_shared>>
      tpu.enqueue_dma source(%arg14 : memref<32xf32, #tpu.memory_space<vmem>>) target(%dma_start3A_114 : memref<32xf32, #tpu.memory_space<vmem_shared>>) target_semaphore(%run_scoped3A : memref<!tpu.dma_semaphore, #tpu.memory_space<semaphore_mem>>)
      %dma_wait3A = tpu.memref_slice %arg18[%add3A_23] : memref<10240xf32, #tpu.memory_space<vmem_shared>> -> memref<32xf32, #tpu.memory_space<vmem_shared>>
      %dma_wait3A_115 = tpu.memref_slice %arg18[%add3A_23] : memref<10240xf32, #tpu.memory_space<vmem_shared>> -> memref<32xf32, #tpu.memory_space<vmem_shared>>
      tpu.wait_dma2 semaphore(%run_scoped3A : memref<!tpu.dma_semaphore, #tpu.memory_space<semaphore_mem>>) src(%arg14 : memref<32xf32, #tpu.memory_space<vmem>>) dst(%dma_wait3A_115 : memref<32xf32, #tpu.memory_space<vmem_shared>>)
      tpu.yield
    }) : () -> ()
    %mul3A_24 = arith.constant 640 : i32
    %mul3A_25 = arith.muli %arg1, %mul3A_24 : i32
    %add3A_26 = arith.constant 128 : i32
    %add3A_27 = arith.addi %mul3A_25, %add3A_26 : i32
    "tpu.region"() ({
      %run_scoped3A = tpu.sem_alloc : memref<!tpu.dma_semaphore, #tpu.memory_space<semaphore_mem>>
      %dma_start3A = tpu.memref_slice %arg18[%add3A_27] : memref<10240xf32, #tpu.memory_space<vmem_shared>> -> memref<32xf32, #tpu.memory_space<vmem_shared>>
      %dma_start3A_114 = tpu.memref_slice %arg18[%add3A_27] : memref<10240xf32, #tpu.memory_space<vmem_shared>> -> memref<32xf32, #tpu.memory_space<vmem_shared>>
      tpu.enqueue_dma source(%arg14 : memref<32xf32, #tpu.memory_space<vmem>>) target(%dma_start3A_114 : memref<32xf32, #tpu.memory_space<vmem_shared>>) target_semaphore(%run_scoped3A : memref<!tpu.dma_semaphore, #tpu.memory_space<semaphore_mem>>)
      %dma_wait3A = tpu.memref_slice %arg18[%add3A_27] : memref<10240xf32, #tpu.memory_space<vmem_shared>> -> memref<32xf32, #tpu.memory_space<vmem_shared>>
      %dma_wait3A_115 = tpu.memref_slice %arg18[%add3A_27] : memref<10240xf32, #tpu.memory_space<vmem_shared>> -> memref<32xf32, #tpu.memory_space<vmem_shared>>
      tpu.wait_dma2 semaphore(%run_scoped3A : memref<!tpu.dma_semaphore, #tpu.memory_space<semaphore_mem>>) src(%arg14 : memref<32xf32, #tpu.memory_space<vmem>>) dst(%dma_wait3A_115 : memref<32xf32, #tpu.memory_space<vmem_shared>>)
      tpu.yield
    }) : () -> ()
    %mul3A_28 = arith.constant 640 : i32
    %mul3A_29 = arith.muli %arg1, %mul3A_28 : i32
    %add3A_30 = arith.constant 160 : i32
    %add3A_31 = arith.addi %mul3A_29, %add3A_30 : i32
    "tpu.region"() ({
      %run_scoped3A = tpu.sem_alloc : memref<!tpu.dma_semaphore, #tpu.memory_space<semaphore_mem>>
      %dma_start3A = tpu.memref_slice %arg18[%add3A_31] : memref<10240xf32, #tpu.memory_space<vmem_shared>> -> memref<32xf32, #tpu.memory_space<vmem_shared>>
      %dma_start3A_114 = tpu.memref_slice %arg18[%add3A_31] : memref<10240xf32, #tpu.memory_space<vmem_shared>> -> memref<32xf32, #tpu.memory_space<vmem_shared>>
      tpu.enqueue_dma source(%arg14 : memref<32xf32, #tpu.memory_space<vmem>>) target(%dma_start3A_114 : memref<32xf32, #tpu.memory_space<vmem_shared>>) target_semaphore(%run_scoped3A : memref<!tpu.dma_semaphore, #tpu.memory_space<semaphore_mem>>)
      %dma_wait3A = tpu.memref_slice %arg18[%add3A_31] : memref<10240xf32, #tpu.memory_space<vmem_shared>> -> memref<32xf32, #tpu.memory_space<vmem_shared>>
      %dma_wait3A_115 = tpu.memref_slice %arg18[%add3A_31] : memref<10240xf32, #tpu.memory_space<vmem_shared>> -> memref<32xf32, #tpu.memory_space<vmem_shared>>
      tpu.wait_dma2 semaphore(%run_scoped3A : memref<!tpu.dma_semaphore, #tpu.memory_space<semaphore_mem>>) src(%arg14 : memref<32xf32, #tpu.memory_space<vmem>>) dst(%dma_wait3A_115 : memref<32xf32, #tpu.memory_space<vmem_shared>>)
      tpu.yield
    }) : () -> ()
    %mul3A_32 = arith.constant 640 : i32
    %mul3A_33 = arith.muli %arg1, %mul3A_32 : i32
    %add3A_34 = arith.constant 192 : i32
    %add3A_35 = arith.addi %mul3A_33, %add3A_34 : i32
    "tpu.region"() ({
      %run_scoped3A = tpu.sem_alloc : memref<!tpu.dma_semaphore, #tpu.memory_space<semaphore_mem>>
      %dma_start3A = tpu.memref_slice %arg18[%add3A_35] : memref<10240xf32, #tpu.memory_space<vmem_shared>> -> memref<32xf32, #tpu.memory_space<vmem_shared>>
      %dma_start3A_114 = tpu.memref_slice %arg18[%add3A_35] : memref<10240xf32, #tpu.memory_space<vmem_shared>> -> memref<32xf32, #tpu.memory_space<vmem_shared>>
      tpu.enqueue_dma source(%arg14 : memref<32xf32, #tpu.memory_space<vmem>>) target(%dma_start3A_114 : memref<32xf32, #tpu.memory_space<vmem_shared>>) target_semaphore(%run_scoped3A : memref<!tpu.dma_semaphore, #tpu.memory_space<semaphore_mem>>)
      %dma_wait3A = tpu.memref_slice %arg18[%add3A_35] : memref<10240xf32, #tpu.memory_space<vmem_shared>> -> memref<32xf32, #tpu.memory_space<vmem_shared>>
      %dma_wait3A_115 = tpu.memref_slice %arg18[%add3A_35] : memref<10240xf32, #tpu.memory_space<vmem_shared>> -> memref<32xf32, #tpu.memory_space<vmem_shared>>
      tpu.wait_dma2 semaphore(%run_scoped3A : memref<!tpu.dma_semaphore, #tpu.memory_space<semaphore_mem>>) src(%arg14 : memref<32xf32, #tpu.memory_space<vmem>>) dst(%dma_wait3A_115 : memref<32xf32, #tpu.memory_space<vmem_shared>>)
      tpu.yield
    }) : () -> ()
    %mul3A_36 = arith.constant 640 : i32
    %mul3A_37 = arith.muli %arg1, %mul3A_36 : i32
    %add3A_38 = arith.constant 224 : i32
    %add3A_39 = arith.addi %mul3A_37, %add3A_38 : i32
    "tpu.region"() ({
      %run_scoped3A = tpu.sem_alloc : memref<!tpu.dma_semaphore, #tpu.memory_space<semaphore_mem>>
      %dma_start3A = tpu.memref_slice %arg18[%add3A_39] : memref<10240xf32, #tpu.memory_space<vmem_shared>> -> memref<32xf32, #tpu.memory_space<vmem_shared>>
      %dma_start3A_114 = tpu.memref_slice %arg18[%add3A_39] : memref<10240xf32, #tpu.memory_space<vmem_shared>> -> memref<32xf32, #tpu.memory_space<vmem_shared>>
      tpu.enqueue_dma source(%arg14 : memref<32xf32, #tpu.memory_space<vmem>>) target(%dma_start3A_114 : memref<32xf32, #tpu.memory_space<vmem_shared>>) target_semaphore(%run_scoped3A : memref<!tpu.dma_semaphore, #tpu.memory_space<semaphore_mem>>)
      %dma_wait3A = tpu.memref_slice %arg18[%add3A_39] : memref<10240xf32, #tpu.memory_space<vmem_shared>> -> memref<32xf32, #tpu.memory_space<vmem_shared>>
      %dma_wait3A_115 = tpu.memref_slice %arg18[%add3A_39] : memref<10240xf32, #tpu.memory_space<vmem_shared>> -> memref<32xf32, #tpu.memory_space<vmem_shared>>
      tpu.wait_dma2 semaphore(%run_scoped3A : memref<!tpu.dma_semaphore, #tpu.memory_space<semaphore_mem>>) src(%arg14 : memref<32xf32, #tpu.memory_space<vmem>>) dst(%dma_wait3A_115 : memref<32xf32, #tpu.memory_space<vmem_shared>>)
      tpu.yield
    }) : () -> ()
    %mul3A_40 = arith.constant 640 : i32
    %mul3A_41 = arith.muli %arg1, %mul3A_40 : i32
    %add3A_42 = arith.constant 256 : i32
    %add3A_43 = arith.addi %mul3A_41, %add3A_42 : i32
    "tpu.region"() ({
      %run_scoped3A = tpu.sem_alloc : memref<!tpu.dma_semaphore, #tpu.memory_space<semaphore_mem>>
      %dma_start3A = tpu.memref_slice %arg18[%add3A_43] : memref<10240xf32, #tpu.memory_space<vmem_shared>> -> memref<32xf32, #tpu.memory_space<vmem_shared>>
      %dma_start3A_114 = tpu.memref_slice %arg18[%add3A_43] : memref<10240xf32, #tpu.memory_space<vmem_shared>> -> memref<32xf32, #tpu.memory_space<vmem_shared>>
      tpu.enqueue_dma source(%arg14 : memref<32xf32, #tpu.memory_space<vmem>>) target(%dma_start3A_114 : memref<32xf32, #tpu.memory_space<vmem_shared>>) target_semaphore(%run_scoped3A : memref<!tpu.dma_semaphore, #tpu.memory_space<semaphore_mem>>)
      %dma_wait3A = tpu.memref_slice %arg18[%add3A_43] : memref<10240xf32, #tpu.memory_space<vmem_shared>> -> memref<32xf32, #tpu.memory_space<vmem_shared>>
      %dma_wait3A_115 = tpu.memref_slice %arg18[%add3A_43] : memref<10240xf32, #tpu.memory_space<vmem_shared>> -> memref<32xf32, #tpu.memory_space<vmem_shared>>
      tpu.wait_dma2 semaphore(%run_scoped3A : memref<!tpu.dma_semaphore, #tpu.memory_space<semaphore_mem>>) src(%arg14 : memref<32xf32, #tpu.memory_space<vmem>>) dst(%dma_wait3A_115 : memref<32xf32, #tpu.memory_space<vmem_shared>>)
      tpu.yield
    }) : () -> ()
    %mul3A_44 = arith.constant 640 : i32
    %mul3A_45 = arith.muli %arg1, %mul3A_44 : i32
    %add3A_46 = arith.constant 288 : i32
    %add3A_47 = arith.addi %mul3A_45, %add3A_46 : i32
    "tpu.region"() ({
      %run_scoped3A = tpu.sem_alloc : memref<!tpu.dma_semaphore, #tpu.memory_space<semaphore_mem>>
      %dma_start3A = tpu.memref_slice %arg18[%add3A_47] : memref<10240xf32, #tpu.memory_space<vmem_shared>> -> memref<32xf32, #tpu.memory_space<vmem_shared>>
      %dma_start3A_114 = tpu.memref_slice %arg18[%add3A_47] : memref<10240xf32, #tpu.memory_space<vmem_shared>> -> memref<32xf32, #tpu.memory_space<vmem_shared>>
      tpu.enqueue_dma source(%arg14 : memref<32xf32, #tpu.memory_space<vmem>>) target(%dma_start3A_114 : memref<32xf32, #tpu.memory_space<vmem_shared>>) target_semaphore(%run_scoped3A : memref<!tpu.dma_semaphore, #tpu.memory_space<semaphore_mem>>)
      %dma_wait3A = tpu.memref_slice %arg18[%add3A_47] : memref<10240xf32, #tpu.memory_space<vmem_shared>> -> memref<32xf32, #tpu.memory_space<vmem_shared>>
      %dma_wait3A_115 = tpu.memref_slice %arg18[%add3A_47] : memref<10240xf32, #tpu.memory_space<vmem_shared>> -> memref<32xf32, #tpu.memory_space<vmem_shared>>
      tpu.wait_dma2 semaphore(%run_scoped3A : memref<!tpu.dma_semaphore, #tpu.memory_space<semaphore_mem>>) src(%arg14 : memref<32xf32, #tpu.memory_space<vmem>>) dst(%dma_wait3A_115 : memref<32xf32, #tpu.memory_space<vmem_shared>>)
      tpu.yield
    }) : () -> ()
    %mul3A_48 = arith.constant 640 : i32
    %mul3A_49 = arith.muli %arg1, %mul3A_48 : i32
    %add3A_50 = arith.constant 320 : i32
    %add3A_51 = arith.addi %mul3A_49, %add3A_50 : i32
    "tpu.region"() ({
      %run_scoped3A = tpu.sem_alloc : memref<!tpu.dma_semaphore, #tpu.memory_space<semaphore_mem>>
      %dma_start3A = tpu.memref_slice %arg18[%add3A_51] : memref<10240xf32, #tpu.memory_space<vmem_shared>> -> memref<32xf32, #tpu.memory_space<vmem_shared>>
      %dma_start3A_114 = tpu.memref_slice %arg18[%add3A_51] : memref<10240xf32, #tpu.memory_space<vmem_shared>> -> memref<32xf32, #tpu.memory_space<vmem_shared>>
      tpu.enqueue_dma source(%arg14 : memref<32xf32, #tpu.memory_space<vmem>>) target(%dma_start3A_114 : memref<32xf32, #tpu.memory_space<vmem_shared>>) target_semaphore(%run_scoped3A : memref<!tpu.dma_semaphore, #tpu.memory_space<semaphore_mem>>)
      %dma_wait3A = tpu.memref_slice %arg18[%add3A_51] : memref<10240xf32, #tpu.memory_space<vmem_shared>> -> memref<32xf32, #tpu.memory_space<vmem_shared>>
      %dma_wait3A_115 = tpu.memref_slice %arg18[%add3A_51] : memref<10240xf32, #tpu.memory_space<vmem_shared>> -> memref<32xf32, #tpu.memory_space<vmem_shared>>
      tpu.wait_dma2 semaphore(%run_scoped3A : memref<!tpu.dma_semaphore, #tpu.memory_space<semaphore_mem>>) src(%arg14 : memref<32xf32, #tpu.memory_space<vmem>>) dst(%dma_wait3A_115 : memref<32xf32, #tpu.memory_space<vmem_shared>>)
      tpu.yield
    }) : () -> ()
    %mul3A_52 = arith.constant 640 : i32
    %mul3A_53 = arith.muli %arg1, %mul3A_52 : i32
    %add3A_54 = arith.constant 352 : i32
    %add3A_55 = arith.addi %mul3A_53, %add3A_54 : i32
    "tpu.region"() ({
      %run_scoped3A = tpu.sem_alloc : memref<!tpu.dma_semaphore, #tpu.memory_space<semaphore_mem>>
      %dma_start3A = tpu.memref_slice %arg18[%add3A_55] : memref<10240xf32, #tpu.memory_space<vmem_shared>> -> memref<32xf32, #tpu.memory_space<vmem_shared>>
      %dma_start3A_114 = tpu.memref_slice %arg18[%add3A_55] : memref<10240xf32, #tpu.memory_space<vmem_shared>> -> memref<32xf32, #tpu.memory_space<vmem_shared>>
      tpu.enqueue_dma source(%arg14 : memref<32xf32, #tpu.memory_space<vmem>>) target(%dma_start3A_114 : memref<32xf32, #tpu.memory_space<vmem_shared>>) target_semaphore(%run_scoped3A : memref<!tpu.dma_semaphore, #tpu.memory_space<semaphore_mem>>)
      %dma_wait3A = tpu.memref_slice %arg18[%add3A_55] : memref<10240xf32, #tpu.memory_space<vmem_shared>> -> memref<32xf32, #tpu.memory_space<vmem_shared>>
      %dma_wait3A_115 = tpu.memref_slice %arg18[%add3A_55] : memref<10240xf32, #tpu.memory_space<vmem_shared>> -> memref<32xf32, #tpu.memory_space<vmem_shared>>
      tpu.wait_dma2 semaphore(%run_scoped3A : memref<!tpu.dma_semaphore, #tpu.memory_space<semaphore_mem>>) src(%arg14 : memref<32xf32, #tpu.memory_space<vmem>>) dst(%dma_wait3A_115 : memref<32xf32, #tpu.memory_space<vmem_shared>>)
      tpu.yield
    }) : () -> ()
    %mul3A_56 = arith.constant 640 : i32
    %mul3A_57 = arith.muli %arg1, %mul3A_56 : i32
    %add3A_58 = arith.constant 384 : i32
    %add3A_59 = arith.addi %mul3A_57, %add3A_58 : i32
    "tpu.region"() ({
      %run_scoped3A = tpu.sem_alloc : memref<!tpu.dma_semaphore, #tpu.memory_space<semaphore_mem>>
      %dma_start3A = tpu.memref_slice %arg18[%add3A_59] : memref<10240xf32, #tpu.memory_space<vmem_shared>> -> memref<32xf32, #tpu.memory_space<vmem_shared>>
      %dma_start3A_114 = tpu.memref_slice %arg18[%add3A_59] : memref<10240xf32, #tpu.memory_space<vmem_shared>> -> memref<32xf32, #tpu.memory_space<vmem_shared>>
      tpu.enqueue_dma source(%arg14 : memref<32xf32, #tpu.memory_space<vmem>>) target(%dma_start3A_114 : memref<32xf32, #tpu.memory_space<vmem_shared>>) target_semaphore(%run_scoped3A : memref<!tpu.dma_semaphore, #tpu.memory_space<semaphore_mem>>)
      %dma_wait3A = tpu.memref_slice %arg18[%add3A_59] : memref<10240xf32, #tpu.memory_space<vmem_shared>> -> memref<32xf32, #tpu.memory_space<vmem_shared>>
      %dma_wait3A_115 = tpu.memref_slice %arg18[%add3A_59] : memref<10240xf32, #tpu.memory_space<vmem_shared>> -> memref<32xf32, #tpu.memory_space<vmem_shared>>
      tpu.wait_dma2 semaphore(%run_scoped3A : memref<!tpu.dma_semaphore, #tpu.memory_space<semaphore_mem>>) src(%arg14 : memref<32xf32, #tpu.memory_space<vmem>>) dst(%dma_wait3A_115 : memref<32xf32, #tpu.memory_space<vmem_shared>>)
      tpu.yield
    }) : () -> ()
    %mul3A_60 = arith.constant 640 : i32
    %mul3A_61 = arith.muli %arg1, %mul3A_60 : i32
    %add3A_62 = arith.constant 416 : i32
    %add3A_63 = arith.addi %mul3A_61, %add3A_62 : i32
    "tpu.region"() ({
      %run_scoped3A = tpu.sem_alloc : memref<!tpu.dma_semaphore, #tpu.memory_space<semaphore_mem>>
      %dma_start3A = tpu.memref_slice %arg18[%add3A_63] : memref<10240xf32, #tpu.memory_space<vmem_shared>> -> memref<32xf32, #tpu.memory_space<vmem_shared>>
      %dma_start3A_114 = tpu.memref_slice %arg18[%add3A_63] : memref<10240xf32, #tpu.memory_space<vmem_shared>> -> memref<32xf32, #tpu.memory_space<vmem_shared>>
      tpu.enqueue_dma source(%arg14 : memref<32xf32, #tpu.memory_space<vmem>>) target(%dma_start3A_114 : memref<32xf32, #tpu.memory_space<vmem_shared>>) target_semaphore(%run_scoped3A : memref<!tpu.dma_semaphore, #tpu.memory_space<semaphore_mem>>)
      %dma_wait3A = tpu.memref_slice %arg18[%add3A_63] : memref<10240xf32, #tpu.memory_space<vmem_shared>> -> memref<32xf32, #tpu.memory_space<vmem_shared>>
      %dma_wait3A_115 = tpu.memref_slice %arg18[%add3A_63] : memref<10240xf32, #tpu.memory_space<vmem_shared>> -> memref<32xf32, #tpu.memory_space<vmem_shared>>
      tpu.wait_dma2 semaphore(%run_scoped3A : memref<!tpu.dma_semaphore, #tpu.memory_space<semaphore_mem>>) src(%arg14 : memref<32xf32, #tpu.memory_space<vmem>>) dst(%dma_wait3A_115 : memref<32xf32, #tpu.memory_space<vmem_shared>>)
      tpu.yield
    }) : () -> ()
    %mul3A_64 = arith.constant 640 : i32
    %mul3A_65 = arith.muli %arg1, %mul3A_64 : i32
    %add3A_66 = arith.constant 448 : i32
    %add3A_67 = arith.addi %mul3A_65, %add3A_66 : i32
    "tpu.region"() ({
      %run_scoped3A = tpu.sem_alloc : memref<!tpu.dma_semaphore, #tpu.memory_space<semaphore_mem>>
      %dma_start3A = tpu.memref_slice %arg18[%add3A_67] : memref<10240xf32, #tpu.memory_space<vmem_shared>> -> memref<32xf32, #tpu.memory_space<vmem_shared>>
      %dma_start3A_114 = tpu.memref_slice %arg18[%add3A_67] : memref<10240xf32, #tpu.memory_space<vmem_shared>> -> memref<32xf32, #tpu.memory_space<vmem_shared>>
      tpu.enqueue_dma source(%arg14 : memref<32xf32, #tpu.memory_space<vmem>>) target(%dma_start3A_114 : memref<32xf32, #tpu.memory_space<vmem_shared>>) target_semaphore(%run_scoped3A : memref<!tpu.dma_semaphore, #tpu.memory_space<semaphore_mem>>)
      %dma_wait3A = tpu.memref_slice %arg18[%add3A_67] : memref<10240xf32, #tpu.memory_space<vmem_shared>> -> memref<32xf32, #tpu.memory_space<vmem_shared>>
      %dma_wait3A_115 = tpu.memref_slice %arg18[%add3A_67] : memref<10240xf32, #tpu.memory_space<vmem_shared>> -> memref<32xf32, #tpu.memory_space<vmem_shared>>
      tpu.wait_dma2 semaphore(%run_scoped3A : memref<!tpu.dma_semaphore, #tpu.memory_space<semaphore_mem>>) src(%arg14 : memref<32xf32, #tpu.memory_space<vmem>>) dst(%dma_wait3A_115 : memref<32xf32, #tpu.memory_space<vmem_shared>>)
      tpu.yield
    }) : () -> ()
    %mul3A_68 = arith.constant 640 : i32
    %mul3A_69 = arith.muli %arg1, %mul3A_68 : i32
    %add3A_70 = arith.constant 480 : i32
    %add3A_71 = arith.addi %mul3A_69, %add3A_70 : i32
    "tpu.region"() ({
      %run_scoped3A = tpu.sem_alloc : memref<!tpu.dma_semaphore, #tpu.memory_space<semaphore_mem>>
      %dma_start3A = tpu.memref_slice %arg18[%add3A_71] : memref<10240xf32, #tpu.memory_space<vmem_shared>> -> memref<32xf32, #tpu.memory_space<vmem_shared>>
      %dma_start3A_114 = tpu.memref_slice %arg18[%add3A_71] : memref<10240xf32, #tpu.memory_space<vmem_shared>> -> memref<32xf32, #tpu.memory_space<vmem_shared>>
      tpu.enqueue_dma source(%arg14 : memref<32xf32, #tpu.memory_space<vmem>>) target(%dma_start3A_114 : memref<32xf32, #tpu.memory_space<vmem_shared>>) target_semaphore(%run_scoped3A : memref<!tpu.dma_semaphore, #tpu.memory_space<semaphore_mem>>)
      %dma_wait3A = tpu.memref_slice %arg18[%add3A_71] : memref<10240xf32, #tpu.memory_space<vmem_shared>> -> memref<32xf32, #tpu.memory_space<vmem_shared>>
      %dma_wait3A_115 = tpu.memref_slice %arg18[%add3A_71] : memref<10240xf32, #tpu.memory_space<vmem_shared>> -> memref<32xf32, #tpu.memory_space<vmem_shared>>
      tpu.wait_dma2 semaphore(%run_scoped3A : memref<!tpu.dma_semaphore, #tpu.memory_space<semaphore_mem>>) src(%arg14 : memref<32xf32, #tpu.memory_space<vmem>>) dst(%dma_wait3A_115 : memref<32xf32, #tpu.memory_space<vmem_shared>>)
      tpu.yield
    }) : () -> ()
    %mul3A_72 = arith.constant 640 : i32
    %mul3A_73 = arith.muli %arg1, %mul3A_72 : i32
    %add3A_74 = arith.constant 512 : i32
    %add3A_75 = arith.addi %mul3A_73, %add3A_74 : i32
    "tpu.region"() ({
      %run_scoped3A = tpu.sem_alloc : memref<!tpu.dma_semaphore, #tpu.memory_space<semaphore_mem>>
      %dma_start3A = tpu.memref_slice %arg18[%add3A_75] : memref<10240xf32, #tpu.memory_space<vmem_shared>> -> memref<32xf32, #tpu.memory_space<vmem_shared>>
      %dma_start3A_114 = tpu.memref_slice %arg18[%add3A_75] : memref<10240xf32, #tpu.memory_space<vmem_shared>> -> memref<32xf32, #tpu.memory_space<vmem_shared>>
      tpu.enqueue_dma source(%arg14 : memref<32xf32, #tpu.memory_space<vmem>>) target(%dma_start3A_114 : memref<32xf32, #tpu.memory_space<vmem_shared>>) target_semaphore(%run_scoped3A : memref<!tpu.dma_semaphore, #tpu.memory_space<semaphore_mem>>)
      %dma_wait3A = tpu.memref_slice %arg18[%add3A_75] : memref<10240xf32, #tpu.memory_space<vmem_shared>> -> memref<32xf32, #tpu.memory_space<vmem_shared>>
      %dma_wait3A_115 = tpu.memref_slice %arg18[%add3A_75] : memref<10240xf32, #tpu.memory_space<vmem_shared>> -> memref<32xf32, #tpu.memory_space<vmem_shared>>
      tpu.wait_dma2 semaphore(%run_scoped3A : memref<!tpu.dma_semaphore, #tpu.memory_space<semaphore_mem>>) src(%arg14 : memref<32xf32, #tpu.memory_space<vmem>>) dst(%dma_wait3A_115 : memref<32xf32, #tpu.memory_space<vmem_shared>>)
      tpu.yield
    }) : () -> ()
    %mul3A_76 = arith.constant 640 : i32
    %mul3A_77 = arith.muli %arg1, %mul3A_76 : i32
    %add3A_78 = arith.constant 544 : i32
    %add3A_79 = arith.addi %mul3A_77, %add3A_78 : i32
    "tpu.region"() ({
      %run_scoped3A = tpu.sem_alloc : memref<!tpu.dma_semaphore, #tpu.memory_space<semaphore_mem>>
      %dma_start3A = tpu.memref_slice %arg18[%add3A_79] : memref<10240xf32, #tpu.memory_space<vmem_shared>> -> memref<32xf32, #tpu.memory_space<vmem_shared>>
      %dma_start3A_114 = tpu.memref_slice %arg18[%add3A_79] : memref<10240xf32, #tpu.memory_space<vmem_shared>> -> memref<32xf32, #tpu.memory_space<vmem_shared>>
      tpu.enqueue_dma source(%arg14 : memref<32xf32, #tpu.memory_space<vmem>>) target(%dma_start3A_114 : memref<32xf32, #tpu.memory_space<vmem_shared>>) target_semaphore(%run_scoped3A : memref<!tpu.dma_semaphore, #tpu.memory_space<semaphore_mem>>)
      %dma_wait3A = tpu.memref_slice %arg18[%add3A_79] : memref<10240xf32, #tpu.memory_space<vmem_shared>> -> memref<32xf32, #tpu.memory_space<vmem_shared>>
      %dma_wait3A_115 = tpu.memref_slice %arg18[%add3A_79] : memref<10240xf32, #tpu.memory_space<vmem_shared>> -> memref<32xf32, #tpu.memory_space<vmem_shared>>
      tpu.wait_dma2 semaphore(%run_scoped3A : memref<!tpu.dma_semaphore, #tpu.memory_space<semaphore_mem>>) src(%arg14 : memref<32xf32, #tpu.memory_space<vmem>>) dst(%dma_wait3A_115 : memref<32xf32, #tpu.memory_space<vmem_shared>>)
      tpu.yield
    }) : () -> ()
    %mul3A_80 = arith.constant 640 : i32
    %mul3A_81 = arith.muli %arg1, %mul3A_80 : i32
    %add3A_82 = arith.constant 576 : i32
    %add3A_83 = arith.addi %mul3A_81, %add3A_82 : i32
    "tpu.region"() ({
      %run_scoped3A = tpu.sem_alloc : memref<!tpu.dma_semaphore, #tpu.memory_space<semaphore_mem>>
      %dma_start3A = tpu.memref_slice %arg18[%add3A_83] : memref<10240xf32, #tpu.memory_space<vmem_shared>> -> memref<32xf32, #tpu.memory_space<vmem_shared>>
      %dma_start3A_114 = tpu.memref_slice %arg18[%add3A_83] : memref<10240xf32, #tpu.memory_space<vmem_shared>> -> memref<32xf32, #tpu.memory_space<vmem_shared>>
      tpu.enqueue_dma source(%arg14 : memref<32xf32, #tpu.memory_space<vmem>>) target(%dma_start3A_114 : memref<32xf32, #tpu.memory_space<vmem_shared>>) target_semaphore(%run_scoped3A : memref<!tpu.dma_semaphore, #tpu.memory_space<semaphore_mem>>)
      %dma_wait3A = tpu.memref_slice %arg18[%add3A_83] : memref<10240xf32, #tpu.memory_space<vmem_shared>> -> memref<32xf32, #tpu.memory_space<vmem_shared>>
      %dma_wait3A_115 = tpu.memref_slice %arg18[%add3A_83] : memref<10240xf32, #tpu.memory_space<vmem_shared>> -> memref<32xf32, #tpu.memory_space<vmem_shared>>
      tpu.wait_dma2 semaphore(%run_scoped3A : memref<!tpu.dma_semaphore, #tpu.memory_space<semaphore_mem>>) src(%arg14 : memref<32xf32, #tpu.memory_space<vmem>>) dst(%dma_wait3A_115 : memref<32xf32, #tpu.memory_space<vmem_shared>>)
      tpu.yield
    }) : () -> ()
    %mul3A_84 = arith.constant 640 : i32
    %mul3A_85 = arith.muli %arg1, %mul3A_84 : i32
    %add3A_86 = arith.constant 608 : i32
    %add3A_87 = arith.addi %mul3A_85, %add3A_86 : i32
    "tpu.region"() ({
      %run_scoped3A = tpu.sem_alloc : memref<!tpu.dma_semaphore, #tpu.memory_space<semaphore_mem>>
      %dma_start3A = tpu.memref_slice %arg18[%add3A_87] : memref<10240xf32, #tpu.memory_space<vmem_shared>> -> memref<32xf32, #tpu.memory_space<vmem_shared>>
      %dma_start3A_114 = tpu.memref_slice %arg18[%add3A_87] : memref<10240xf32, #tpu.memory_space<vmem_shared>> -> memref<32xf32, #tpu.memory_space<vmem_shared>>
      tpu.enqueue_dma source(%arg14 : memref<32xf32, #tpu.memory_space<vmem>>) target(%dma_start3A_114 : memref<32xf32, #tpu.memory_space<vmem_shared>>) target_semaphore(%run_scoped3A : memref<!tpu.dma_semaphore, #tpu.memory_space<semaphore_mem>>)
      %dma_wait3A = tpu.memref_slice %arg18[%add3A_87] : memref<10240xf32, #tpu.memory_space<vmem_shared>> -> memref<32xf32, #tpu.memory_space<vmem_shared>>
      %dma_wait3A_115 = tpu.memref_slice %arg18[%add3A_87] : memref<10240xf32, #tpu.memory_space<vmem_shared>> -> memref<32xf32, #tpu.memory_space<vmem_shared>>
      tpu.wait_dma2 semaphore(%run_scoped3A : memref<!tpu.dma_semaphore, #tpu.memory_space<semaphore_mem>>) src(%arg14 : memref<32xf32, #tpu.memory_space<vmem>>) dst(%dma_wait3A_115 : memref<32xf32, #tpu.memory_space<vmem_shared>>)
      tpu.yield
    }) : () -> ()
    %scan3A_88 = arith.constant 0 : i32
    %scan3A_89 = arith.constant 630 : i32
    %scan3A_90 = arith.addi %scan3A_88, %scan3A_89 : i32
    %scan3A_91 = arith.constant 1 : i32
    scf.for %scan3A_114 = %scan3A_88 to %scan3A_90 step %scan3A_91  : i32 {
      %mul3A_115 = arith.constant 1 : i32
      %mul3A_116 = arith.muli %scan3A_114, %mul3A_115 : i32
      %add3A_117 = arith.constant 0 : i32
      %add3A_118 = arith.addi %add3A_117, %mul3A_116 : i32
      %get3A_119 = arith.index_cast %add3A_118 : i32 to index
      %get3A_120 = arith.constant 0 : index
      %get3A_121 = tpu.vector_load %arg9[%get3A_119, %get3A_120] {strides = array<i32>} : memref<630x32xi32, #tpu.memory_space<vmem>>, vector<16xi32>,
      %gather3A = tpu.vector_load_idx %arg11[%get3A_121] : memref<10240xf32, #tpu.memory_space<vmem>>[vector<16xi32>], vector<16xf32>,
      %swap3A = arith.index_cast %add3A_118 : i32 to index
      %swap3A_122 = arith.constant 0 : index
      %swap3A_123 = tpu.vector_load %arg13[%swap3A, %swap3A_122] {strides = array<i32>} : memref<630x32xf32, #tpu.memory_space<vmem>>, vector<16xf32>,
      tpu.vector_store %arg13[%swap3A, %swap3A_122], %gather3A {strides = array<i32>} : memref<630x32xf32, #tpu.memory_space<vmem>>, vector<16xf32>,
      %get3A_124 = arith.index_cast %add3A_118 : i32 to index
      %get3A_125 = arith.constant 16 : index
      %get3A_126 = tpu.vector_load %arg9[%get3A_124, %get3A_125] {strides = array<i32>} : memref<630x32xi32, #tpu.memory_space<vmem>>, vector<16xi32>,
      %gather3A_127 = tpu.vector_load_idx %arg11[%get3A_126] : memref<10240xf32, #tpu.memory_space<vmem>>[vector<16xi32>], vector<16xf32>,
      %swap3A_128 = arith.index_cast %add3A_118 : i32 to index
      %swap3A_129 = arith.constant 16 : index
      %swap3A_130 = tpu.vector_load %arg13[%swap3A_128, %swap3A_129] {strides = array<i32>} : memref<630x32xf32, #tpu.memory_space<vmem>>, vector<16xf32>,
      tpu.vector_store %arg13[%swap3A_128, %swap3A_129], %gather3A_127 {strides = array<i32>} : memref<630x32xf32, #tpu.memory_space<vmem>>, vector<16xf32>,
    }
    %scan3A_92 = arith.constant 630 : i32
    %barrier3A = arith.constant 0 : index
    tpu.barrier barrier_id(%barrier3A)
    %scan3A_93 = arith.constant 0 : i32
    %scan3A_94 = arith.constant 630 : i32
    %scan3A_95 = arith.addi %scan3A_93, %scan3A_94 : i32
    %scan3A_96 = arith.constant 1 : i32
    scf.for %scan3A_114 = %scan3A_93 to %scan3A_95 step %scan3A_96  : i32 {
      %mul3A_115 = arith.constant 1 : i32
      %mul3A_116 = arith.muli %scan3A_114, %mul3A_115 : i32
      %add3A_117 = arith.constant 0 : i32
      %add3A_118 = arith.addi %add3A_117, %mul3A_116 : i32
      %dma_start3A = arith.constant 0 : i32
      %dma_start3A_119 = tpu.memref_slice %arg13[%add3A_118, %dma_start3A] : memref<630x32xf32, #tpu.memory_space<vmem>> -> memref<1x32xf32, #tpu.memory_space<vmem>>
      %dma_start3A_120 = tpu.memref_squeeze %dma_start3A_119 : memref<1x32xf32, #tpu.memory_space<vmem>> -> memref<32xf32, #tpu.memory_space<vmem>>
      %dma_start3A_121 = arith.constant 0 : i32
      %dma_start3A_122 = tpu.memref_slice %arg10[%add3A_118, %dma_start3A_121] : memref<630x32xi32, #tpu.memory_space<vmem>> -> memref<1x32xi32, #tpu.memory_space<vmem>>
      %dma_start3A_123 = tpu.memref_squeeze %dma_start3A_122 : memref<1x32xi32, #tpu.memory_space<vmem>> -> memref<32xi32, #tpu.memory_space<vmem>>
      %dma_start3A_124 = arith.constant 0 : i32
      %dma_start3A_125 = tpu.memref_slice %arg18[%dma_start3A_124] : memref<10240xf32, #tpu.memory_space<vmem_shared>> -> memref<10240xf32, #tpu.memory_space<vmem_shared>>
      tpu.enqueue_indirect_dma source(%dma_start3A_120 : memref<32xf32, #tpu.memory_space<vmem>>) target(%dma_start3A_125 : memref<10240xf32, #tpu.memory_space<vmem_shared>>) offsets(%dma_start3A_123 : memref<32xi32, #tpu.memory_space<vmem>>) semaphore(%arg19 : memref<!tpu.dma_semaphore, #tpu.memory_space<semaphore_mem>>) {add = true}
    }
    %scan3A_97 = arith.constant 630 : i32
    %scan3A_98 = arith.constant 0 : i32
    %scan3A_99 = arith.constant 630 : i32
    %scan3A_100 = arith.addi %scan3A_98, %scan3A_99 : i32
    %scan3A_101 = arith.constant 1 : i32
    scf.for %scan3A_114 = %scan3A_98 to %scan3A_100 step %scan3A_101  : i32 {
      %mul3A_115 = arith.constant 1 : i32
      %mul3A_116 = arith.muli %scan3A_114, %mul3A_115 : i32
      %add3A_117 = arith.constant 0 : i32
      %add3A_118 = arith.addi %add3A_117, %mul3A_116 : i32
      %dma_wait3A = arith.constant 0 : i32
      %dma_wait3A_119 = tpu.memref_slice %arg13[%add3A_118, %dma_wait3A] : memref<630x32xf32, #tpu.memory_space<vmem>> -> memref<1x32xf32, #tpu.memory_space<vmem>>
      %dma_wait3A_120 = tpu.memref_squeeze %dma_wait3A_119 : memref<1x32xf32, #tpu.memory_space<vmem>> -> memref<32xf32, #tpu.memory_space<vmem>>
      %dma_wait3A_121 = arith.constant 0 : i32
      %dma_wait3A_122 = tpu.memref_slice %arg10[%add3A_118, %dma_wait3A_121] : memref<630x32xi32, #tpu.memory_space<vmem>> -> memref<1x32xi32, #tpu.memory_space<vmem>>
      %dma_wait3A_123 = tpu.memref_squeeze %dma_wait3A_122 : memref<1x32xi32, #tpu.memory_space<vmem>> -> memref<32xi32, #tpu.memory_space<vmem>>
      %dma_wait3A_124 = arith.constant 0 : i32
      %dma_wait3A_125 = tpu.memref_slice %arg18[%dma_wait3A_124] : memref<10240xf32, #tpu.memory_space<vmem_shared>> -> memref<10240xf32, #tpu.memory_space<vmem_shared>>
      tpu.wait_indirect_dma semaphore(%arg19 : memref<!tpu.dma_semaphore, #tpu.memory_space<semaphore_mem>>) src(%dma_wait3A_120 : memref<32xf32, #tpu.memory_space<vmem>>) dst(%dma_wait3A_125 : memref<10240xf32, #tpu.memory_space<vmem_shared>>)
    }
    %scan3A_102 = arith.constant 630 : i32
    %barrier3A_103 = arith.constant 0 : index
    tpu.barrier barrier_id(%barrier3A_103)
    %mul3A_104 = arith.constant 640 : i32
    %mul3A_105 = arith.muli %arg1, %mul3A_104 : i32
    "tpu.region"() ({
      %run_scoped3A = tpu.sem_alloc : memref<!tpu.dma_semaphore, #tpu.memory_space<semaphore_mem>>
      %dma_start3A = tpu.memref_slice %arg18[%mul3A_105] : memref<10240xf32, #tpu.memory_space<vmem_shared>> -> memref<640xf32, #tpu.memory_space<vmem_shared>>
      %dma_start3A_114 = tpu.memref_slice %arg18[%mul3A_105] : memref<10240xf32, #tpu.memory_space<vmem_shared>> -> memref<640xf32, #tpu.memory_space<vmem_shared>>
      tpu.enqueue_dma source(%dma_start3A_114 : memref<640xf32, #tpu.memory_space<vmem_shared>>) target(%arg16 : memref<640xf32, #tpu.memory_space<vmem>>) target_semaphore(%run_scoped3A : memref<!tpu.dma_semaphore, #tpu.memory_space<semaphore_mem>>)
      %dma_wait3A = tpu.memref_slice %arg18[%mul3A_105] : memref<10240xf32, #tpu.memory_space<vmem_shared>> -> memref<640xf32, #tpu.memory_space<vmem_shared>>
      %dma_wait3A_115 = tpu.memref_slice %arg18[%mul3A_105] : memref<10240xf32, #tpu.memory_space<vmem_shared>> -> memref<640xf32, #tpu.memory_space<vmem_shared>>
      tpu.wait_dma2 semaphore(%run_scoped3A : memref<!tpu.dma_semaphore, #tpu.memory_space<semaphore_mem>>) src(%dma_wait3A_115 : memref<640xf32, #tpu.memory_space<vmem_shared>>) dst(%arg16 : memref<640xf32, #tpu.memory_space<vmem>>)
      tpu.yield
    }) : () -> ()
    %get3A = arith.constant 0 : index
    %get3A_106 = tpu.vector_load %arg15[%get3A] {strides = array<i32>} : memref<16xf32, #tpu.memory_space<vmem>>, vector<16xf32>,
    %scan3A_107 = arith.constant 0 : i32
    %scan3A_108 = arith.constant 40 : i32
    %scan3A_109 = arith.addi %scan3A_107, %scan3A_108 : i32
    %scan3A_110 = arith.constant 1 : i32
    scf.for %scan3A_114 = %scan3A_107 to %scan3A_109 step %scan3A_110  : i32 {
      %mul3A_115 = arith.constant 1 : i32
      %mul3A_116 = arith.muli %scan3A_114, %mul3A_115 : i32
      %add3A_117 = arith.constant 0 : i32
      %add3A_118 = arith.addi %add3A_117, %mul3A_116 : i32
      %mul3A_119 = arith.constant 640 : i32
      %mul3A_120 = arith.muli %arg1, %mul3A_119 : i32
      %mul3A_121 = arith.constant 16 : i32
      %mul3A_122 = arith.muli %add3A_118, %mul3A_121 : i32
      %add3A_123 = arith.addi %mul3A_120, %mul3A_122 : i32
      %mul3A_124 = arith.constant 16 : i32
      %mul3A_125 = arith.muli %add3A_118, %mul3A_124 : i32
      %get3A_126 = arith.index_cast %mul3A_125 : i32 to index
      %get3A_127 = tpu.vector_load %arg16[%get3A_126] {strides = array<i32>} : memref<640xf32, #tpu.memory_space<vmem>>, vector<16xf32>,
      %get3A_128 = arith.index_cast %add3A_123 : i32 to index
      %get3A_129 = tpu.vector_load %arg11[%get3A_128] {strides = array<i32>} : memref<10240xf32, #tpu.memory_space<vmem>>, vector<16xf32>,
      %add3A_130 = arith.addf %get3A_127, %get3A_129 : vector<16xf32>
      %get3A_131 = arith.index_cast %add3A_123 : i32 to index
      %get3A_132 = tpu.vector_load %arg12[%get3A_131] {strides = array<i32>} : memref<10240xf32, #tpu.memory_space<vmem>>, vector<16xf32>,
      %mul3A_133 = arith.mulf %get3A_132, %add3A_130 : vector<16xf32>
      %add3A_134 = arith.addf %mul3A_133, %get3A_106 : vector<16xf32>
      %mul3A_135 = arith.constant 16 : i32
      %mul3A_136 = arith.muli %add3A_118, %mul3A_135 : i32
      %swap3A = arith.index_cast %mul3A_136 : i32 to index
      %swap3A_137 = tpu.vector_load %arg17[%swap3A] {strides = array<i32>} : memref<640xf32, #tpu.memory_space<vmem>>, vector<16xf32>,
      tpu.vector_store %arg17[%swap3A], %add3A_134 {strides = array<i32>} : memref<640xf32, #tpu.memory_space<vmem>>, vector<16xf32>,
    }
    %scan3A_111 = arith.constant 40 : i32
    %mul3A_112 = arith.constant 640 : i32
    %mul3A_113 = arith.muli %arg1, %mul3A_112 : i32
    "tpu.region"() ({
      %run_scoped3A = tpu.sem_alloc : memref<!tpu.dma_semaphore, #tpu.memory_space<semaphore_mem>>
      %dma_start3A = tpu.memref_slice %arg8[%arg0, %mul3A_113] : memref<2x10240xf32, #tpu.memory_space<hbm>> -> memref<1x640xf32, #tpu.memory_space<hbm>>
      %dma_start3A_114 = tpu.memref_squeeze %dma_start3A : memref<1x640xf32, #tpu.memory_space<hbm>> -> memref<640xf32, #tpu.memory_space<hbm>>
      %dma_start3A_115 = tpu.memref_slice %arg8[%arg0, %mul3A_113] : memref<2x10240xf32, #tpu.memory_space<hbm>> -> memref<1x640xf32, #tpu.memory_space<hbm>>
      %dma_start3A_116 = tpu.memref_squeeze %dma_start3A_115 : memref<1x640xf32, #tpu.memory_space<hbm>> -> memref<640xf32, #tpu.memory_space<hbm>>
      tpu.enqueue_dma source(%arg17 : memref<640xf32, #tpu.memory_space<vmem>>) target(%dma_start3A_116 : memref<640xf32, #tpu.memory_space<hbm>>) target_semaphore(%run_scoped3A : memref<!tpu.dma_semaphore, #tpu.memory_space<semaphore_mem>>)
      %dma_wait3A = tpu.memref_slice %arg8[%arg0, %mul3A_113] : memref<2x10240xf32, #tpu.memory_space<hbm>> -> memref<1x640xf32, #tpu.memory_space<hbm>>
      %dma_wait3A_117 = tpu.memref_squeeze %dma_wait3A : memref<1x640xf32, #tpu.memory_space<hbm>> -> memref<640xf32, #tpu.memory_space<hbm>>
      %dma_wait3A_118 = tpu.memref_slice %arg8[%arg0, %mul3A_113] : memref<2x10240xf32, #tpu.memory_space<hbm>> -> memref<1x640xf32, #tpu.memory_space<hbm>>
      %dma_wait3A_119 = tpu.memref_squeeze %dma_wait3A_118 : memref<1x640xf32, #tpu.memory_space<hbm>> -> memref<640xf32, #tpu.memory_space<hbm>>
      tpu.wait_dma2 semaphore(%run_scoped3A : memref<!tpu.dma_semaphore, #tpu.memory_space<semaphore_mem>>) src(%arg17 : memref<640xf32, #tpu.memory_space<vmem>>) dst(%dma_wait3A_119 : memref<640xf32, #tpu.memory_space<hbm>>)
      tpu.yield
    }) : () -> ()
    return
  }
}

module attributes {stable_mosaic.version = 14 : i64} {
  func.func @body(%arg0: i32, %arg1: memref<1000x2xf32, #tpu.memory_space<vmem>>, %arg2: memref<1000x128xf32, #tpu.memory_space<vmem>>, %arg3: memref<1000x128xf32, #tpu.memory_space<vmem>>, %arg4: memref<1000x1xf32, #tpu.memory_space<vmem>>) attributes {dimension_semantics = [#tpu.dimension_semantics<arbitrary>], iteration_bounds = array<i64: 10>, scalar_prefetch = 0 : i64, scratch_operands = 0 : i64, tpu.core_type = #tpu.core_type<tc>, window_params = [{transform_indices = @transform_0, window_bounds = array<i64: 1000, 2>}, {transform_indices = @transform_1, window_bounds = array<i64: 1000, 128>}, {transform_indices = @transform_2, window_bounds = array<i64: 1000, 128>}, {transform_indices = @transform_3, window_bounds = array<i64: 1000, 1>}]} {
    %get3A = arith.constant 0 : index
    %get3A_0 = arith.constant 0 : index
    %get3A_1 = vector.load %arg1[%get3A, %get3A_0] : memref<1000x2xf32, #tpu.memory_space<vmem>>, vector<1000x1xf32>
    %get3A_2 = arith.constant 0 : index
    %get3A_3 = arith.constant 1 : index
    %get3A_4 = vector.load %arg1[%get3A_2, %get3A_3] : memref<1000x2xf32, #tpu.memory_space<vmem>>, vector<1000x1xf32>
    %add3A = arith.addf %get3A_1, %get3A_4 : vector<1000x1xf32>
    %add3A_5 = arith.constant 1.000000e+00 : f32
    %add3A_6 = vector.broadcast %add3A_5 : f32 to vector<1000x1xf32>
    %add3A_7 = arith.addf %add3A, %add3A_6 : vector<1000x1xf32>
    %rsqrt3A = math.rsqrt %add3A_7 : vector<1000x1xf32>
    %get3A_8 = arith.constant 0 : index
    %get3A_9 = arith.constant 0 : index
    %get3A_10 = vector.load %arg2[%get3A_8, %get3A_9] : memref<1000x128xf32, #tpu.memory_space<vmem>>, vector<1000x128xf32>
    %mul3A = vector.broadcast %rsqrt3A : vector<1000x1xf32> to vector<1000x128xf32>
    %mul3A_11 = arith.mulf %get3A_10, %mul3A : vector<1000x128xf32>
    %swap3A = arith.constant 0 : index
    %swap3A_12 = arith.constant 0 : index
    %swap3A_13 = vector.load %arg3[%swap3A, %swap3A_12] : memref<1000x128xf32, #tpu.memory_space<vmem>>, vector<1000x128xf32>
    tpu.vector_store %arg3[%swap3A, %swap3A_12], %mul3A_11 {strides = array<i32>} : memref<1000x128xf32, #tpu.memory_space<vmem>>, vector<1000x128xf32>,
    %swap3A_14 = arith.constant 0 : index
    %swap3A_15 = arith.constant 0 : index
    %swap3A_16 = vector.load %arg4[%swap3A_14, %swap3A_15] : memref<1000x1xf32, #tpu.memory_space<vmem>>, vector<1000x1xf32>
    tpu.vector_store %arg4[%swap3A_14, %swap3A_15], %rsqrt3A {strides = array<i32>} : memref<1000x1xf32, #tpu.memory_space<vmem>>, vector<1000x1xf32>,
    return
  }
  func.func @transform_0(%arg0: i32) -> (i32, i32) {
    %c0_i32 = arith.constant 0 : i32
    %c0_i32_0 = arith.constant 0 : i32
    return %arg0, %c0_i32 : i32, i32
  }
  func.func @transform_1(%arg0: i32) -> (i32, i32) {
    %c0_i32 = arith.constant 0 : i32
    %c0_i32_0 = arith.constant 0 : i32
    return %arg0, %c0_i32 : i32, i32
  }
  func.func @transform_2(%arg0: i32) -> (i32, i32) {
    %c0_i32 = arith.constant 0 : i32
    %c0_i32_0 = arith.constant 0 : i32
    return %arg0, %c0_i32 : i32, i32
  }
  func.func @transform_3(%arg0: i32) -> (i32, i32) {
    %c0_i32 = arith.constant 0 : i32
    %c0_i32_0 = arith.constant 0 : i32
    return %arg0, %c0_i32 : i32, i32
  }
}

module attributes {stable_mosaic.version = 14 : i64} {
  func.func @body(%arg0: i32, %arg1: memref<1x1000x128xf32, #tpu.memory_space<vmem>>, %arg2: memref<1x1000x128xf32, #tpu.memory_space<vmem>>, %arg3: memref<1000x128xf32, #tpu.memory_space<vmem>>, %arg4: memref<1000x1xf32, #tpu.memory_space<vmem>>, %arg5: memref<128x128xf32, #tpu.memory_space<vmem>>, %arg6: memref<1x128xf32, #tpu.memory_space<vmem>>, %arg7: memref<128x2xf32, #tpu.memory_space<vmem>>, %arg8: memref<1000x2xf32, #tpu.memory_space<vmem>>) attributes {dimension_semantics = [#tpu.dimension_semantics<arbitrary>], iteration_bounds = array<i64: 10>, scalar_prefetch = 0 : i64, scratch_operands = 0 : i64, tpu.core_type = #tpu.core_type<tc>, window_params = [{transform_indices = @transform_0, window_bounds = array<i64: 1, 1000, 128>}, {transform_indices = @transform_1, window_bounds = array<i64: 1, 1000, 128>}, {transform_indices = @transform_2, window_bounds = array<i64: 1000, 128>}, {transform_indices = @transform_3, window_bounds = array<i64: 1000, 1>}, {pipeline_mode = #tpu.pipeline_mode<synchronous>, transform_indices = @transform_4, window_bounds = array<i64: 128, 128>}, {pipeline_mode = #tpu.pipeline_mode<synchronous>, transform_indices = @transform_5, window_bounds = array<i64: 1, 128>}, {pipeline_mode = #tpu.pipeline_mode<synchronous>, transform_indices = @transform_6, window_bounds = array<i64: 128, 2>}, {transform_indices = @transform_7, window_bounds = array<i64: 1000, 2>}]} {
    %get3A = arith.constant 0 : index
    %get3A_0 = arith.constant 0 : index
    %get3A_1 = vector.load %arg4[%get3A, %get3A_0] : memref<1000x1xf32, #tpu.memory_space<vmem>>, vector<1000x1xf32>
    %get3A_2 = arith.constant 0 : index
    %get3A_3 = arith.constant 0 : index
    %get3A_4 = arith.constant 0 : index
    %get3A_5 = vector.load %arg1[%get3A_2, %get3A_3, %get3A_4] : memref<1x1000x128xf32, #tpu.memory_space<vmem>>, vector<1x1000x128xf32>
    %get3A_6 = vector.shape_cast %get3A_5 : vector<1x1000x128xf32> to vector<1000x128xf32>
    %get3A_7 = arith.constant 0 : index
    %get3A_8 = arith.constant 0 : index
    %get3A_9 = arith.constant 0 : index
    %get3A_10 = vector.load %arg2[%get3A_7, %get3A_8, %get3A_9] : memref<1x1000x128xf32, #tpu.memory_space<vmem>>, vector<1x1000x128xf32>
    %get3A_11 = vector.shape_cast %get3A_10 : vector<1x1000x128xf32> to vector<1000x128xf32>
    %add3A = arith.addf %get3A_6, %get3A_11 : vector<1000x128xf32>
    %get3A_12 = arith.constant 0 : index
    %get3A_13 = arith.constant 0 : index
    %get3A_14 = vector.load %arg3[%get3A_12, %get3A_13] : memref<1000x128xf32, #tpu.memory_space<vmem>>, vector<1000x128xf32>
    %add3A_15 = arith.addf %add3A, %get3A_14 : vector<1000x128xf32>
    %mul3A = vector.broadcast %get3A_1 : vector<1000x1xf32> to vector<1000x128xf32>
    %mul3A_16 = arith.mulf %add3A_15, %mul3A : vector<1000x128xf32>
    %get3A_17 = arith.constant 0 : index
    %get3A_18 = arith.constant 0 : index
    %get3A_19 = vector.load %arg5[%get3A_17, %get3A_18] : memref<128x128xf32, #tpu.memory_space<vmem>>, vector<128x128xf32>
    %dot_general3A = arith.constant dense<0.000000e+00> : vector<1000x128xf32>
    %dot_general3A_20 = tpu.matmul %mul3A_16, %get3A_19, %dot_general3A {dimension_numbers = #tpu.dot_dimension_numbers<[1], [0], [0], [1], [0, 0, 1, 1], [], []>, transpose_lhs_hint = false} : vector<1000x128xf32>, vector<128x128xf32>, vector<1000x128xf32> -> vector<1000x128xf32>
    %get3A_21 = arith.constant 0 : index
    %get3A_22 = arith.constant 0 : index
    %get3A_23 = vector.load %arg6[%get3A_21, %get3A_22] : memref<1x128xf32, #tpu.memory_space<vmem>>, vector<1x128xf32>
    %add3A_24 = vector.broadcast %get3A_23 : vector<1x128xf32> to vector<1000x128xf32>
    %add3A_25 = arith.addf %dot_general3A_20, %add3A_24 : vector<1000x128xf32>
    %max3A = arith.constant 0.000000e+00 : f32
    %max3A_26 = vector.broadcast %max3A : f32 to vector<1000x128xf32>
    %max3A_27 = arith.maximumf %add3A_25, %max3A_26 : vector<1000x128xf32>
    %get3A_28 = arith.constant 0 : index
    %get3A_29 = arith.constant 0 : index
    %get3A_30 = vector.load %arg7[%get3A_28, %get3A_29] : memref<128x2xf32, #tpu.memory_space<vmem>>, vector<128x2xf32>
    %dot_general3A_31 = arith.constant dense<0.000000e+00> : vector<1000x2xf32>
    %dot_general3A_32 = tpu.matmul %max3A_27, %get3A_30, %dot_general3A_31 {dimension_numbers = #tpu.dot_dimension_numbers<[1], [0], [0], [1], [0, 0, 1, 1], [], []>, transpose_lhs_hint = false} : vector<1000x128xf32>, vector<128x2xf32>, vector<1000x2xf32> -> vector<1000x2xf32>
    %mul3A_33 = vector.broadcast %get3A_1 : vector<1000x1xf32> to vector<1000x2xf32>
    %mul3A_34 = arith.mulf %dot_general3A_32, %mul3A_33 : vector<1000x2xf32>
    %swap3A = arith.constant 0 : index
    %swap3A_35 = arith.constant 0 : index
    %swap3A_36 = vector.load %arg8[%swap3A, %swap3A_35] : memref<1000x2xf32, #tpu.memory_space<vmem>>, vector<1000x2xf32>
    tpu.vector_store %arg8[%swap3A, %swap3A_35], %mul3A_34 {strides = array<i32>} : memref<1000x2xf32, #tpu.memory_space<vmem>>, vector<1000x2xf32>,
    return
  }
  func.func @transform_0(%arg0: i32) -> (i32, i32, i32) {
    %c0_i32 = arith.constant 0 : i32
    %c0_i32_0 = arith.constant 0 : i32
    %c0_i32_1 = arith.constant 0 : i32
    return %c0_i32, %arg0, %c0_i32_0 : i32, i32, i32
  }
  func.func @transform_1(%arg0: i32) -> (i32, i32, i32) {
    %c1_i32 = arith.constant 1 : i32
    %c0_i32 = arith.constant 0 : i32
    %c0_i32_0 = arith.constant 0 : i32
    return %c1_i32, %arg0, %c0_i32 : i32, i32, i32
  }
  func.func @transform_2(%arg0: i32) -> (i32, i32) {
    %c0_i32 = arith.constant 0 : i32
    %c0_i32_0 = arith.constant 0 : i32
    return %arg0, %c0_i32 : i32, i32
  }
  func.func @transform_3(%arg0: i32) -> (i32, i32) {
    %c0_i32 = arith.constant 0 : i32
    %c0_i32_0 = arith.constant 0 : i32
    return %arg0, %c0_i32 : i32, i32
  }
  func.func @transform_4(%arg0: i32) -> (i32, i32) {
    %c0_i32 = arith.constant 0 : i32
    %c0_i32_0 = arith.constant 0 : i32
    %c0_i32_1 = arith.constant 0 : i32
    return %c0_i32, %c0_i32_0 : i32, i32
  }
  func.func @transform_5(%arg0: i32) -> (i32, i32) {
    %c0_i32 = arith.constant 0 : i32
    %c0_i32_0 = arith.constant 0 : i32
    %c0_i32_1 = arith.constant 0 : i32
    return %c0_i32, %c0_i32_0 : i32, i32
  }
  func.func @transform_6(%arg0: i32) -> (i32, i32) {
    %c0_i32 = arith.constant 0 : i32
    %c0_i32_0 = arith.constant 0 : i32
    %c0_i32_1 = arith.constant 0 : i32
    return %c0_i32, %c0_i32_0 : i32, i32
  }
  func.func @transform_7(%arg0: i32) -> (i32, i32) {
    %c0_i32 = arith.constant 0 : i32
    %c0_i32_0 = arith.constant 0 : i32
    return %arg0, %c0_i32 : i32, i32
  }
}

</mosaic_0001>

<sc_bundles>
// kernel: kernel.10.cloned.1.call-start
scs
__scs_entry_jumppad:
0x0: {  	(pc) =	sbr.rel $0x88, $3  }
0x1: {  	(tag) =	ssettag $0x0;
	lr =	simm.s32 $0x1  }
0x2: {  	[smem:$0x3F9B] =	sst lr;
	_ =	strace $0xD0000000  }
0x3: {  	_ = 	snop  }
0x4: {  	_ = 	snop  }
0x5: {  	_ = 	snop  }
0x6: {  	_ = 	snop  }
0x7: {  	_ = 	snop  }
__scs_overlays_trampoline_lowered:
0x8: {  	[smem:$0x3FAA] =	sst s0  }
0x9: {  	[smem:$0x3FAB] =	sst s1  }
0xa: {  	[smem:$0x3FAC] =	sst s2  }
0xb: {  	[smem:$0x3FAD] =	sst s3  }
0xc: {  	[smem:$0x3FAE] =	sst s4  }
0xd: {  	[smem:$0x3FAF] =	sst s5  }
0xe: {  	[smem:$0x3FB0] =	sst s6  }
0xf: {  	[smem:$0x3FB1] =	sst s7  }
0x10: {  	[smem:$0x3FB2] =	sst s8  }
0x11: {  	[smem:$0x3FB3] =	sst s9;
	s0 =	simm.s32 @!p0 $0x0  }
0x12: {  	s1 =	sld [smem:$0x3F99];
	s0 =	simm.s32 @p0 $0x1  }
0x13: {  	[smem:$0x3FB4] =	sst s0;
	s0 =	simm.s32 @!p1 $0x0  }
0x14: {  	s2 =	sld [smem:$0x3F98];
	s0 =	simm.s32 @p1 $0x1  }
0x15: {  	[smem:$0x3FB5] =	sst s0;
	s0 =	simm.s32 @!p2 $0x0  }
0x16: {  	s3 =	sld [smem:$0x3FDB];
	s0 =	simm.s32 @p2 $0x1  }
0x17: {  	s4 =	simm.s32 $0x1BF5;
	[smem:$0x3FB7] =	sst s0  }
0x18: {  	s0 =	sld [smem:$0x3F9A];
	_ =	swait.ge [sflag:s4], $0x0  }
0x19: {  	s7 =	sld [smem:$0x3F9B]  }
0x1a: {  	s8 =	sadd.s32 $0xFFFFE003, lr  }
0x1b: {  	s9 =	sadd.s32 $0xFFFFFEF7, lr;
	s5 =	simm.s32 $0xFFFFFFFF;
	p2 =	slt.u32 s8, $0xFFFFF086  }
0x1c: {  	p1 =	slt.u32 s9, $0xF7A;
	s5 =	simm.s32 @!p2 $0x0  }
0x1d: {  	s5 =	simm.s32 @p1 $0x1;
	p0 =	seq.s32 s7, s2  }
0x1e: {  	s7 =	smul.u32 @!p0 $0xF7A, s2;
	p2 =	seq.s32 @!p0 s5, $0x0  }
0x1f: {  	s9 =	smul.u32 $0xF7A, s1;
	s8 =	simm.s32 @!p0 $0x1BF5;
	p2 =	por !p2, p0  }
0x20: {  	[sflag:s8] =	ssyncset.s32 @!p0 $0xFFFFF086;
	s6 =	sadd.s32 @!p0 s3, s7;
	s7 =	simm.s32 @!p0 $0x108  }
0x21: {  	s3 =	sadd.s32 s3, s9;
	s6 =	sadd.s32 @!p0 $0x88, s6;
	s7 =	simm.s32 @p2 $0x1082  }
0x22: {  	[simem:s7], [sflag:s8] =	dma.local @!p0 [hbm:s6], $0xF7A  }
0x23: {  	s9 =	sor.u32 $0xD0000000, s2;
	s6 =	simm.s32 $0x108;
	_ =	swait.ge @!p0 [sflag:s8], $0x0  }
0x24: {  	s3 =	sadd.s32 $0x88, s3;
	s6 =	simm.s32 @!p1 $0x1082;
	[sflag:s4] =	ssyncset.s32 $0xFFFFF086  }
0x25: {  	[simem:s6], [sflag:s4] =	dma.local [hbm:s3], $0xF7A  }
0x26: {  	[smem:$0x3F9B] =	sst s1;
	(tag) =	ssettag s2;
	_ =	strace s9  }
0x27: {  	s1 =	sld [smem:$0x3FAB]  }
0x28: {  	s2 =	sld [smem:$0x3FAC]  }
0x29: {  	s4 =	sld [smem:$0x3FAE]  }
0x2a: {  	p0 =	seq.s32 s5, $0x0;
	s5 =	sld [smem:$0x3FAF]  }
0x2b: {  	s6 =	sld [smem:$0x3FB0]  }
0x2c: {  	s7 =	sld [smem:$0x3FB1]  }
0x2d: {  	s3 =	simm.s32 $0x108;
	s8 =	sld [smem:$0x3FB2]  }
0x2e: {  	s3 =	simm.s32 @!p0 $0x1082;
	s9 =	sld [smem:$0x3FB3]  }
0x2f: {  	lr =	sadd.s32 s0, s3;
	s0 =	sld [smem:$0x3FAA]  }
0x30: {  	s3 =	sld [smem:$0x3FAD]  }
0x31: {  	[smem:$0x3FB6] =	sst s10  }
0x32: {  	s10 =	sld [smem:$0x3FB4];
	_ =	sdelay $0x3  }
0x33: {  	p0 =	seq.s32 s10, $0x1;
	s10 =	sld [smem:$0x3FB6];
	_ =	sdelay $0x3  }
0x34: {  	[smem:$0x3FB6] =	sst s10  }
0x35: {  	s10 =	sld [smem:$0x3FB5];
	_ =	sdelay $0x3  }
0x36: {  	p1 =	seq.s32 s10, $0x1;
	s10 =	sld [smem:$0x3FB6];
	_ =	sdelay $0x3  }
0x37: {  	[smem:$0x3FB6] =	sst s10  }
0x38: {  	s10 =	sld [smem:$0x3FB7]  }
0x39: {  	_ = 	snop;
	(pc) =	sbr.ind lr, $3  }
0x3a: {  	_ = 	snop  }
0x3b: {  	_ = 	snop  }
0x3c: {  	p2 =	seq.s32 s10, $0x1;
	s10 =	sld [smem:$0x3FB6]  }
0x3d: {  	_ =	shalt  }
0x3e: {  	_ =	shalt  }
0x3f: {  	_ =	shalt  }
0x40: {  	_ =	shalt  }
0x41: {  	_ =	shalt  }
0x42: {  	_ =	shalt  }
0x43: {  	_ =	shalt  }
0x44: {  	_ =	shalt  }
0x45: {  	_ =	shalt  }
0x46: {  	_ =	shalt  }
0x47: {  	_ =	shalt  }
0x48: {  	_ =	shalt  }
0x49: {  	_ =	shalt  }
0x4a: {  	_ =	shalt  }
0x4b: {  	_ =	shalt  }
0x4c: {  	_ =	shalt  }
0x4d: {  	_ =	shalt  }
0x4e: {  	_ =	shalt  }
0x4f: {  	_ =	shalt  }
0x50: {  	_ =	shalt  }
0x51: {  	_ =	shalt  }
0x52: {  	_ =	shalt  }
0x53: {  	_ =	shalt  }
0x54: {  	_ =	shalt  }
0x55: {  	_ =	shalt  }
0x56: {  	_ =	shalt  }
0x57: {  	_ =	shalt  }
0x58: {  	_ =	shalt  }
0x59: {  	_ =	shalt  }
0x5a: {  	_ =	shalt  }
0x5b: {  	_ =	shalt  }
0x5c: {  	_ =	shalt  }
0x5d: {  	_ =	shalt  }
0x5e: {  	_ =	shalt  }
0x5f: {  	_ =	shalt  }
0x60: {  	_ =	shalt  }
0x61: {  	_ =	shalt  }
0x62: {  	_ =	shalt  }
0x63: {  	_ =	shalt  }
0x64: {  	_ =	shalt  }
0x65: {  	_ =	shalt  }
0x66: {  	_ =	shalt  }
0x67: {  	_ =	shalt  }
0x68: {  	_ =	shalt  }
0x69: {  	_ =	shalt  }
0x6a: {  	_ =	shalt  }
0x6b: {  	_ =	shalt  }
0x6c: {  	_ =	shalt  }
0x6d: {  	_ =	shalt  }
0x6e: {  	_ =	shalt  }
0x6f: {  	_ =	shalt  }
0x70: {  	_ =	shalt  }
0x71: {  	_ =	shalt  }
0x72: {  	_ =	shalt  }
0x73: {  	_ =	shalt  }
0x74: {  	_ =	shalt  }
0x75: {  	_ =	shalt  }
0x76: {  	_ =	shalt  }
0x77: {  	_ =	shalt  }
0x78: {  	_ =	shalt  }
0x79: {  	_ =	shalt  }
0x7a: {  	_ =	shalt  }
0x7b: {  	_ =	shalt  }
0x7c: {  	_ =	shalt  }
0x7d: {  	_ =	shalt  }
0x7e: {  	_ =	shalt  }
0x7f: {  	_ =	shalt  }
0x80: {  	_ =	shalt  }
0x81: {  	_ =	shalt  }
0x82: {  	_ =	shalt  }
0x83: {  	_ =	shalt  }
0x84: {  	_ =	shalt  }
0x85: {  	_ =	shalt  }
0x86: {  	_ =	shalt  }
0x87: {  	_ =	shalt  }
.Lfunc_end0:
.L_simem_size_0:
called_computation.1_lowered:
.L_overlay_start_0:
0x88: {  	s2 =	sld [smem:$0x3FD9]  }
0x89: {  	s3 =	sld [smem:$0x3FFE];
	_ =	sdelay $0x1  }
0x8a: {  	s1 =	srdreg.scid  }
0x8b: {  	s0 =	sand.u32 $0x1, s1  }
0x8c: {  	s16 =	sshll.u32 s0, $0xA;
	s2 =	sadd.s32 s3, s2  }
0x8d: {  	s2 =	sadd.s32 s2, s16  }
0x8e: {  	[smem:$0x3FC2] =	sst s2  }
0x8f: {  	_ = 	snop  }
0x90: {  	(tm) =	ssettm $0x1  }
0x91: {  	s17 =	sld [smem:$0x3FFB];
	_ =	sdelay $0x3  }
0x92: {  	_ =	strace s17  }
0x93: {  	s2 =	sld [smem:$0x3FFC];
	_ =	sdelay $0x3  }
0x94: {  	_ =	strace s2  }
0x95: {  	s2 =	sld [smem:$0x3FFD];
	_ =	sdelay $0x3  }
0x96: {  	_ =	strace s2  }
0x97: {  	_ =	strace $0x8FFFFFFF  }
0x98: {  	s18 =	sld [smem:$0x3FDB];
	_ =	sdelay $0x1  }
0x99: {  	s19 =	simm.s32 $_scs_section_size  }
0x9a: {  	s4 =	simm.s32 $_size__tile_overlayer_lowered;
	s5 =	simm.s32 $_tile_overlayer_lowered  }
0x9b: {  	s22 =	simm.s32 $0x1BFF;
	s21 =	sshll.u32 s5, $0x1;
	s2 =	sadd.s32 s19, s18  }
0x9c: {  	s6 =	simm.s32 $0x0;
	s20 =	sshll.u32 s4, $0x1;
	s4 =	sadd.s32 s21, s2  }
0x9d: {  	[timem:s6], [sflag:s22] =	dma.local [hbm:s4], s20  }
0x9e: {  	_ =	swait.ge [sflag:s22], s20  }
0x9f: {  	s3 =	ssub.s32 $0x0, s20;
	[sflag:s22] =	ssyncset.done $0x0  }
0xa0: {  	[sflag:s22] =	ssyncadd.s32 s3;
	_ =	sdelay $0x1  }
0xa1: {  	s23 =	simm.s32 $0x1B8B  }
0xa2: {  	_ =	swait.ge [sflag:s23], $0x1  }
0xa3: {  	[sflag:s23] =	ssyncset.done $0x0  }
0xa4: {  	s25 =	simm.s32 $0x1B8E;
	s24 =	sld [smem:$0x3FFE];
	[sflag:s23] =	ssyncadd.s32 $0xFFFFFFFF  }
0xa5: {  	s26 =	simm.s32 $execute0_lowered;
	[smem:$0x3FD2] =	sst s25  }
0xa6: {  	s4 =	sshll.u32 s26, $0x1;
	_ =	strace $0x80000049;
	[dreg:$0x1] =	wrdreg $0xFFFFFFFF  }
0xa7: {  	s28 =	simm.s32 $_size_execute0_lowered;
	s2 =	sadd.s32 s2, s4;
	[dreg:$0x0] =	wrdreg $0x0  }
0xa8: {  	s4 =	sshll.u32 s28, $0x1;
	[dreg:$0x2] =	wrdreg s2  }
0xa9: {  	[dreg:$0x3] =	wrdreg s4  }
0xaa: {  	[dreg:$0x4] =	wrdreg $0xC0  }
0xab: {  	_ =	task [dreg:s6], $0x5FFFF  }
0xac: {  	[dreg:$0x1] =	wrdreg $0xFFFFFFFF  }
0xad: {  	[dreg:$0x0] =	wrdreg $0x60  }
0xae: {  	[dreg:$0x2] =	wrdreg s24  }
0xaf: {  	[dreg:$0x3] =	wrdreg $0x4EC00  }
0xb0: {  	[dreg:$0x4] =	wrdreg $0x9  }
0xb1: {  	_ =	task.clear_ibuf [dreg:s6], $0x5FFFF;
	_ =	strace $0x90000049  }
0xb2: {  	s29 =	simm.s32 $0x9;
	_ =	strace $0x8000004B  }
0xb3: {  	_ =	swait.ge [sflag:s29], $0x1  }
0xb4: {  	[sflag:s29] =	ssyncadd.s32 $0xFFFFFFFF  }
0xb5: {  	_ =	strace $0x9000004B  }
0xb6: {  	_ =	sfence  }
0xb7: {  	s30 =	sld [smem:$0x0];
	_ =	sdelay $0x2  }
0xb8: {  	s31 =	sshll.u32 s1, $0xD;
	s1 =	sshrl.u32 s1, $0x2  }
0xb9: {  	s3 =	sand.u32 $0x4000, s31;
	s1 =	sadd.s32 s1, s30  }
0xba: {  	s0 =	sor.u32 s3, s0;
	s1 =	sshll.u32 s1, $0x11  }
0xbb: {  	s0 =	sor.u32 s1, s0  }
0xbc: {  	s0 =	sadd.s32 $0x8F2B, s0  }
0xbd: {  	[sflag:s0] =	ssyncadd.remote.s32 $0x1  }
0xbe: {  	_ =	sfence.sel $0xFFFF  }
0xbf: {  	[dreg:$0x0] =	wrdreg $0xFFFFFFFF;
	(pc) =	sbr.abs _section_cstart, $3  }
0xc0: {  	[dreg:$0x1] =	wrdreg $0xFFFFFFFF  }
0xc1: {  	_ =	task.clear_ibuf [dreg:s6], $0x2FFFF;
	_ =	strace $0x9FFFFFFF  }
0xc2: {  	(tm) =	ssettm $0x7FFFFFFF  }
0xc3: {  	_ =	shalt  }
tec
execute0_lowered:
.L_overlay_start_1:
0x0: {  	(tag) =	ssettag $0x1  }
0x1: {  	s1 =	srdreg.scid  }
0x2: {  	s0 =	rddreg [dreg:$0x0];
	s7 =	stileid.u32;
	s1 =	sand.u32 $0x1, s1  }
0x3: {  	s2 =	rddreg [dreg:$0x1];
	s3 =	smul.u32 $0x14000, s7;
	s9 =	sshll.u32 s1, $0x4  }
0x4: {  	s4 =	simm.s32 $0x0;
	s5 =	smul.u32 $0x140000, s1;
	s6 =	sor.u32 s7, s9  }
0x5: {  	s30 =	simm.s32 $0xB;
	s31 =	simm.s32 $0x19EC0;
	s6 =	smul.u32 $0x4EC, s6  }
0x6: {  	[smem:$0x7FF] =	sst s4;
	s4 =	sadd.s32 $0xC00, s0;
	s7 =	smul.u32 $0x50000, s7  }
0x7: {  	_ =	strace $0x8000004A;
	s5 =	sadd.s32 s3, s5;
	s6 =	sadd.s32 s6, s0  }
0x8: {  	s5 =	sshrl.u32 s5, $0x3;
	s12 =	sshrl.u32 s7, $0x2;
	s11 =	sadd.s32 $0x33400, s6  }
0x9: {  	s13 =	sadd.s32 s12, s2;
	s6 =	sadd.s32 $0x29600, s6;
	[dreg:$0x3] =	wrdreg s11  }
0xa: {  	s0 =	sadd.s32 s5, s0;
	s5 =	sadd.s32 $0x1000, s13;
	[dreg:$0x4] =	wrdreg s6  }
0xb: {  	s8 =	simm.s32 $0x1;
	s14 =	sadd.s32 $0x2000, s13;
	[dreg:$0x5] =	wrdreg s5  }
0xc: {  	s1 =	ssub.s32 $0x2, s1;
	s15 =	sadd.s32 $0x3000, s13;
	[dreg:$0x6] =	wrdreg s14  }
0xd: {  	s10 =	sshrl.u32 s1, $0x1;
	s16 =	sadd.s32 $0x4000, s13;
	[dreg:$0x7] =	wrdreg s15  }
0xe: {  	s9 =	simm.s32 $0x2;
	s17 =	sadd.s32 $0x5000, s13;
	[dreg:$0x8] =	wrdreg s16  }
0xf: {  	s1 =	ssub.s32 s1, s10;
	s18 =	sadd.s32 $0x6000, s13;
	[dreg:$0x9] =	wrdreg s17  }
0x10: {  	s10 =	simm.s32 $0x3;
	s19 =	sadd.s32 $0x7000, s13;
	[dreg:$0xa] =	wrdreg s18  }
0x11: {  	s7 =	sadd.s32 s3, s2;
	s20 =	sadd.s32 $0x8000, s13;
	[dreg:$0xb] =	wrdreg s19  }
0x12: {  	s29 =	smax.u32 s1, $0x1;
	s21 =	sadd.s32 $0x9000, s13;
	[dreg:$0xc] =	wrdreg s20  }
0x13: {  	s1 =	simm.s32 $0x20;
	s22 =	sadd.s32 $0xA000, s13;
	[dreg:$0xd] =	wrdreg s21  }
0x14: {  	s3 =	simm.s32 $0x1AEC0;
	s23 =	sadd.s32 $0xB000, s13;
	[dreg:$0xe] =	wrdreg s22  }
0x15: {  	s12 =	simm.s32 $0x5;
	s24 =	sadd.s32 $0xC000, s13;
	[dreg:$0xf] =	wrdreg s23  }
0x16: {  	s25 =	sadd.s32 $0xD000, s13;
	s26 =	sadd.s32 $0xE000, s13;
	[dreg:$0x10] =	wrdreg s24  }
0x17: {  	s28 =	sadd.s32 $0x3D200, s0;
	s0 =	simm.s32 $0x18EC0;
	[dreg:$0x11] =	wrdreg s25  }
0x18: {  	[dreg:$0x12] =	wrdreg s26;
	s22 =	sadd.s32 $0xF000, s13;
	s23 =	sadd.s32 $0x10000, s13  }
0x19: {  	s24 =	sadd.s32 $0x11000, s13;
	s25 =	sadd.s32 $0x12000, s13;
	s26 =	sadd.s32 $0x13000, s13  }
0x1a: {  	s5 =	simm.s32 $0x1BEC0;
	s6 =	simm.s32 $0x1CEC0;
	s11 =	simm.s32 $0x4  }
0x1b: {  	s13 =	simm.s32 $0x6;
	s14 =	simm.s32 $0x7;
	s15 =	simm.s32 $0x8  }
0x1c: {  	v0 =	vimm.f32 $0.0e+00;
	s16 =	simm.s32 $0x9;
	s17 =	simm.s32 $0xA;
	s18 =	simm.s32 $0x0  }
.LBB2_1:
0x1d: {  	s19 =	simm.s32 $0x0;
	s20 =	rddreg [dreg:$0x3]  }
0x1e: {  	[tilespmem:s19], [sflag:$0xB] =	stream.linear.gather [hbm4b:s20+s19], $0x2760, $0x38;
	[tilespmem:$0x1DEC0] =	vst v63  }
0x1f: {  	_ =	swait.ge [sflag:s30], $0x2760  }
0x20: {  	[sflag:s30] =	ssyncset.done $0x0  }
0x21: {  	s21 =	simm.s32 $0x2760;
	s20 =	rddreg [dreg:$0x4];
	[sflag:s30] =	ssyncadd.s32 $0xFFFFD8A0  }
0x22: {  	[tilespmem:s21], [sflag:$0xB] =	stream.linear.gather [hbm4b:s20+s19], $0x2760, $0x38;
	[tilespmem:$0x1DEC0] =	vst v63  }
0x23: {  	_ =	swait.ge [sflag:s30], $0x2760  }
0x24: {  	[sflag:s30] =	ssyncset.done $0x0  }
0x25: {  	s19 =	simm.s32 $0x0;
	s20 =	simm.s32 $0x200;
	[sflag:s30] =	ssyncadd.s32 $0xFFFFD8A0  }
.LBB2_2:
0x26: {  	p0 =	sne.s32 s20, $0x3E00;
	[tilespmem:s19+$0x18F30] =	vst v0  }
0x27: {  	[tilespmem:s19+$0x18EC0] =	vst v0  }
0x28: {  	[tilespmem:s19+$0x18ED0] =	vst v0  }
.Ltmp0:
0x29: {  	[tilespmem:s19+$0x18EE0] =	vst v0;
	(pc) =	sbr.rel @p0 .LBB2_2-.Ltmp0, $4  }
0x2a: {  	[tilespmem:s19+$0x18EF0] =	vst v0  }
0x2b: {  	[tilespmem:s19+$0x18F00] =	vst v0  }
0x2c: {  	[tilespmem:s19+$0x18F10] =	vst v0  }
0x2d: {  	[tilespmem:s19+$0x18F20] =	vst v0;
	s19 =	sshra.s32 s20, $0x2;
	s20 =	sadd.s32 $0x200, s20  }
0x2e: {  	[tilespmem:s19+$0x18F30] =	vst v0  }
0x2f: {  	[tilespmem:s19+$0x18EC0] =	vst v0  }
0x30: {  	[tilespmem:s19+$0x18ED0] =	vst v0  }
0x31: {  	[tilespmem:s19+$0x18EE0] =	vst v0  }
0x32: {  	[tilespmem:s19+$0x18EF0] =	vst v0  }
0x33: {  	[tilespmem:s19+$0x18F00] =	vst v0  }
0x34: {  	[tilespmem:s19+$0x18F10] =	vst v0  }
0x35: {  	[tilespmem:s19+$0x18F20] =	vst v0  }
0x36: {  	[spmem:s7] =	stream.linear.scatter [tilespmem:s0], [sflag:$0xB], $0x1000, $0x38;
	[tilespmem:$0x1DEC0] =	vst v63  }
0x37: {  	_ =	swait.ge [sflag:s30], $0x1000  }
0x38: {  	[sflag:s30] =	ssyncset.done $0x0  }
0x39: {  	s21 =	rddreg [dreg:$0x5];
	[sflag:s30] =	ssyncadd.s32 $0xFFFFF000  }
0x3a: {  	[spmem:s21] =	stream.linear.scatter [tilespmem:s0], [sflag:$0xB], $0x1000, $0x38;
	[tilespmem:$0x1DEC0] =	vst v63  }
0x3b: {  	_ =	swait.ge [sflag:s30], $0x1000  }
0x3c: {  	[sflag:s30] =	ssyncset.done $0x0  }
0x3d: {  	s20 =	rddreg [dreg:$0x6];
	[sflag:s30] =	ssyncadd.s32 $0xFFFFF000  }
0x3e: {  	[spmem:s20] =	stream.linear.scatter [tilespmem:s0], [sflag:$0xB], $0x1000, $0x38;
	[tilespmem:$0x1DEC0] =	vst v63  }
0x3f: {  	_ =	swait.ge [sflag:s30], $0x1000  }
0x40: {  	[sflag:s30] =	ssyncset.done $0x0  }
0x41: {  	s21 =	rddreg [dreg:$0x7];
	[sflag:s30] =	ssyncadd.s32 $0xFFFFF000  }
0x42: {  	[spmem:s21] =	stream.linear.scatter [tilespmem:s0], [sflag:$0xB], $0x1000, $0x38;
	[tilespmem:$0x1DEC0] =	vst v63  }
0x43: {  	_ =	swait.ge [sflag:s30], $0x1000  }
0x44: {  	[sflag:s30] =	ssyncset.done $0x0  }
0x45: {  	s20 =	rddreg [dreg:$0x8];
	[sflag:s30] =	ssyncadd.s32 $0xFFFFF000  }
0x46: {  	[spmem:s20] =	stream.linear.scatter [tilespmem:s0], [sflag:$0xB], $0x1000, $0x38;
	[tilespmem:$0x1DEC0] =	vst v63  }
0x47: {  	_ =	swait.ge [sflag:s30], $0x1000  }
0x48: {  	[sflag:s30] =	ssyncset.done $0x0  }
0x49: {  	s21 =	rddreg [dreg:$0x9];
	[sflag:s30] =	ssyncadd.s32 $0xFFFFF000  }
0x4a: {  	[spmem:s21] =	stream.linear.scatter [tilespmem:s0], [sflag:$0xB], $0x1000, $0x38;
	[tilespmem:$0x1DEC0] =	vst v63  }
0x4b: {  	_ =	swait.ge [sflag:s30], $0x1000  }
0x4c: {  	[sflag:s30] =	ssyncset.done $0x0  }
0x4d: {  	s20 =	rddreg [dreg:$0xa];
	[sflag:s30] =	ssyncadd.s32 $0xFFFFF000  }
0x4e: {  	[spmem:s20] =	stream.linear.scatter [tilespmem:s0], [sflag:$0xB], $0x1000, $0x38;
	[tilespmem:$0x1DEC0] =	vst v63  }
0x4f: {  	_ =	swait.ge [sflag:s30], $0x1000  }
0x50: {  	[sflag:s30] =	ssyncset.done $0x0  }
0x51: {  	s21 =	rddreg [dreg:$0xb];
	[sflag:s30] =	ssyncadd.s32 $0xFFFFF000  }
0x52: {  	[spmem:s21] =	stream.linear.scatter [tilespmem:s0], [sflag:$0xB], $0x1000, $0x38;
	[tilespmem:$0x1DEC0] =	vst v63  }
0x53: {  	_ =	swait.ge [sflag:s30], $0x1000  }
0x54: {  	[sflag:s30] =	ssyncset.done $0x0  }
0x55: {  	s20 =	rddreg [dreg:$0xc];
	[sflag:s30] =	ssyncadd.s32 $0xFFFFF000  }
0x56: {  	[spmem:s20] =	stream.linear.scatter [tilespmem:s0], [sflag:$0xB], $0x1000, $0x38;
	[tilespmem:$0x1DEC0] =	vst v63  }
0x57: {  	_ =	swait.ge [sflag:s30], $0x1000  }
0x58: {  	[sflag:s30] =	ssyncset.done $0x0  }
0x59: {  	s21 =	rddreg [dreg:$0xd];
	[sflag:s30] =	ssyncadd.s32 $0xFFFFF000  }
0x5a: {  	[spmem:s21] =	stream.linear.scatter [tilespmem:s0], [sflag:$0xB], $0x1000, $0x38;
	[tilespmem:$0x1DEC0] =	vst v63  }
0x5b: {  	_ =	swait.ge [sflag:s30], $0x1000  }
0x5c: {  	[sflag:s30] =	ssyncset.done $0x0  }
0x5d: {  	s20 =	rddreg [dreg:$0xe];
	[sflag:s30] =	ssyncadd.s32 $0xFFFFF000  }
0x5e: {  	[spmem:s20] =	stream.linear.scatter [tilespmem:s0], [sflag:$0xB], $0x1000, $0x38;
	[tilespmem:$0x1DEC0] =	vst v63  }
0x5f: {  	_ =	swait.ge [sflag:s30], $0x1000  }
0x60: {  	[sflag:s30] =	ssyncset.done $0x0  }
0x61: {  	s21 =	rddreg [dreg:$0xf];
	[sflag:s30] =	ssyncadd.s32 $0xFFFFF000  }
0x62: {  	[spmem:s21] =	stream.linear.scatter [tilespmem:s0], [sflag:$0xB], $0x1000, $0x38;
	[tilespmem:$0x1DEC0] =	vst v63  }
0x63: {  	_ =	swait.ge [sflag:s30], $0x1000  }
0x64: {  	[sflag:s30] =	ssyncset.done $0x0  }
0x65: {  	s20 =	rddreg [dreg:$0x10];
	[sflag:s30] =	ssyncadd.s32 $0xFFFFF000  }
0x66: {  	[spmem:s20] =	stream.linear.scatter [tilespmem:s0], [sflag:$0xB], $0x1000, $0x38;
	[tilespmem:$0x1DEC0] =	vst v63  }
0x67: {  	_ =	swait.ge [sflag:s30], $0x1000  }
0x68: {  	[sflag:s30] =	ssyncset.done $0x0  }
0x69: {  	s21 =	rddreg [dreg:$0x11];
	[sflag:s30] =	ssyncadd.s32 $0xFFFFF000  }
0x6a: {  	[spmem:s21] =	stream.linear.scatter [tilespmem:s0], [sflag:$0xB], $0x1000, $0x38;
	[tilespmem:$0x1DEC0] =	vst v63  }
0x6b: {  	_ =	swait.ge [sflag:s30], $0x1000  }
0x6c: {  	[sflag:s30] =	ssyncset.done $0x0  }
0x6d: {  	s20 =	rddreg [dreg:$0x12];
	[sflag:s30] =	ssyncadd.s32 $0xFFFFF000  }
0x6e: {  	[spmem:s20] =	stream.linear.scatter [tilespmem:s0], [sflag:$0xB], $0x1000, $0x38;
	[tilespmem:$0x1DEC0] =	vst v63  }
0x6f: {  	_ =	swait.ge [sflag:s30], $0x1000  }
0x70: {  	[sflag:s30] =	ssyncset.done $0x0  }
0x71: {  	[sflag:s30] =	ssyncadd.s32 $0xFFFFF000  }
0x72: {  	[spmem:s22] =	stream.linear.scatter [tilespmem:s0], [sflag:$0xB], $0x1000, $0x38;
	[tilespmem:$0x1DEC0] =	vst v63  }
0x73: {  	_ =	swait.ge [sflag:s30], $0x1000  }
0x74: {  	[sflag:s30] =	ssyncset.done $0x0  }
0x75: {  	[sflag:s30] =	ssyncadd.s32 $0xFFFFF000  }
0x76: {  	[spmem:s23] =	stream.linear.scatter [tilespmem:s0], [sflag:$0xB], $0x1000, $0x38;
	[tilespmem:$0x1DEC0] =	vst v63  }
0x77: {  	_ =	swait.ge [sflag:s30], $0x1000  }
0x78: {  	[sflag:s30] =	ssyncset.done $0x0  }
0x79: {  	[sflag:s30] =	ssyncadd.s32 $0xFFFFF000  }
0x7a: {  	[spmem:s24] =	stream.linear.scatter [tilespmem:s0], [sflag:$0xB], $0x1000, $0x38;
	[tilespmem:$0x1DEC0] =	vst v63  }
0x7b: {  	_ =	swait.ge [sflag:s30], $0x1000  }
0x7c: {  	[sflag:s30] =	ssyncset.done $0x0  }
0x7d: {  	[sflag:s30] =	ssyncadd.s32 $0xFFFFF000  }
0x7e: {  	[spmem:s25] =	stream.linear.scatter [tilespmem:s0], [sflag:$0xB], $0x1000, $0x38;
	[tilespmem:$0x1DEC0] =	vst v63  }
0x7f: {  	_ =	swait.ge [sflag:s30], $0x1000  }
0x80: {  	[sflag:s30] =	ssyncset.done $0x0  }
0x81: {  	[sflag:s30] =	ssyncadd.s32 $0xFFFFF000  }
0x82: {  	[spmem:s26] =	stream.linear.scatter [tilespmem:s0], [sflag:$0xB], $0x1000, $0x38;
	[tilespmem:$0x1DEC0] =	vst v63  }
0x83: {  	_ =	swait.ge [sflag:s30], $0x1000  }
0x84: {  	[sflag:s30] =	ssyncset.done $0x0  }
0x85: {  	s21 =	simm.s32 $0x0;
	[sflag:s30] =	ssyncadd.s32 $0xFFFFF000  }
0x86: {  	[tilespmem:s0], [sflag:$0x1] =	stream.indirect.gather [hbm4b:s4+s1], $0x80, s21, s1, $0xb8;
	[tilespmem:$0x1DEC0] =	vst v63  }
0x87: {  	_ = 	snop  }
0x88: {  	[tilespmem:s31], [sflag:$0x2] =	stream.indirect.gather [hbm4b:s4+s1], $0x80, s1, s1, $0xb8;
	[tilespmem:$0x1DEC0] =	vst v63  }
0x89: {  	s20 =	simm.s32 $0x40  }
0x8a: {  	[tilespmem:s3], [sflag:$0x3] =	stream.indirect.gather [hbm4b:s4+s1], $0x80, s20, s1, $0xb8;
	[tilespmem:$0x1DEC0] =	vst v63  }
0x8b: {  	s21 =	simm.s32 $0x60  }
0x8c: {  	[tilespmem:s5], [sflag:$0x4] =	stream.indirect.gather [hbm4b:s4+s1], $0x80, s21, s1, $0xb8;
	[tilespmem:$0x1DEC0] =	vst v63  }
0x8d: {  	s20 =	simm.s32 $0x80  }
0x8e: {  	[tilespmem:s6], [sflag:$0x5] =	stream.indirect.gather [hbm4b:s4+s1], $0x80, s20, s1, $0xb8;
	[tilespmem:$0x1DEC0] =	vst v63  }
0x8f: {  	[bflag:$0x0] =	sbarrier.arrive $0xFFFF  }
0x90: {  	_ =	swait.ge [sflag:s8], $0x1000  }
0x91: {  	[sflag:s8] =	ssyncset.done $0x0  }
0x92: {  	s21 =	simm.s32 $0x2760;
	[sflag:s8] =	ssyncadd.s32 $0xFFFFF000  }
0x93: {  	[spmem:s2] =	stream.indirect.scatter.add.f32 [tilespmem:s0], [sflag:$0x6], $0x80, s21, s1, $0xb8;
	[tilespmem:$0x1DEC0] =	vst v63  }
0x94: {  	_ =	swait.ge [sflag:s9], $0x1000  }
0x95: {  	[sflag:s9] =	ssyncset.done $0x0  }
0x96: {  	s20 =	simm.s32 $0x2780;
	[sflag:s9] =	ssyncadd.s32 $0xFFFFF000  }
0x97: {  	[spmem:s2] =	stream.indirect.scatter.add.f32 [tilespmem:s31], [sflag:$0x7], $0x80, s20, s1, $0xb8;
	[tilespmem:$0x1DEC0] =	vst v63  }
0x98: {  	_ =	swait.ge [sflag:s10], $0x1000  }
0x99: {  	[sflag:s10] =	ssyncset.done $0x0  }
0x9a: {  	s21 =	simm.s32 $0x27A0;
	[sflag:s10] =	ssyncadd.s32 $0xFFFFF000  }
0x9b: {  	[spmem:s2] =	stream.indirect.scatter.add.f32 [tilespmem:s3], [sflag:$0x8], $0x80, s21, s1, $0xb8;
	[tilespmem:$0x1DEC0] =	vst v63  }
0x9c: {  	_ =	swait.ge [sflag:s11], $0x1000  }
0x9d: {  	[sflag:s11] =	ssyncset.done $0x0  }
0x9e: {  	s20 =	simm.s32 $0x27C0;
	[sflag:s11] =	ssyncadd.s32 $0xFFFFF000  }
0x9f: {  	[spmem:s2] =	stream.indirect.scatter.add.f32 [tilespmem:s5], [sflag:$0x9], $0x80, s20, s1, $0xb8;
	[tilespmem:$0x1DEC0] =	vst v63  }
0xa0: {  	_ =	swait.ge [sflag:s12], $0x1000  }
0xa1: {  	[sflag:s12] =	ssyncset.done $0x0  }
0xa2: {  	s21 =	simm.s32 $0x27E0;
	[sflag:s12] =	ssyncadd.s32 $0xFFFFF000  }
0xa3: {  	[spmem:s2] =	stream.indirect.scatter.add.f32 [tilespmem:s6], [sflag:$0xA], $0x80, s21, s1, $0xb8;
	[tilespmem:$0x1DEC0] =	vst v63  }
0xa4: {  	_ =	swait.ge [sflag:s13], $0x1000  }
0xa5: {  	[sflag:s13] =	ssyncset.done $0x0  }
0xa6: {  	s20 =	simm.s32 $0xA0;
	[sflag:s13] =	ssyncadd.s32 $0xFFFFF000  }
0xa7: {  	[tilespmem:s0], [sflag:$0x1] =	stream.indirect.gather [hbm4b:s4+s1], $0x80, s20, s1, $0xb8;
	[tilespmem:$0x1DEC0] =	vst v63  }
0xa8: {  	_ =	swait.ge [sflag:s14], $0x1000  }
0xa9: {  	[sflag:s14] =	ssyncset.done $0x0  }
0xaa: {  	s21 =	simm.s32 $0xC0;
	[sflag:s14] =	ssyncadd.s32 $0xFFFFF000  }
0xab: {  	[tilespmem:s31], [sflag:$0x2] =	stream.indirect.gather [hbm4b:s4+s1], $0x80, s21, s1, $0xb8;
	[tilespmem:$0x1DEC0] =	vst v63  }
0xac: {  	_ =	swait.ge [sflag:s15], $0x1000  }
0xad: {  	[sflag:s15] =	ssyncset.done $0x0  }
0xae: {  	s20 =	simm.s32 $0xE0;
	[sflag:s15] =	ssyncadd.s32 $0xFFFFF000  }
0xaf: {  	[tilespmem:s3], [sflag:$0x3] =	stream.indirect.gather [hbm4b:s4+s1], $0x80, s20, s1, $0xb8;
	[tilespmem:$0x1DEC0] =	vst v63  }
0xb0: {  	_ =	swait.ge [sflag:s16], $0x1000  }
0xb1: {  	[sflag:s16] =	ssyncset.done $0x0  }
0xb2: {  	s21 =	simm.s32 $0x100;
	[sflag:s16] =	ssyncadd.s32 $0xFFFFF000  }
0xb3: {  	[tilespmem:s5], [sflag:$0x4] =	stream.indirect.gather [hbm4b:s4+s1], $0x80, s21, s1, $0xb8;
	[tilespmem:$0x1DEC0] =	vst v63  }
0xb4: {  	_ =	swait.ge [sflag:s17], $0x1000  }
0xb5: {  	[sflag:s17] =	ssyncset.done $0x0  }
0xb6: {  	s19 =	simm.s32 $0x280;
	s20 =	simm.s32 $0x120;
	[sflag:s17] =	ssyncadd.s32 $0xFFFFF000  }
.LBB2_4:
0xb7: {  	[tilespmem:s6], [sflag:$0x5] =	stream.indirect.gather [hbm4b:s4+s1], $0x80, s20, s1, $0xb8;
	[tilespmem:$0x1DEC0] =	vst v63  }
0xb8: {  	s20 =	smov.u32 s19  }
0xb9: {  	p0 =	sne.s32 s19, $0x9880;
	s19 =	sadd.s32 $0x280, s19;
	_ =	swait.ge [sflag:s8], $0x1000  }
0xba: {  	s20 =	sshra.s32 s20, $0x2;
	[sflag:s8] =	ssyncset.done $0x0  }
0xbb: {  	s21 =	sadd.s32 $0x2760, s20;
	[sflag:s8] =	ssyncadd.s32 $0xFFFFF000  }
0xbc: {  	[spmem:s2] =	stream.indirect.scatter.add.f32 [tilespmem:s0], [sflag:$0x6], $0x80, s21, s1, $0xb8;
	[tilespmem:$0x1DEC0] =	vst v63  }
0xbd: {  	_ =	swait.ge [sflag:s9], $0x1000  }
0xbe: {  	[sflag:s9] =	ssyncset.done $0x0  }
0xbf: {  	s21 =	sadd.s32 $0x2780, s20;
	[sflag:s9] =	ssyncadd.s32 $0xFFFFF000  }
0xc0: {  	[spmem:s2] =	stream.indirect.scatter.add.f32 [tilespmem:s31], [sflag:$0x7], $0x80, s21, s1, $0xb8;
	[tilespmem:$0x1DEC0] =	vst v63  }
0xc1: {  	_ =	swait.ge [sflag:s10], $0x1000  }
0xc2: {  	[sflag:s10] =	ssyncset.done $0x0  }
0xc3: {  	s21 =	sadd.s32 $0x27A0, s20;
	[sflag:s10] =	ssyncadd.s32 $0xFFFFF000  }
0xc4: {  	[spmem:s2] =	stream.indirect.scatter.add.f32 [tilespmem:s3], [sflag:$0x8], $0x80, s21, s1, $0xb8;
	[tilespmem:$0x1DEC0] =	vst v63  }
0xc5: {  	_ =	swait.ge [sflag:s11], $0x1000  }
0xc6: {  	[sflag:s11] =	ssyncset.done $0x0  }
0xc7: {  	s21 =	sadd.s32 $0x27C0, s20;
	[sflag:s11] =	ssyncadd.s32 $0xFFFFF000  }
0xc8: {  	[spmem:s2] =	stream.indirect.scatter.add.f32 [tilespmem:s5], [sflag:$0x9], $0x80, s21, s1, $0xb8;
	[tilespmem:$0x1DEC0] =	vst v63  }
0xc9: {  	_ =	swait.ge [sflag:s12], $0x1000  }
0xca: {  	[sflag:s12] =	ssyncset.done $0x0  }
0xcb: {  	s21 =	sadd.s32 $0x27E0, s20;
	[sflag:s12] =	ssyncadd.s32 $0xFFFFF000  }
0xcc: {  	[spmem:s2] =	stream.indirect.scatter.add.f32 [tilespmem:s6], [sflag:$0xA], $0x80, s21, s1, $0xb8;
	[tilespmem:$0x1DEC0] =	vst v63  }
0xcd: {  	_ =	swait.ge [sflag:s13], $0x1000  }
0xce: {  	[sflag:s13] =	ssyncset.done $0x0  }
0xcf: {  	s21 =	sadd.s32 $0xA0, s20;
	[sflag:s13] =	ssyncadd.s32 $0xFFFFF000  }
0xd0: {  	[tilespmem:s0], [sflag:$0x1] =	stream.indirect.gather [hbm4b:s4+s1], $0x80, s21, s1, $0xb8;
	[tilespmem:$0x1DEC0] =	vst v63  }
0xd1: {  	_ =	swait.ge [sflag:s14], $0x1000  }
0xd2: {  	[sflag:s14] =	ssyncset.done $0x0  }
0xd3: {  	s21 =	sadd.s32 $0xC0, s20;
	[sflag:s14] =	ssyncadd.s32 $0xFFFFF000  }
0xd4: {  	[tilespmem:s31], [sflag:$0x2] =	stream.indirect.gather [hbm4b:s4+s1], $0x80, s21, s1, $0xb8;
	[tilespmem:$0x1DEC0] =	vst v63  }
0xd5: {  	_ =	swait.ge [sflag:s15], $0x1000  }
0xd6: {  	[sflag:s15] =	ssyncset.done $0x0  }
0xd7: {  	s21 =	sadd.s32 $0xE0, s20;
	[sflag:s15] =	ssyncadd.s32 $0xFFFFF000  }
0xd8: {  	[tilespmem:s3], [sflag:$0x3] =	stream.indirect.gather [hbm4b:s4+s1], $0x80, s21, s1, $0xb8;
	[tilespmem:$0x1DEC0] =	vst v63  }
0xd9: {  	_ =	swait.ge [sflag:s16], $0x1000  }
0xda: {  	[sflag:s16] =	ssyncset.done $0x0  }
.Ltmp1:
0xdb: {  	s21 =	sadd.s32 $0x100, s20;
	[sflag:s16] =	ssyncadd.s32 $0xFFFFF000;
	(pc) =	sbr.rel @p0 .LBB2_4-.Ltmp1, $4  }
0xdc: {  	[tilespmem:s5], [sflag:$0x4] =	stream.indirect.gather [hbm4b:s4+s1], $0x80, s21, s1, $0xb8;
	[tilespmem:$0x1DEC0] =	vst v63  }
0xdd: {  	_ =	swait.ge [sflag:s17], $0x1000  }
0xde: {  	[sflag:s17] =	ssyncset.done $0x0  }
0xdf: {  	s20 =	sadd.s32 $0x120, s20;
	[sflag:s17] =	ssyncadd.s32 $0xFFFFF000  }
0xe0: {  	[tilespmem:s6], [sflag:$0x5] =	stream.indirect.gather [hbm4b:s4+s1], $0x80, s20, s1, $0xb8;
	[tilespmem:$0x1DEC0] =	vst v63  }
0xe1: {  	_ =	swait.ge [sflag:s8], $0x1000  }
0xe2: {  	[sflag:s8] =	ssyncset.done $0x0  }
0xe3: {  	s19 =	simm.s32 $0x4E20;
	[sflag:s8] =	ssyncadd.s32 $0xFFFFF000  }
0xe4: {  	[spmem:s2] =	stream.indirect.scatter.add.f32 [tilespmem:s0], [sflag:$0x6], $0x80, s19, s1, $0xb8;
	[tilespmem:$0x1DEC0] =	vst v63  }
0xe5: {  	_ =	swait.ge [sflag:s9], $0x1000  }
0xe6: {  	[sflag:s9] =	ssyncset.done $0x0  }
0xe7: {  	s20 =	simm.s32 $0x4E40;
	[sflag:s9] =	ssyncadd.s32 $0xFFFFF000  }
0xe8: {  	[spmem:s2] =	stream.indirect.scatter.add.f32 [tilespmem:s31], [sflag:$0x7], $0x80, s20, s1, $0xb8;
	[tilespmem:$0x1DEC0] =	vst v63  }
0xe9: {  	_ =	swait.ge [sflag:s10], $0x1000  }
0xea: {  	[sflag:s10] =	ssyncset.done $0x0  }
0xeb: {  	s21 =	simm.s32 $0x4E60;
	[sflag:s10] =	ssyncadd.s32 $0xFFFFF000  }
0xec: {  	[spmem:s2] =	stream.indirect.scatter.add.f32 [tilespmem:s3], [sflag:$0x8], $0x80, s21, s1, $0xb8;
	[tilespmem:$0x1DEC0] =	vst v63  }
0xed: {  	_ =	swait.ge [sflag:s11], $0x1000  }
0xee: {  	[sflag:s11] =	ssyncset.done $0x0  }
0xef: {  	s20 =	simm.s32 $0x4E80;
	[sflag:s11] =	ssyncadd.s32 $0xFFFFF000  }
0xf0: {  	[spmem:s2] =	stream.indirect.scatter.add.f32 [tilespmem:s5], [sflag:$0x9], $0x80, s20, s1, $0xb8;
	[tilespmem:$0x1DEC0] =	vst v63  }
0xf1: {  	_ =	swait.ge [sflag:s12], $0x1000  }
0xf2: {  	[sflag:s12] =	ssyncset.done $0x0  }
0xf3: {  	s21 =	simm.s32 $0x4EA0;
	[sflag:s12] =	ssyncadd.s32 $0xFFFFF000  }
0xf4: {  	[spmem:s2] =	stream.indirect.scatter.add.f32 [tilespmem:s6], [sflag:$0xA], $0x80, s21, s1, $0xb8;
	[tilespmem:$0x1DEC0] =	vst v63  }
0xf5: {  	_ =	swait.ge [sflag:s13], $0x1000  }
0xf6: {  	[sflag:s13] =	ssyncset.done $0x0  }
0xf7: {  	[sflag:s13] =	ssyncadd.s32 $0xFFFFF000  }
0xf8: {  	_ =	swait.ge [sflag:s14], $0x1000  }
0xf9: {  	[sflag:s14] =	ssyncset.done $0x0  }
0xfa: {  	[sflag:s14] =	ssyncadd.s32 $0xFFFFF000  }
0xfb: {  	_ =	swait.ge [sflag:s15], $0x1000  }
0xfc: {  	[sflag:s15] =	ssyncset.done $0x0  }
0xfd: {  	[sflag:s15] =	ssyncadd.s32 $0xFFFFF000  }
0xfe: {  	_ =	swait.ge [sflag:s16], $0x1000  }
0xff: {  	[sflag:s16] =	ssyncset.done $0x0  }
0x100: {  	[sflag:s16] =	ssyncadd.s32 $0xFFFFF000  }
0x101: {  	s20 =	stileid.u32;
	_ =	swait.ge [sflag:s17], $0x1000  }
0x102: {  	s18 =	sadd.s32 $0x1, s18;
	s19 =	sshll.u32 s20, $0x6;
	[sflag:s17] =	ssyncset.done $0x0  }
0x103: {  	p0 =	sne.s32 s18, s29;
	s19 =	sor.u32 $0x1C0B, s19;
	[sflag:s17] =	ssyncadd.s32 $0xFFFFF000  }
.Ltmp2:
0x104: {  	s21 =	sshrl.u32 s7, $0x3;
	[bflag:$0x0] =	sbarrier.arrive $0xFFFF;
	(pc) =	sbr.rel @p0 .LBB2_1-.Ltmp2, $4  }
0x105: {  	[hbm:s28], [sflag:s19] =	dma.local [spmem:s21], $0x2800  }
0x106: {  	_ =	swait.ge [sflag:s30], $0x2800  }
0x107: {  	[sflag:s30] =	ssyncset.done $0x0  }
0x108: {  	[sflag:s30] =	ssyncadd.s32 $0xFFFFD800  }
0x109: {  	_ =	sfence.sel $0x180000  }
0x10a: {  	[bflag:$0x0] =	sbarrier.arrive $0xFFFF  }
0x10b: {  	_ =	strace $0x9000004A  }
0x10c: {  	s0 =	stileid.u32;
	[bflag:$0x2] =	sbarrier.arrive $0xFFFF  }
0x10d: {  	p0 =	sne.s32 s0, $0x0;
	s0 =	rddreg [dreg:$0x2]  }
0x10e: {  	s0 =	sadd.s32 @!p0 $0x100000, s0  }
0x10f: {  	[sflag:s0] =	ssyncadd.tile.s32 @!p0 $0x1;
	_ =	shalt  }
.Lfunc_end2:
_tile_overlayer_lowered:
.L_overlay_start_2:
0x110: {  	(tag) =	ssettag $0x2  }
0x111: {  	s0 =	rddreg [dreg:$0x0];
	s2 =	stileid.u32  }
0x112: {  	s1 =	rddreg [dreg:$0x1];
	p0 =	sne.s32 s2, $0x0  }
0x113: {  	s3 =	rddreg [dreg:$0x2];
	[bflag:$0x3] =	sbarrier.arrive $0xFFFF;
	s2 =	simm.s32 @!p0 $0x1C0B  }
0x114: {  	[timem:s3], [sflag:s2] =	dma.local @!p0 [hbm:s0], s1  }
0x115: {  	s0 =	simm.s32 @!p0 $0xB  }
0x116: {  	_ =	swait.ge @!p0 [sflag:s0], s1  }
0x117: {  	s1 =	ssub.s32 @!p0 $0x0, s1;
	[sflag:s0] =	ssyncset.done @!p0 $0x0  }
0x118: {  	[sflag:s0] =	ssyncadd.s32 @!p0 s1  }
0x119: {  	[bflag:$0x3] =	sbarrier.arrive $0xFFFF  }
0x11a: {  	_ =	shalt  }

// kernel: kernel.13.cloned.1.call-start
scs
__scs_entry_jumppad:
0x0: {  	(pc) =	sbr.rel $0x88, $3  }
0x1: {  	(tag) =	ssettag $0x0;
	lr =	simm.s32 $0x1  }
0x2: {  	[smem:$0x3F9B] =	sst lr;
	_ =	strace $0xD0000000  }
0x3: {  	_ = 	snop  }
0x4: {  	_ = 	snop  }
0x5: {  	_ = 	snop  }
0x6: {  	_ = 	snop  }
0x7: {  	_ = 	snop  }
__scs_overlays_trampoline_lowered:
0x8: {  	[smem:$0x3FAA] =	sst s0  }
0x9: {  	[smem:$0x3FAB] =	sst s1  }
0xa: {  	[smem:$0x3FAC] =	sst s2  }
0xb: {  	[smem:$0x3FAD] =	sst s3  }
0xc: {  	[smem:$0x3FAE] =	sst s4  }
0xd: {  	[smem:$0x3FAF] =	sst s5  }
0xe: {  	[smem:$0x3FB0] =	sst s6  }
0xf: {  	[smem:$0x3FB1] =	sst s7  }
0x10: {  	[smem:$0x3FB2] =	sst s8  }
0x11: {  	[smem:$0x3FB3] =	sst s9;
	s0 =	simm.s32 @!p0 $0x0  }
0x12: {  	s1 =	sld [smem:$0x3F99];
	s0 =	simm.s32 @p0 $0x1  }
0x13: {  	[smem:$0x3FB4] =	sst s0;
	s0 =	simm.s32 @!p1 $0x0  }
0x14: {  	s2 =	sld [smem:$0x3F98];
	s0 =	simm.s32 @p1 $0x1  }
0x15: {  	[smem:$0x3FB5] =	sst s0;
	s0 =	simm.s32 @!p2 $0x0  }
0x16: {  	s3 =	sld [smem:$0x3FDB];
	s0 =	simm.s32 @p2 $0x1  }
0x17: {  	s4 =	simm.s32 $0x1BF5;
	[smem:$0x3FB7] =	sst s0  }
0x18: {  	s0 =	sld [smem:$0x3F9A];
	_ =	swait.ge [sflag:s4], $0x0  }
0x19: {  	s7 =	sld [smem:$0x3F9B]  }
0x1a: {  	s8 =	sadd.s32 $0xFFFFE003, lr  }
0x1b: {  	s9 =	sadd.s32 $0xFFFFFEF7, lr;
	s5 =	simm.s32 $0xFFFFFFFF;
	p2 =	slt.u32 s8, $0xFFFFF086  }
0x1c: {  	p1 =	slt.u32 s9, $0xF7A;
	s5 =	simm.s32 @!p2 $0x0  }
0x1d: {  	s5 =	simm.s32 @p1 $0x1;
	p0 =	seq.s32 s7, s2  }
0x1e: {  	s7 =	smul.u32 @!p0 $0xF7A, s2;
	p2 =	seq.s32 @!p0 s5, $0x0  }
0x1f: {  	s9 =	smul.u32 $0xF7A, s1;
	s8 =	simm.s32 @!p0 $0x1BF5;
	p2 =	por !p2, p0  }
0x20: {  	[sflag:s8] =	ssyncset.s32 @!p0 $0xFFFFF086;
	s6 =	sadd.s32 @!p0 s3, s7;
	s7 =	simm.s32 @!p0 $0x108  }
0x21: {  	s3 =	sadd.s32 s3, s9;
	s6 =	sadd.s32 @!p0 $0x88, s6;
	s7 =	simm.s32 @p2 $0x1082  }
0x22: {  	[simem:s7], [sflag:s8] =	dma.local @!p0 [hbm:s6], $0xF7A  }
0x23: {  	s9 =	sor.u32 $0xD0000000, s2;
	s6 =	simm.s32 $0x108;
	_ =	swait.ge @!p0 [sflag:s8], $0x0  }
0x24: {  	s3 =	sadd.s32 $0x88, s3;
	s6 =	simm.s32 @!p1 $0x1082;
	[sflag:s4] =	ssyncset.s32 $0xFFFFF086  }
0x25: {  	[simem:s6], [sflag:s4] =	dma.local [hbm:s3], $0xF7A  }
0x26: {  	[smem:$0x3F9B] =	sst s1;
	(tag) =	ssettag s2;
	_ =	strace s9  }
0x27: {  	s1 =	sld [smem:$0x3FAB]  }
0x28: {  	s2 =	sld [smem:$0x3FAC]  }
0x29: {  	s4 =	sld [smem:$0x3FAE]  }
0x2a: {  	p0 =	seq.s32 s5, $0x0;
	s5 =	sld [smem:$0x3FAF]  }
0x2b: {  	s6 =	sld [smem:$0x3FB0]  }
0x2c: {  	s7 =	sld [smem:$0x3FB1]  }
0x2d: {  	s3 =	simm.s32 $0x108;
	s8 =	sld [smem:$0x3FB2]  }
0x2e: {  	s3 =	simm.s32 @!p0 $0x1082;
	s9 =	sld [smem:$0x3FB3]  }
0x2f: {  	lr =	sadd.s32 s0, s3;
	s0 =	sld [smem:$0x3FAA]  }
0x30: {  	s3 =	sld [smem:$0x3FAD]  }
0x31: {  	[smem:$0x3FB6] =	sst s10  }
0x32: {  	s10 =	sld [smem:$0x3FB4];
	_ =	sdelay $0x3  }
0x33: {  	p0 =	seq.s32 s10, $0x1;
	s10 =	sld [smem:$0x3FB6];
	_ =	sdelay $0x3  }
0x34: {  	[smem:$0x3FB6] =	sst s10  }
0x35: {  	s10 =	sld [smem:$0x3FB5];
	_ =	sdelay $0x3  }
0x36: {  	p1 =	seq.s32 s10, $0x1;
	s10 =	sld [smem:$0x3FB6];
	_ =	sdelay $0x3  }
0x37: {  	[smem:$0x3FB6] =	sst s10  }
0x38: {  	s10 =	sld [smem:$0x3FB7]  }
0x39: {  	_ = 	snop;
	(pc) =	sbr.ind lr, $3  }
0x3a: {  	_ = 	snop  }
0x3b: {  	_ = 	snop  }
0x3c: {  	p2 =	seq.s32 s10, $0x1;
	s10 =	sld [smem:$0x3FB6]  }
0x3d: {  	_ =	shalt  }
0x3e: {  	_ =	shalt  }
0x3f: {  	_ =	shalt  }
0x40: {  	_ =	shalt  }
0x41: {  	_ =	shalt  }
0x42: {  	_ =	shalt  }
0x43: {  	_ =	shalt  }
0x44: {  	_ =	shalt  }
0x45: {  	_ =	shalt  }
0x46: {  	_ =	shalt  }
0x47: {  	_ =	shalt  }
0x48: {  	_ =	shalt  }
0x49: {  	_ =	shalt  }
0x4a: {  	_ =	shalt  }
0x4b: {  	_ =	shalt  }
0x4c: {  	_ =	shalt  }
0x4d: {  	_ =	shalt  }
0x4e: {  	_ =	shalt  }
0x4f: {  	_ =	shalt  }
0x50: {  	_ =	shalt  }
0x51: {  	_ =	shalt  }
0x52: {  	_ =	shalt  }
0x53: {  	_ =	shalt  }
0x54: {  	_ =	shalt  }
0x55: {  	_ =	shalt  }
0x56: {  	_ =	shalt  }
0x57: {  	_ =	shalt  }
0x58: {  	_ =	shalt  }
0x59: {  	_ =	shalt  }
0x5a: {  	_ =	shalt  }
0x5b: {  	_ =	shalt  }
0x5c: {  	_ =	shalt  }
0x5d: {  	_ =	shalt  }
0x5e: {  	_ =	shalt  }
0x5f: {  	_ =	shalt  }
0x60: {  	_ =	shalt  }
0x61: {  	_ =	shalt  }
0x62: {  	_ =	shalt  }
0x63: {  	_ =	shalt  }
0x64: {  	_ =	shalt  }
0x65: {  	_ =	shalt  }
0x66: {  	_ =	shalt  }
0x67: {  	_ =	shalt  }
0x68: {  	_ =	shalt  }
0x69: {  	_ =	shalt  }
0x6a: {  	_ =	shalt  }
0x6b: {  	_ =	shalt  }
0x6c: {  	_ =	shalt  }
0x6d: {  	_ =	shalt  }
0x6e: {  	_ =	shalt  }
0x6f: {  	_ =	shalt  }
0x70: {  	_ =	shalt  }
0x71: {  	_ =	shalt  }
0x72: {  	_ =	shalt  }
0x73: {  	_ =	shalt  }
0x74: {  	_ =	shalt  }
0x75: {  	_ =	shalt  }
0x76: {  	_ =	shalt  }
0x77: {  	_ =	shalt  }
0x78: {  	_ =	shalt  }
0x79: {  	_ =	shalt  }
0x7a: {  	_ =	shalt  }
0x7b: {  	_ =	shalt  }
0x7c: {  	_ =	shalt  }
0x7d: {  	_ =	shalt  }
0x7e: {  	_ =	shalt  }
0x7f: {  	_ =	shalt  }
0x80: {  	_ =	shalt  }
0x81: {  	_ =	shalt  }
0x82: {  	_ =	shalt  }
0x83: {  	_ =	shalt  }
0x84: {  	_ =	shalt  }
0x85: {  	_ =	shalt  }
0x86: {  	_ =	shalt  }
0x87: {  	_ =	shalt  }
.Lfunc_end0:
.L_simem_size_0:
called_computation.2_lowered:
.L_overlay_start_0:
0x88: {  	s2 =	sld [smem:$0x3FD9]  }
0x89: {  	s3 =	sld [smem:$0x3FFE];
	_ =	sdelay $0x1  }
0x8a: {  	s1 =	srdreg.scid  }
0x8b: {  	s0 =	sand.u32 $0x1, s1  }
0x8c: {  	s17 =	sshll.u32 s0, $0xA;
	s2 =	sadd.s32 s3, s2  }
0x8d: {  	s2 =	sadd.s32 s2, s17  }
0x8e: {  	[smem:$0x3FC2] =	sst s2  }
0x8f: {  	_ = 	snop  }
0x90: {  	s2 =	sld [smem:$0x3FD0];
	(tm) =	ssettm $0x1  }
0x91: {  	s18 =	sld [smem:$0x3FFB];
	_ =	sdelay $0x3  }
0x92: {  	_ =	strace s18  }
0x93: {  	s3 =	sld [smem:$0x3FFC];
	_ =	sdelay $0x3  }
0x94: {  	_ =	strace s3  }
0x95: {  	s3 =	sld [smem:$0x3FFD];
	_ =	sdelay $0x3  }
0x96: {  	_ =	strace s3  }
0x97: {  	_ =	strace $0x8FFFFFFF  }
0x98: {  	s19 =	sld [smem:$0x3FDB];
	_ =	sdelay $0x1  }
0x99: {  	s4 =	simm.s32 $_scs_section_size  }
0x9a: {  	s5 =	simm.s32 $_size__tile_overlayer_lowered;
	s6 =	simm.s32 $_tile_overlayer_lowered  }
0x9b: {  	s22 =	simm.s32 $0x1BFF;
	s21 =	sshll.u32 s6, $0x1;
	s3 =	sadd.s32 s4, s19  }
0x9c: {  	s7 =	simm.s32 $0x0;
	s20 =	sshll.u32 s5, $0x1;
	s5 =	sadd.s32 s21, s3  }
0x9d: {  	[timem:s7], [sflag:s22] =	dma.local [hbm:s5], s20  }
0x9e: {  	_ =	swait.ge [sflag:s22], s20  }
0x9f: {  	s4 =	ssub.s32 $0x0, s20;
	[sflag:s22] =	ssyncset.done $0x0  }
0xa0: {  	[sflag:s22] =	ssyncadd.s32 s4;
	_ =	sdelay $0x1  }
0xa1: {  	s23 =	simm.s32 $0x1B8B  }
0xa2: {  	_ =	swait.ge [sflag:s23], $0x1  }
0xa3: {  	[sflag:s23] =	ssyncset.done $0x0  }
0xa4: {  	s25 =	simm.s32 $0x1B8E;
	s24 =	sld [smem:$0x3FFE];
	[sflag:s23] =	ssyncadd.s32 $0xFFFFFFFF  }
0xa5: {  	s26 =	simm.s32 $execute0_lowered;
	[smem:$0x3FD2] =	sst s25  }
0xa6: {  	s5 =	sshll.u32 s26, $0x1;
	_ =	strace $0x8000004C;
	[dreg:$0x1] =	wrdreg $0xFFFFFFFF  }
0xa7: {  	s28 =	simm.s32 $_size_execute0_lowered;
	s3 =	sadd.s32 s3, s5;
	[dreg:$0x0] =	wrdreg $0x0  }
0xa8: {  	s5 =	sshll.u32 s28, $0x1;
	[dreg:$0x2] =	wrdreg s3  }
0xa9: {  	[dreg:$0x3] =	wrdreg s5  }
0xaa: {  	[dreg:$0x4] =	wrdreg $0xC0  }
0xab: {  	_ =	task [dreg:s7], $0x5FFFF  }
0xac: {  	[dreg:$0x1] =	wrdreg $0xFFFFFFFF  }
0xad: {  	[dreg:$0x0] =	wrdreg $0x60  }
0xae: {  	[dreg:$0x2] =	wrdreg s2  }
0xaf: {  	[dreg:$0x3] =	wrdreg s24  }
0xb0: {  	[dreg:$0x4] =	wrdreg $0x141700  }
0xb1: {  	[dreg:$0x5] =	wrdreg $0x9  }
0xb2: {  	_ =	task.clear_ibuf [dreg:s7], $0x6FFFF;
	_ =	strace $0x9000004C  }
0xb3: {  	s29 =	simm.s32 $0x9;
	_ =	strace $0x8000004E  }
0xb4: {  	_ =	swait.ge [sflag:s29], $0x1  }
0xb5: {  	[sflag:s29] =	ssyncadd.s32 $0xFFFFFFFF  }
0xb6: {  	_ =	strace $0x9000004E  }
0xb7: {  	_ =	sfence  }
0xb8: {  	s30 =	sld [smem:$0x0];
	_ =	sdelay $0x2  }
0xb9: {  	s31 =	sshll.u32 s1, $0xD;
	s1 =	sshrl.u32 s1, $0x2  }
0xba: {  	s3 =	sand.u32 $0x4000, s31;
	s1 =	sadd.s32 s1, s30  }
0xbb: {  	s0 =	sor.u32 s3, s0;
	s1 =	sshll.u32 s1, $0x11  }
0xbc: {  	s0 =	sor.u32 s1, s0  }
0xbd: {  	s0 =	sadd.s32 $0x8F2B, s0  }
0xbe: {  	[sflag:s0] =	ssyncadd.remote.s32 $0x1  }
0xbf: {  	_ =	sfence.sel $0xFFFF  }
0xc0: {  	[dreg:$0x0] =	wrdreg $0xFFFFFFFF;
	(pc) =	sbr.abs _section_cstart, $3  }
0xc1: {  	[dreg:$0x1] =	wrdreg $0xFFFFFFFF  }
0xc2: {  	_ =	task.clear_ibuf [dreg:s7], $0x2FFFF;
	_ =	strace $0x9FFFFFFF  }
0xc3: {  	(tm) =	ssettm $0x7FFFFFFF  }
tec
execute0_lowered:
.L_overlay_start_1:
0x0: {  	(tag) =	ssettag $0x1  }
0x1: {  	s0 =	rddreg [dreg:$0x0]  }
0x2: {  	s1 =	rddreg [dreg:$0x1]  }
0x3: {  	s2 =	rddreg [dreg:$0x2];
	s3 =	simm.s32 $0x0;
	s4 =	srdreg.scid  }
0x4: {  	s11 =	stileid.u32;
	[smem:$0x7FF] =	sst s3  }
0x5: {  	s4 =	sand.u32 $0x1, s4;
	s5 =	smul.u32 $0x280, s11;
	s12 =	sadd.s32 $0x28600, s1  }
0x6: {  	s7 =	sadd.s32 $0x28000, s1;
	s8 =	smul.u32 $0x9D8, s11;
	_ =	strace $0x8000004D  }
0x7: {  	s6 =	smul.u32 $0x2800, s4;
	[dreg:$0x4] =	wrdreg s7;
	s22 =	sshll.u32 s4, $0x1  }
0x8: {  	s9 =	ssub.s32 $0x2, s4;
	p0 =	seq.s32 s4, $0x0;
	s7 =	sadd.s32 s22, s1  }
0x9: {  	s10 =	sshrl.u32 s9, $0x1;
	s8 =	sadd.s32 s8, s1;
	s12 =	smov.u32 @p0 s0  }
0xa: {  	s0 =	simm.s32 $0x2;
	s6 =	sadd.s32 s5, s6;
	s24 =	sadd.s32 $0x33400, s8  }
0xb: {  	s23 =	ssub.s32 s9, s10;
	s8 =	sadd.s32 $0x29600, s8;
	[dreg:$0x5] =	wrdreg s24  }
0xc: {  	s25 =	sadd.s32 $0x27E00, s7;
	s9 =	smul.u32 $0xA00, s11;
	[dreg:$0x6] =	wrdreg s8  }
0xd: {  	s6 =	sshrl.u32 s6, $0x3;
	s8 =	sadd.s32 s5, s2;
	[dreg:$0x7] =	wrdreg s25  }
0xe: {  	s23 =	smax.u32 s23, $0x1;
	s1 =	sadd.s32 s6, s1;
	s26 =	sadd.s32 $0x20, s8  }
0xf: {  	s5 =	sadd.s32 $0x40, s8;
	s7 =	sadd.s32 $0x60, s8;
	s13 =	sadd.s32 $0x80, s8  }
0x10: {  	s14 =	sadd.s32 $0xA0, s8;
	s15 =	sadd.s32 $0xC0, s8;
	s16 =	sadd.s32 $0xE0, s8  }
0x11: {  	s17 =	sadd.s32 $0x100, s8;
	s18 =	sadd.s32 $0x120, s8;
	s19 =	sadd.s32 $0x140, s8  }
0x12: {  	s20 =	sadd.s32 $0x160, s8;
	s21 =	sadd.s32 $0x180, s8;
	s10 =	sshrl.u32 s9, $0x2  }
0x13: {  	s24 =	sadd.s32 $0x1A0, s8;
	s25 =	sadd.s32 $0x1C0, s8;
	s4 =	sadd.s32 $0x9D80, s10  }
0x14: {  	s28 =	sadd.s32 $0x200, s8;
	s29 =	sadd.s32 $0x220, s8;
	s30 =	sadd.s32 $0x240, s8;
	v0 =	vmov s4  }
0x15: {  	s31 =	sadd.s32 $0x260, s8;
	[dreg:$0x8] =	wrdreg s26;
	s11 =	sadd.s32 $0xC580, s10  }
0x16: {  	s6 =	simm.s32 $0x20;
	s9 =	simm.s32 $0x0;
	[dreg:$0x9] =	wrdreg s5;
	v1 =	vmov s11  }
0x17: {  	[dreg:$0xa] =	wrdreg s7;
	s22 =	sadd.s32 $0x28C00, s1;
	s26 =	sadd.s32 $0x1E0, s8  }
0x18: {  	v2 =	vimm.f32 $0.0e+00;
	s1 =	simm.s32 $0x9D80;
	s5 =	simm.s32 $0x13C40;
	s7 =	simm.s32 $0x1  }
.LBB2_1:
0x19: {  	s4 =	rddreg [dreg:$0x5]  }
0x1a: {  	[tilespmem:s3], [sflag:$0x2] =	stream.linear.gather [hbm4b:s4+s3], $0x4EC0, $0x38;
	[tilespmem:$0x143F0] =	vst v63  }
0x1b: {  	_ =	swait.ge [sflag:s0], $0x4EC0  }
0x1c: {  	[sflag:s0] =	ssyncset.done $0x0  }
0x1d: {  	s10 =	simm.s32 $0x4EC0;
	s11 =	rddreg [dreg:$0x6];
	[sflag:s0] =	ssyncadd.s32 $0xFFFFB140  }
0x1e: {  	[tilespmem:s10], [sflag:$0x2] =	stream.linear.gather [hbm4b:s11+s3], $0x4EC0, $0x38;
	[tilespmem:$0x143F0] =	vst v63  }
0x1f: {  	_ =	swait.ge [sflag:s0], $0x4EC0  }
0x20: {  	[sflag:s0] =	ssyncset.done $0x0  }
0x21: {  	[sflag:s0] =	ssyncadd.s32 $0xFFFFB140  }
0x22: {  	[tilespmem:s1], [sflag:$0x2] =	stream.linear.gather [hbm4b:s12+s3], $0x2800, $0x38;
	[tilespmem:$0x143F0] =	vst v63  }
0x23: {  	_ =	swait.ge [sflag:s0], $0x2800  }
0x24: {  	[sflag:s0] =	ssyncset.done $0x0  }
0x25: {  	s11 =	simm.s32 $0xC580;
	s10 =	rddreg [dreg:$0x4];
	[sflag:s0] =	ssyncadd.s32 $0xFFFFD800  }
0x26: {  	[tilespmem:s11], [sflag:$0x2] =	stream.linear.gather [hbm4b:s10+s3], $0x2800, $0x38;
	[tilespmem:$0x143F0] =	vst v63  }
0x27: {  	_ =	swait.ge [sflag:s0], $0x2800  }
0x28: {  	[sflag:s0] =	ssyncset.done $0x0  }
0x29: {  	s11 =	simm.s32 $0x13C60;
	s10 =	rddreg [dreg:$0x7];
	[sflag:s0] =	ssyncadd.s32 $0xFFFFD800  }
0x2a: {  	[tilespmem:s11], [sflag:$0x2] =	stream.linear.gather [hbm4b:s10+s3], $0x10, $0x38;
	[tilespmem:$0x143F0] =	vst v63  }
0x2b: {  	_ =	swait.ge [sflag:s0], $0x10  }
0x2c: {  	[sflag:s0] =	ssyncset.done $0x0  }
0x2d: {  	[sflag:s0] =	ssyncadd.s32 $0xFFFFFFF0  }
0x2e: {  	[tilespmem:$0x13C40] =	vst v2  }
0x2f: {  	[tilespmem:$0x13C50] =	vst v2  }
0x30: {  	[spmem:s8] =	stream.linear.scatter [tilespmem:s5], [sflag:$0x2], $0x20, $0x38;
	[tilespmem:$0x143F0] =	vst v63  }
0x31: {  	_ =	swait.ge [sflag:s0], $0x20  }
0x32: {  	[sflag:s0] =	ssyncset.done $0x0  }
0x33: {  	s11 =	rddreg [dreg:$0x8];
	[sflag:s0] =	ssyncadd.s32 $0xFFFFFFE0  }
0x34: {  	[spmem:s11] =	stream.linear.scatter [tilespmem:s5], [sflag:$0x2], $0x20, $0x38;
	[tilespmem:$0x143F0] =	vst v63  }
0x35: {  	_ =	swait.ge [sflag:s0], $0x20  }
0x36: {  	[sflag:s0] =	ssyncset.done $0x0  }
0x37: {  	s10 =	rddreg [dreg:$0x9];
	[sflag:s0] =	ssyncadd.s32 $0xFFFFFFE0  }
0x38: {  	[spmem:s10] =	stream.linear.scatter [tilespmem:s5], [sflag:$0x2], $0x20, $0x38;
	[tilespmem:$0x143F0] =	vst v63  }
0x39: {  	_ =	swait.ge [sflag:s0], $0x20  }
0x3a: {  	[sflag:s0] =	ssyncset.done $0x0  }
0x3b: {  	s11 =	rddreg [dreg:$0xa];
	[sflag:s0] =	ssyncadd.s32 $0xFFFFFFE0  }
0x3c: {  	[spmem:s11] =	stream.linear.scatter [tilespmem:s5], [sflag:$0x2], $0x20, $0x38;
	[tilespmem:$0x143F0] =	vst v63  }
0x3d: {  	_ =	swait.ge [sflag:s0], $0x20  }
0x3e: {  	[sflag:s0] =	ssyncset.done $0x0  }
0x3f: {  	[sflag:s0] =	ssyncadd.s32 $0xFFFFFFE0  }
0x40: {  	[spmem:s13] =	stream.linear.scatter [tilespmem:s5], [sflag:$0x2], $0x20, $0x38;
	[tilespmem:$0x143F0] =	vst v63  }
0x41: {  	_ =	swait.ge [sflag:s0], $0x20  }
0x42: {  	[sflag:s0] =	ssyncset.done $0x0  }
0x43: {  	[sflag:s0] =	ssyncadd.s32 $0xFFFFFFE0  }
0x44: {  	[spmem:s14] =	stream.linear.scatter [tilespmem:s5], [sflag:$0x2], $0x20, $0x38;
	[tilespmem:$0x143F0] =	vst v63  }
0x45: {  	_ =	swait.ge [sflag:s0], $0x20  }
0x46: {  	[sflag:s0] =	ssyncset.done $0x0  }
0x47: {  	[sflag:s0] =	ssyncadd.s32 $0xFFFFFFE0  }
0x48: {  	[spmem:s15] =	stream.linear.scatter [tilespmem:s5], [sflag:$0x2], $0x20, $0x38;
	[tilespmem:$0x143F0] =	vst v63  }
0x49: {  	_ =	swait.ge [sflag:s0], $0x20  }
0x4a: {  	[sflag:s0] =	ssyncset.done $0x0  }
0x4b: {  	[sflag:s0] =	ssyncadd.s32 $0xFFFFFFE0  }
0x4c: {  	[spmem:s16] =	stream.linear.scatter [tilespmem:s5], [sflag:$0x2], $0x20, $0x38;
	[tilespmem:$0x143F0] =	vst v63  }
0x4d: {  	_ =	swait.ge [sflag:s0], $0x20  }
0x4e: {  	[sflag:s0] =	ssyncset.done $0x0  }
0x4f: {  	[sflag:s0] =	ssyncadd.s32 $0xFFFFFFE0  }
0x50: {  	[spmem:s17] =	stream.linear.scatter [tilespmem:s5], [sflag:$0x2], $0x20, $0x38;
	[tilespmem:$0x143F0] =	vst v63  }
0x51: {  	_ =	swait.ge [sflag:s0], $0x20  }
0x52: {  	[sflag:s0] =	ssyncset.done $0x0  }
0x53: {  	[sflag:s0] =	ssyncadd.s32 $0xFFFFFFE0  }
0x54: {  	[spmem:s18] =	stream.linear.scatter [tilespmem:s5], [sflag:$0x2], $0x20, $0x38;
	[tilespmem:$0x143F0] =	vst v63  }
0x55: {  	_ =	swait.ge [sflag:s0], $0x20  }
0x56: {  	[sflag:s0] =	ssyncset.done $0x0  }
0x57: {  	[sflag:s0] =	ssyncadd.s32 $0xFFFFFFE0  }
0x58: {  	[spmem:s19] =	stream.linear.scatter [tilespmem:s5], [sflag:$0x2], $0x20, $0x38;
	[tilespmem:$0x143F0] =	vst v63  }
0x59: {  	_ =	swait.ge [sflag:s0], $0x20  }
0x5a: {  	[sflag:s0] =	ssyncset.done $0x0  }
0x5b: {  	[sflag:s0] =	ssyncadd.s32 $0xFFFFFFE0  }
0x5c: {  	[spmem:s20] =	stream.linear.scatter [tilespmem:s5], [sflag:$0x2], $0x20, $0x38;
	[tilespmem:$0x143F0] =	vst v63  }
0x5d: {  	_ =	swait.ge [sflag:s0], $0x20  }
0x5e: {  	[sflag:s0] =	ssyncset.done $0x0  }
0x5f: {  	[sflag:s0] =	ssyncadd.s32 $0xFFFFFFE0  }
0x60: {  	[spmem:s21] =	stream.linear.scatter [tilespmem:s5], [sflag:$0x2], $0x20, $0x38;
	[tilespmem:$0x143F0] =	vst v63  }
0x61: {  	_ =	swait.ge [sflag:s0], $0x20  }
0x62: {  	[sflag:s0] =	ssyncset.done $0x0  }
0x63: {  	[sflag:s0] =	ssyncadd.s32 $0xFFFFFFE0  }
0x64: {  	[spmem:s24] =	stream.linear.scatter [tilespmem:s5], [sflag:$0x2], $0x20, $0x38;
	[tilespmem:$0x143F0] =	vst v63  }
0x65: {  	_ =	swait.ge [sflag:s0], $0x20  }
0x66: {  	[sflag:s0] =	ssyncset.done $0x0  }
0x67: {  	[sflag:s0] =	ssyncadd.s32 $0xFFFFFFE0  }
0x68: {  	[spmem:s25] =	stream.linear.scatter [tilespmem:s5], [sflag:$0x2], $0x20, $0x38;
	[tilespmem:$0x143F0] =	vst v63  }
0x69: {  	_ =	swait.ge [sflag:s0], $0x20  }
0x6a: {  	[sflag:s0] =	ssyncset.done $0x0  }
0x6b: {  	[sflag:s0] =	ssyncadd.s32 $0xFFFFFFE0  }
0x6c: {  	[spmem:s26] =	stream.linear.scatter [tilespmem:s5], [sflag:$0x2], $0x20, $0x38;
	[tilespmem:$0x143F0] =	vst v63  }
0x6d: {  	_ =	swait.ge [sflag:s0], $0x20  }
0x6e: {  	[sflag:s0] =	ssyncset.done $0x0  }
0x6f: {  	[sflag:s0] =	ssyncadd.s32 $0xFFFFFFE0  }
0x70: {  	[spmem:s28] =	stream.linear.scatter [tilespmem:s5], [sflag:$0x2], $0x20, $0x38;
	[tilespmem:$0x143F0] =	vst v63  }
0x71: {  	_ =	swait.ge [sflag:s0], $0x20  }
0x72: {  	[sflag:s0] =	ssyncset.done $0x0  }
0x73: {  	[sflag:s0] =	ssyncadd.s32 $0xFFFFFFE0  }
0x74: {  	[spmem:s29] =	stream.linear.scatter [tilespmem:s5], [sflag:$0x2], $0x20, $0x38;
	[tilespmem:$0x143F0] =	vst v63  }
0x75: {  	_ =	swait.ge [sflag:s0], $0x20  }
0x76: {  	[sflag:s0] =	ssyncset.done $0x0  }
0x77: {  	[sflag:s0] =	ssyncadd.s32 $0xFFFFFFE0  }
0x78: {  	[spmem:s30] =	stream.linear.scatter [tilespmem:s5], [sflag:$0x2], $0x20, $0x38;
	[tilespmem:$0x143F0] =	vst v63  }
0x79: {  	_ =	swait.ge [sflag:s0], $0x20  }
0x7a: {  	[sflag:s0] =	ssyncset.done $0x0  }
0x7b: {  	[sflag:s0] =	ssyncadd.s32 $0xFFFFFFE0  }
0x7c: {  	[spmem:s31] =	stream.linear.scatter [tilespmem:s5], [sflag:$0x2], $0x20, $0x38;
	[tilespmem:$0x143F0] =	vst v63  }
0x7d: {  	_ =	swait.ge [sflag:s0], $0x20  }
0x7e: {  	[sflag:s0] =	ssyncset.done $0x0  }
0x7f: {  	s10 =	simm.s32 $0x0;
	[sflag:s0] =	ssyncadd.s32 $0xFFFFFFE0  }
0x80: {  	v4 =	vld [tilespmem:s10+$0x0];
	_ =	sdelay $0x5  }
0x81: {  	v3 =	vld [tilespmem:s10+$0x10];
	_ =	sdelay $0x1  }
0x82: {  	v4 =	vld.idx.msk [tilespmem:v4+s1+$0x0], $0xffff;
	_ =	sdelay $0x3  }
0x83: {  	s4 =	simm.s32 $0x20;
	s11 =	simm.s32 $0x100  }
.LBB2_2:
0x84: {  	p0 =	sne.s32 s11, $0x13A80;
	v5 =	vld [tilespmem:s4+$0x0];
	[tilespmem:s10+$0xED80] =	vst v4  }
0x85: {  	v4 =	vld.idx.msk [tilespmem:v3+s1+$0x0], $0xffff;
	_ =	sdelay $0x5  }
0x86: {  	v3 =	vld [tilespmem:s4+$0x10];
	[tilespmem:s10+$0xED90] =	vst v4;
	s10 =	smov.u32 s4  }
0x87: {  	v4 =	vld.idx.msk [tilespmem:v5+s1+$0x0], $0xffff  }
.Ltmp0:
0x88: {  	(pc) =	sbr.rel @p0 .LBB2_2-.Ltmp0, $2  }
0x89: {  	_ =	sdelay $0x2  }
0x8a: {  	s4 =	sshra.s32 s11, $0x2;
	s11 =	sadd.s32 $0x80, s11  }
0x8b: {  	_ =	sdelay $0x1  }
0x8c: {  	v5 =	vld [tilespmem:s4+$0x0]  }
0x8d: {  	[tilespmem:s10+$0xED80] =	vst v4  }
0x8e: {  	v3 =	vld.idx.msk [tilespmem:v3+s1+$0x0], $0xffff;
	_ =	sdelay $0x3  }
0x8f: {  	v4 =	vld [tilespmem:s4+$0x10]  }
0x90: {  	[tilespmem:s10+$0xED90] =	vst v3  }
0x91: {  	v3 =	vld.idx.msk [tilespmem:v5+s1+$0x0], $0xffff;
	_ =	sdelay $0x4  }
0x92: {  	[tilespmem:s4+$0xED80] =	vst v3  }
0x93: {  	v3 =	vld.idx.msk [tilespmem:v4+s1+$0x0], $0xffff;
	_ =	sdelay $0x4  }
0x94: {  	[tilespmem:s4+$0xED90] =	vst v3  }
0x95: {  	s4 =	simm.s32 $0x0;
	[bflag:$0x0] =	sbarrier.arrive $0xFFFF  }
.LBB2_4:
0x96: {  	p0 =	sne.s32 s4, $0x13A80  }
.Ltmp1:
0x97: {  	_ = 	snop;
	(pc) =	sbr.rel @p0 .LBB2_4-.Ltmp1, $4  }
0x98: {  	_ = 	snop  }
0x99: {  	s10 =	sshra.s32 s4, $0x2  }
0x9a: {  	s4 =	sadd.s32 $0x80, s4;
	s11 =	sadd.s32 $0xED80, s10;
	s10 =	sadd.s32 $0x4EC0, s10  }
0x9b: {  	[spmem:s2] =	stream.indirect.scatter.add.f32 [tilespmem:s11], [sflag:$0x1], $0x1, s10, s6, $0xb8;
	[tilespmem:$0x143F0] =	vst v63  }
0x9c: {  	_ =	swait.ge [sflag:s7], $0x20  }
0x9d: {  	s4 =	simm.s32 $0x275;
	[sflag:s7] =	ssyncset.done $0x0  }
.LBB2_6:
0x9e: {  	p0 =	sne.s32 s4, $0x1;
	s4 =	sadd.s32 $0xFFFFFFFF, s4;
	[sflag:s7] =	ssyncadd.s32 $0xFFFFFFE0  }
.Ltmp2:
0x9f: {  	(pc) =	sbr.rel @p0 .LBB2_6-.Ltmp2, $3  }
0xa0: {  	_ =	sdelay $0x1  }
0xa1: {  	_ =	swait.ge [sflag:s7], $0x20  }
0xa2: {  	[sflag:s7] =	ssyncset.done $0x0  }
0xa3: {  	[sflag:s7] =	ssyncadd.s32 $0xFFFFFFE0  }
0xa4: {  	s4 =	simm.s32 $0x13C70;
	[bflag:$0x0] =	sbarrier.arrive $0xFFFF  }
0xa5: {  	[tilespmem:s4], [sflag:$0x2] =	stream.linear.gather [spmem:s8], $0x280, $0x38;
	[tilespmem:$0x143F0] =	vst v63  }
0xa6: {  	_ =	swait.ge [sflag:s0], $0x280  }
0xa7: {  	[sflag:s0] =	ssyncset.done $0x0  }
0xa8: {  	[sflag:s0] =	ssyncadd.s32 $0xFFFFFD80  }
0xa9: {  	s10 =	simm.s32 $0x0;
	s4 =	simm.s32 $0x40;
	v3 =	vld [tilespmem:$0x13C60]  }
.LBB2_8:
0xaa: {  	p0 =	sne.s32 s4, $0x9C0;
	v4 =	vld.idx.msk [tilespmem:v0+s10+$0x0 ss:$0x1], $0xffff  }
0xab: {  	v5 =	vld [tilespmem:s10+$0x13C70]  }
0xac: {  	v6 =	vld.idx.msk [tilespmem:v1+s10+$0x0 ss:$0x1], $0xffff;
	_ =	sdelay $0x3  }
0xad: {  	v4 =	vadd.f32 v4, v5;
	_ =	sdelay $0x1  }
.Ltmp3:
0xae: {  	v4 =	vmul.f32 v4, v6;
	(pc) =	sbr.rel @p0 .LBB2_8-.Ltmp3, $3  }
0xaf: {  	_ = 	snop  }
0xb0: {  	v4 =	vadd.f32 v4, v3;
	_ =	sdelay $0x1  }
0xb1: {  	[tilespmem:s10+$0x13EF0] =	vst v4;
	s10 =	sshra.s32 s4, $0x2;
	s4 =	sadd.s32 $0x40, s4  }
0xb2: {  	_ =	sdelay $0x3  }
0xb3: {  	v4 =	vld.idx.msk [tilespmem:v0+s10+$0x0 ss:$0x1], $0xffff  }
0xb4: {  	v5 =	vld [tilespmem:s10+$0x13C70];
	_ =	sdelay $0x1  }
0xb5: {  	v6 =	vld.idx.msk [tilespmem:v1+s10+$0x0 ss:$0x1], $0xffff;
	_ =	sdelay $0x2  }
0xb6: {  	v4 =	vadd.f32 v4, v5;
	_ =	sdelay $0x1  }
0xb7: {  	v4 =	vmul.f32 v4, v6;
	_ =	sdelay $0x1  }
0xb8: {  	s9 =	sadd.s32 $0x1, s9;
	v3 =	vadd.f32 v4, v3  }
0xb9: {  	p0 =	sne.s32 s9, s23  }
.Ltmp4:
0xba: {  	s4 =	simm.s32 $0x13EF0;
	[tilespmem:s10+$0x13EF0] =	vst v3;
	(pc) =	sbr.rel @p0 .LBB2_1-.Ltmp4, $4  }
0xbb: {  	[hbm4b:s22+s3] =	stream.linear.scatter [tilespmem:s4], [sflag:$0x2], $0x280, $0x38;
	[tilespmem:$0x143F0] =	vst v63  }
0xbc: {  	_ =	swait.ge [sflag:s0], $0x280  }
0xbd: {  	[sflag:s0] =	ssyncset.done $0x0  }
0xbe: {  	[sflag:s0] =	ssyncadd.s32 $0xFFFFFD80  }
0xbf: {  	_ =	sfence.sel $0x180000  }
0xc0: {  	[bflag:$0x0] =	sbarrier.arrive $0xFFFF  }
0xc1: {  	_ =	strace $0x9000004D  }
0xc2: {  	s0 =	stileid.u32;
	[bflag:$0x2] =	sbarrier.arrive $0xFFFF  }
0xc3: {  	p0 =	sne.s32 s0, $0x0;
	s0 =	rddreg [dreg:$0x3]  }
0xc4: {  	s0 =	sadd.s32 @!p0 $0x100000, s0  }
0xc5: {  	[sflag:s0] =	ssyncadd.tile.s32 @!p0 $0x1;
	_ =	shalt  }
.Lfunc_end2:
_tile_overlayer_lowered:
.L_overlay_start_2:
0xc6: {  	(tag) =	ssettag $0x2  }
0xc7: {  	s0 =	rddreg [dreg:$0x0];
	s2 =	stileid.u32  }
0xc8: {  	s1 =	rddreg [dreg:$0x1];
	p0 =	sne.s32 s2, $0x0  }
0xc9: {  	s3 =	rddreg [dreg:$0x2];
	[bflag:$0x3] =	sbarrier.arrive $0xFFFF;
	s2 =	simm.s32 @!p0 $0x1C02  }
0xca: {  	[timem:s3], [sflag:s2] =	dma.local @!p0 [hbm:s0], s1  }
0xcb: {  	s0 =	simm.s32 @!p0 $0x2  }
0xcc: {  	_ =	swait.ge @!p0 [sflag:s0], s1  }
0xcd: {  	s1 =	ssub.s32 @!p0 $0x0, s1;
	[sflag:s0] =	ssyncset.done @!p0 $0x0  }
0xce: {  	[sflag:s0] =	ssyncadd.s32 @!p0 s1  }
0xcf: {  	[bflag:$0x3] =	sbarrier.arrive $0xFFFF  }
0xd0: {  	_ =	shalt  }

// kernel: kernel.7.cloned.1.call-start
scs
__scs_entry_jumppad:
0x0: {  	(pc) =	sbr.rel $0x88, $3  }
0x1: {  	(tag) =	ssettag $0x0;
	lr =	simm.s32 $0x1  }
0x2: {  	[smem:$0x3F9B] =	sst lr;
	_ =	strace $0xD0000000  }
0x3: {  	_ = 	snop  }
0x4: {  	_ = 	snop  }
0x5: {  	_ = 	snop  }
0x6: {  	_ = 	snop  }
0x7: {  	_ = 	snop  }
__scs_overlays_trampoline_lowered:
0x8: {  	[smem:$0x3FAA] =	sst s0  }
0x9: {  	[smem:$0x3FAB] =	sst s1  }
0xa: {  	[smem:$0x3FAC] =	sst s2  }
0xb: {  	[smem:$0x3FAD] =	sst s3  }
0xc: {  	[smem:$0x3FAE] =	sst s4  }
0xd: {  	[smem:$0x3FAF] =	sst s5  }
0xe: {  	[smem:$0x3FB0] =	sst s6  }
0xf: {  	[smem:$0x3FB1] =	sst s7  }
0x10: {  	[smem:$0x3FB2] =	sst s8  }
0x11: {  	[smem:$0x3FB3] =	sst s9;
	s0 =	simm.s32 @!p0 $0x0  }
0x12: {  	s1 =	sld [smem:$0x3F99];
	s0 =	simm.s32 @p0 $0x1  }
0x13: {  	[smem:$0x3FB4] =	sst s0;
	s0 =	simm.s32 @!p1 $0x0  }
0x14: {  	s2 =	sld [smem:$0x3F98];
	s0 =	simm.s32 @p1 $0x1  }
0x15: {  	[smem:$0x3FB5] =	sst s0;
	s0 =	simm.s32 @!p2 $0x0  }
0x16: {  	s3 =	sld [smem:$0x3FDB];
	s0 =	simm.s32 @p2 $0x1  }
0x17: {  	s4 =	simm.s32 $0x1BF5;
	[smem:$0x3FB7] =	sst s0  }
0x18: {  	s0 =	sld [smem:$0x3F9A];
	_ =	swait.ge [sflag:s4], $0x0  }
0x19: {  	s7 =	sld [smem:$0x3F9B]  }
0x1a: {  	s8 =	sadd.s32 $0xFFFFE003, lr  }
0x1b: {  	s9 =	sadd.s32 $0xFFFFFEF7, lr;
	s5 =	simm.s32 $0xFFFFFFFF;
	p2 =	slt.u32 s8, $0xFFFFF086  }
0x1c: {  	p1 =	slt.u32 s9, $0xF7A;
	s5 =	simm.s32 @!p2 $0x0  }
0x1d: {  	s5 =	simm.s32 @p1 $0x1;
	p0 =	seq.s32 s7, s2  }
0x1e: {  	s7 =	smul.u32 @!p0 $0xF7A, s2;
	p2 =	seq.s32 @!p0 s5, $0x0  }
0x1f: {  	s9 =	smul.u32 $0xF7A, s1;
	s8 =	simm.s32 @!p0 $0x1BF5;
	p2 =	por !p2, p0  }
0x20: {  	[sflag:s8] =	ssyncset.s32 @!p0 $0xFFFFF086;
	s6 =	sadd.s32 @!p0 s3, s7;
	s7 =	simm.s32 @!p0 $0x108  }
0x21: {  	s3 =	sadd.s32 s3, s9;
	s6 =	sadd.s32 @!p0 $0x88, s6;
	s7 =	simm.s32 @p2 $0x1082  }
0x22: {  	[simem:s7], [sflag:s8] =	dma.local @!p0 [hbm:s6], $0xF7A  }
0x23: {  	s9 =	sor.u32 $0xD0000000, s2;
	s6 =	simm.s32 $0x108;
	_ =	swait.ge @!p0 [sflag:s8], $0x0  }
0x24: {  	s3 =	sadd.s32 $0x88, s3;
	s6 =	simm.s32 @!p1 $0x1082;
	[sflag:s4] =	ssyncset.s32 $0xFFFFF086  }
0x25: {  	[simem:s6], [sflag:s4] =	dma.local [hbm:s3], $0xF7A  }
0x26: {  	[smem:$0x3F9B] =	sst s1;
	(tag) =	ssettag s2;
	_ =	strace s9  }
0x27: {  	s1 =	sld [smem:$0x3FAB]  }
0x28: {  	s2 =	sld [smem:$0x3FAC]  }
0x29: {  	s4 =	sld [smem:$0x3FAE]  }
0x2a: {  	p0 =	seq.s32 s5, $0x0;
	s5 =	sld [smem:$0x3FAF]  }
0x2b: {  	s6 =	sld [smem:$0x3FB0]  }
0x2c: {  	s7 =	sld [smem:$0x3FB1]  }
0x2d: {  	s3 =	simm.s32 $0x108;
	s8 =	sld [smem:$0x3FB2]  }
0x2e: {  	s3 =	simm.s32 @!p0 $0x1082;
	s9 =	sld [smem:$0x3FB3]  }
0x2f: {  	lr =	sadd.s32 s0, s3;
	s0 =	sld [smem:$0x3FAA]  }
0x30: {  	s3 =	sld [smem:$0x3FAD]  }
0x31: {  	[smem:$0x3FB6] =	sst s10  }
0x32: {  	s10 =	sld [smem:$0x3FB4];
	_ =	sdelay $0x3  }
0x33: {  	p0 =	seq.s32 s10, $0x1;
	s10 =	sld [smem:$0x3FB6];
	_ =	sdelay $0x3  }
0x34: {  	[smem:$0x3FB6] =	sst s10  }
0x35: {  	s10 =	sld [smem:$0x3FB5];
	_ =	sdelay $0x3  }
0x36: {  	p1 =	seq.s32 s10, $0x1;
	s10 =	sld [smem:$0x3FB6];
	_ =	sdelay $0x3  }
0x37: {  	[smem:$0x3FB6] =	sst s10  }
0x38: {  	s10 =	sld [smem:$0x3FB7]  }
0x39: {  	_ = 	snop;
	(pc) =	sbr.ind lr, $3  }
0x3a: {  	_ = 	snop  }
0x3b: {  	_ = 	snop  }
0x3c: {  	p2 =	seq.s32 s10, $0x1;
	s10 =	sld [smem:$0x3FB6]  }
0x3d: {  	_ =	shalt  }
0x3e: {  	_ =	shalt  }
0x3f: {  	_ =	shalt  }
0x40: {  	_ =	shalt  }
0x41: {  	_ =	shalt  }
0x42: {  	_ =	shalt  }
0x43: {  	_ =	shalt  }
0x44: {  	_ =	shalt  }
0x45: {  	_ =	shalt  }
0x46: {  	_ =	shalt  }
0x47: {  	_ =	shalt  }
0x48: {  	_ =	shalt  }
0x49: {  	_ =	shalt  }
0x4a: {  	_ =	shalt  }
0x4b: {  	_ =	shalt  }
0x4c: {  	_ =	shalt  }
0x4d: {  	_ =	shalt  }
0x4e: {  	_ =	shalt  }
0x4f: {  	_ =	shalt  }
0x50: {  	_ =	shalt  }
0x51: {  	_ =	shalt  }
0x52: {  	_ =	shalt  }
0x53: {  	_ =	shalt  }
0x54: {  	_ =	shalt  }
0x55: {  	_ =	shalt  }
0x56: {  	_ =	shalt  }
0x57: {  	_ =	shalt  }
0x58: {  	_ =	shalt  }
0x59: {  	_ =	shalt  }
0x5a: {  	_ =	shalt  }
0x5b: {  	_ =	shalt  }
0x5c: {  	_ =	shalt  }
0x5d: {  	_ =	shalt  }
0x5e: {  	_ =	shalt  }
0x5f: {  	_ =	shalt  }
0x60: {  	_ =	shalt  }
0x61: {  	_ =	shalt  }
0x62: {  	_ =	shalt  }
0x63: {  	_ =	shalt  }
0x64: {  	_ =	shalt  }
0x65: {  	_ =	shalt  }
0x66: {  	_ =	shalt  }
0x67: {  	_ =	shalt  }
0x68: {  	_ =	shalt  }
0x69: {  	_ =	shalt  }
0x6a: {  	_ =	shalt  }
0x6b: {  	_ =	shalt  }
0x6c: {  	_ =	shalt  }
0x6d: {  	_ =	shalt  }
0x6e: {  	_ =	shalt  }
0x6f: {  	_ =	shalt  }
0x70: {  	_ =	shalt  }
0x71: {  	_ =	shalt  }
0x72: {  	_ =	shalt  }
0x73: {  	_ =	shalt  }
0x74: {  	_ =	shalt  }
0x75: {  	_ =	shalt  }
0x76: {  	_ =	shalt  }
0x77: {  	_ =	shalt  }
0x78: {  	_ =	shalt  }
0x79: {  	_ =	shalt  }
0x7a: {  	_ =	shalt  }
0x7b: {  	_ =	shalt  }
0x7c: {  	_ =	shalt  }
0x7d: {  	_ =	shalt  }
0x7e: {  	_ =	shalt  }
0x7f: {  	_ =	shalt  }
0x80: {  	_ =	shalt  }
0x81: {  	_ =	shalt  }
0x82: {  	_ =	shalt  }
0x83: {  	_ =	shalt  }
0x84: {  	_ =	shalt  }
0x85: {  	_ =	shalt  }
0x86: {  	_ =	shalt  }
0x87: {  	_ =	shalt  }
.Lfunc_end0:
.L_simem_size_0:
called_computation_lowered:
.L_overlay_start_0:
0x88: {  	s2 =	sld [smem:$0x3FD9]  }
0x89: {  	s3 =	sld [smem:$0x3FFE];
	_ =	sdelay $0x1  }
0x8a: {  	s1 =	srdreg.scid  }
0x8b: {  	s0 =	sand.u32 $0x1, s1  }
0x8c: {  	s16 =	sshll.u32 s0, $0xA;
	s2 =	sadd.s32 s3, s2  }
0x8d: {  	s2 =	sadd.s32 s2, s16  }
0x8e: {  	[smem:$0x3FC2] =	sst s2  }
0x8f: {  	_ = 	snop  }
0x90: {  	(tm) =	ssettm $0x1  }
0x91: {  	s17 =	sld [smem:$0x3FFB];
	_ =	sdelay $0x3  }
0x92: {  	_ =	strace s17  }
0x93: {  	s2 =	sld [smem:$0x3FFC];
	_ =	sdelay $0x3  }
0x94: {  	_ =	strace s2  }
0x95: {  	s2 =	sld [smem:$0x3FFD];
	_ =	sdelay $0x3  }
0x96: {  	_ =	strace s2  }
0x97: {  	_ =	strace $0x8FFFFFFF  }
0x98: {  	s18 =	sld [smem:$0x3FDB];
	_ =	sdelay $0x1  }
0x99: {  	s19 =	simm.s32 $_scs_section_size  }
0x9a: {  	s4 =	simm.s32 $_size__tile_overlayer_lowered;
	s5 =	simm.s32 $_tile_overlayer_lowered  }
0x9b: {  	s22 =	simm.s32 $0x1BFF;
	s21 =	sshll.u32 s5, $0x1;
	s2 =	sadd.s32 s19, s18  }
0x9c: {  	s6 =	simm.s32 $0x0;
	s20 =	sshll.u32 s4, $0x1;
	s4 =	sadd.s32 s21, s2  }
0x9d: {  	[timem:s6], [sflag:s22] =	dma.local [hbm:s4], s20  }
0x9e: {  	_ =	swait.ge [sflag:s22], s20  }
0x9f: {  	s3 =	ssub.s32 $0x0, s20;
	[sflag:s22] =	ssyncset.done $0x0  }
0xa0: {  	[sflag:s22] =	ssyncadd.s32 s3;
	_ =	sdelay $0x1  }
0xa1: {  	s23 =	simm.s32 $0x1B8B  }
0xa2: {  	_ =	swait.ge [sflag:s23], $0x1  }
0xa3: {  	[sflag:s23] =	ssyncset.done $0x0  }
0xa4: {  	s25 =	simm.s32 $0x1B8E;
	s24 =	sld [smem:$0x3FFE];
	[sflag:s23] =	ssyncadd.s32 $0xFFFFFFFF  }
0xa5: {  	s26 =	simm.s32 $execute0_lowered;
	[smem:$0x3FD2] =	sst s25  }
0xa6: {  	s4 =	sshll.u32 s26, $0x1;
	_ =	strace $0x80000046;
	[dreg:$0x1] =	wrdreg $0xFFFFFFFF  }
0xa7: {  	s28 =	simm.s32 $_size_execute0_lowered;
	s2 =	sadd.s32 s2, s4;
	[dreg:$0x0] =	wrdreg $0x0  }
0xa8: {  	s4 =	sshll.u32 s28, $0x1;
	[dreg:$0x2] =	wrdreg s2  }
0xa9: {  	[dreg:$0x3] =	wrdreg s4  }
0xaa: {  	[dreg:$0x4] =	wrdreg $0xC0  }
0xab: {  	_ =	task [dreg:s6], $0x5FFFF  }
0xac: {  	[dreg:$0x1] =	wrdreg $0xFFFFFFFF  }
0xad: {  	[dreg:$0x0] =	wrdreg $0x60  }
0xae: {  	[dreg:$0x2] =	wrdreg s24  }
0xaf: {  	[dreg:$0x3] =	wrdreg $0xA1000  }
0xb0: {  	[dreg:$0x4] =	wrdreg $0x9  }
0xb1: {  	_ =	task.clear_ibuf [dreg:s6], $0x5FFFF;
	_ =	strace $0x90000046  }
0xb2: {  	s29 =	simm.s32 $0x9;
	_ =	strace $0x80000048  }
0xb3: {  	_ =	swait.ge [sflag:s29], $0x1  }
0xb4: {  	[sflag:s29] =	ssyncadd.s32 $0xFFFFFFFF  }
0xb5: {  	_ =	strace $0x90000048  }
0xb6: {  	_ =	sfence  }
0xb7: {  	s30 =	sld [smem:$0x0];
	_ =	sdelay $0x2  }
0xb8: {  	s31 =	sshll.u32 s1, $0xD;
	s1 =	sshrl.u32 s1, $0x2  }
0xb9: {  	s3 =	sand.u32 $0x4000, s31;
	s1 =	sadd.s32 s1, s30  }
0xba: {  	s0 =	sor.u32 s3, s0;
	s1 =	sshll.u32 s1, $0x11  }
0xbb: {  	s0 =	sor.u32 s1, s0  }
0xbc: {  	s0 =	sadd.s32 $0x8F2B, s0  }
0xbd: {  	[sflag:s0] =	ssyncadd.remote.s32 $0x1  }
0xbe: {  	_ =	sfence.sel $0xFFFF  }
0xbf: {  	[dreg:$0x0] =	wrdreg $0xFFFFFFFF;
	(pc) =	sbr.abs _section_cstart, $3  }
0xc0: {  	[dreg:$0x1] =	wrdreg $0xFFFFFFFF  }
0xc1: {  	_ =	task.clear_ibuf [dreg:s6], $0x2FFFF;
	_ =	strace $0x9FFFFFFF  }
0xc2: {  	(tm) =	ssettm $0x7FFFFFFF  }
0xc3: {  	_ =	shalt  }
tec
execute0_lowered:
.L_overlay_start_1:
0x0: {  	(tag) =	ssettag $0x1  }
0x1: {  	s0 =	srdreg.scid  }
0x2: {  	s6 =	stileid.u32;
	s3 =	rddreg [dreg:$0x0]  }
0x3: {  	s2 =	rddreg [dreg:$0x1];
	s5 =	simm.s32 $0x0;
	s28 =	simm.s32 $0x2  }
0x4: {  	s29 =	simm.s32 $0xA080;
	s30 =	simm.s32 $0x20;
	s31 =	simm.s32 $0xA000  }
0x5: {  	s0 =	sand.u32 $0x1, s0;
	s4 =	smul.u32 $0x500, s6;
	[smem:$0x7FF] =	sst s5  }
0x6: {  	s1 =	sshll.u32 s0, $0x4;
	s23 =	sshll.u32 s0, $0x7;
	_ =	strace $0x80000047  }
0x7: {  	s0 =	ssub.s32 $0x2, s0;
	s1 =	sor.u32 s6, s1;
	s6 =	smul.u32 $0xA00, s6  }
0x8: {  	s4 =	sor.u32 s23, s4;
	s25 =	sshrl.u32 s0, $0x1;
	s1 =	smul.u32 $0x1400, s1  }
0x9: {  	s4 =	sshrl.u32 s4, $0x3;
	s0 =	ssub.s32 s0, s25;
	s24 =	sshrl.u32 s6, $0x2  }
0xa: {  	s25 =	smax.u32 s0, $0x1;
	s0 =	simm.s32 $0x0;
	s6 =	simm.s32 $0x10  }
0xb: {  	s1 =	sadd.s32 s1, s3;
	s3 =	sadd.s32 s4, s3;
	s4 =	sadd.s32 s24, s2  }
0xc: {  	s1 =	sadd.s32 $0xC00, s1;
	s26 =	sadd.s32 $0x20, s4;
	s7 =	sadd.s32 $0x40, s4  }
0xd: {  	s8 =	sadd.s32 $0x60, s4;
	s9 =	sadd.s32 $0x80, s4;
	s10 =	sadd.s32 $0xA0, s4  }
0xe: {  	s11 =	sadd.s32 $0xC0, s4;
	s12 =	sadd.s32 $0xE0, s4;
	s13 =	sadd.s32 $0x100, s4  }
0xf: {  	s14 =	sadd.s32 $0x120, s4;
	s15 =	sadd.s32 $0x140, s4;
	s16 =	sadd.s32 $0x160, s4  }
0x10: {  	s17 =	sadd.s32 $0x180, s4;
	s18 =	sadd.s32 $0x1A0, s4;
	s19 =	sadd.s32 $0x1C0, s4  }
0x11: {  	s20 =	sadd.s32 $0x1E0, s4;
	s21 =	sadd.s32 $0x200, s4;
	s22 =	sadd.s32 $0x220, s4  }
0x12: {  	s23 =	sadd.s32 $0x240, s4;
	s24 =	sadd.s32 $0x28C00, s3;
	[dreg:$0x3] =	wrdreg s1  }
0x13: {  	v0 =	vimm.f32 $1.000000000e+00;
	v1 =	vimm.f32 $0.0e+00;
	[dreg:$0x4] =	wrdreg s26;
	s26 =	sadd.s32 $0x260, s4;
	s1 =	simm.s32 $0x1  }
.LBB2_1:
0x14: {  	s3 =	simm.s32 $0x0;
	s5 =	rddreg [dreg:$0x3]  }
0x15: {  	[tilespmem:s3], [sflag:$0x2] =	stream.linear.gather [hbm4b:s5+s3], $0x9D80, $0x38;
	[tilespmem:$0xA380] =	vst v63  }
0x16: {  	_ =	swait.ge [sflag:s28], $0x9D80  }
0x17: {  	[sflag:s28] =	ssyncset.done $0x0  }
0x18: {  	[sflag:s28] =	ssyncadd.s32 $0xFFFF6280  }
0x19: {  	[tilespmem:$0xA000] =	vst v0  }
0x1a: {  	[tilespmem:$0xA010] =	vst v0  }
0x1b: {  	[tilespmem:$0xA080] =	vst v1  }
0x1c: {  	[tilespmem:$0xA090] =	vst v1  }
0x1d: {  	[spmem:s4] =	stream.linear.scatter [tilespmem:s29], [sflag:$0x2], $0x20, $0x38;
	[tilespmem:$0xA380] =	vst v63  }
0x1e: {  	_ =	swait.ge [sflag:s28], $0x20  }
0x1f: {  	[sflag:s28] =	ssyncset.done $0x0  }
0x20: {  	s5 =	rddreg [dreg:$0x4];
	[sflag:s28] =	ssyncadd.s32 $0xFFFFFFE0  }
0x21: {  	[spmem:s5] =	stream.linear.scatter [tilespmem:s29], [sflag:$0x2], $0x20, $0x38;
	[tilespmem:$0xA380] =	vst v63  }
0x22: {  	_ =	swait.ge [sflag:s28], $0x20  }
0x23: {  	[sflag:s28] =	ssyncset.done $0x0  }
0x24: {  	[sflag:s28] =	ssyncadd.s32 $0xFFFFFFE0  }
0x25: {  	[spmem:s7] =	stream.linear.scatter [tilespmem:s29], [sflag:$0x2], $0x20, $0x38;
	[tilespmem:$0xA380] =	vst v63  }
0x26: {  	_ =	swait.ge [sflag:s28], $0x20  }
0x27: {  	[sflag:s28] =	ssyncset.done $0x0  }
0x28: {  	[sflag:s28] =	ssyncadd.s32 $0xFFFFFFE0  }
0x29: {  	[spmem:s8] =	stream.linear.scatter [tilespmem:s29], [sflag:$0x2], $0x20, $0x38;
	[tilespmem:$0xA380] =	vst v63  }
0x2a: {  	_ =	swait.ge [sflag:s28], $0x20  }
0x2b: {  	[sflag:s28] =	ssyncset.done $0x0  }
0x2c: {  	[sflag:s28] =	ssyncadd.s32 $0xFFFFFFE0  }
0x2d: {  	[spmem:s9] =	stream.linear.scatter [tilespmem:s29], [sflag:$0x2], $0x20, $0x38;
	[tilespmem:$0xA380] =	vst v63  }
0x2e: {  	_ =	swait.ge [sflag:s28], $0x20  }
0x2f: {  	[sflag:s28] =	ssyncset.done $0x0  }
0x30: {  	[sflag:s28] =	ssyncadd.s32 $0xFFFFFFE0  }
0x31: {  	[spmem:s10] =	stream.linear.scatter [tilespmem:s29], [sflag:$0x2], $0x20, $0x38;
	[tilespmem:$0xA380] =	vst v63  }
0x32: {  	_ =	swait.ge [sflag:s28], $0x20  }
0x33: {  	[sflag:s28] =	ssyncset.done $0x0  }
0x34: {  	[sflag:s28] =	ssyncadd.s32 $0xFFFFFFE0  }
0x35: {  	[spmem:s11] =	stream.linear.scatter [tilespmem:s29], [sflag:$0x2], $0x20, $0x38;
	[tilespmem:$0xA380] =	vst v63  }
0x36: {  	_ =	swait.ge [sflag:s28], $0x20  }
0x37: {  	[sflag:s28] =	ssyncset.done $0x0  }
0x38: {  	[sflag:s28] =	ssyncadd.s32 $0xFFFFFFE0  }
0x39: {  	[spmem:s12] =	stream.linear.scatter [tilespmem:s29], [sflag:$0x2], $0x20, $0x38;
	[tilespmem:$0xA380] =	vst v63  }
0x3a: {  	_ =	swait.ge [sflag:s28], $0x20  }
0x3b: {  	[sflag:s28] =	ssyncset.done $0x0  }
0x3c: {  	[sflag:s28] =	ssyncadd.s32 $0xFFFFFFE0  }
0x3d: {  	[spmem:s13] =	stream.linear.scatter [tilespmem:s29], [sflag:$0x2], $0x20, $0x38;
	[tilespmem:$0xA380] =	vst v63  }
0x3e: {  	_ =	swait.ge [sflag:s28], $0x20  }
0x3f: {  	[sflag:s28] =	ssyncset.done $0x0  }
0x40: {  	[sflag:s28] =	ssyncadd.s32 $0xFFFFFFE0  }
0x41: {  	[spmem:s14] =	stream.linear.scatter [tilespmem:s29], [sflag:$0x2], $0x20, $0x38;
	[tilespmem:$0xA380] =	vst v63  }
0x42: {  	_ =	swait.ge [sflag:s28], $0x20  }
0x43: {  	[sflag:s28] =	ssyncset.done $0x0  }
0x44: {  	[sflag:s28] =	ssyncadd.s32 $0xFFFFFFE0  }
0x45: {  	[spmem:s15] =	stream.linear.scatter [tilespmem:s29], [sflag:$0x2], $0x20, $0x38;
	[tilespmem:$0xA380] =	vst v63  }
0x46: {  	_ =	swait.ge [sflag:s28], $0x20  }
0x47: {  	[sflag:s28] =	ssyncset.done $0x0  }
0x48: {  	[sflag:s28] =	ssyncadd.s32 $0xFFFFFFE0  }
0x49: {  	[spmem:s16] =	stream.linear.scatter [tilespmem:s29], [sflag:$0x2], $0x20, $0x38;
	[tilespmem:$0xA380] =	vst v63  }
0x4a: {  	_ =	swait.ge [sflag:s28], $0x20  }
0x4b: {  	[sflag:s28] =	ssyncset.done $0x0  }
0x4c: {  	[sflag:s28] =	ssyncadd.s32 $0xFFFFFFE0  }
0x4d: {  	[spmem:s17] =	stream.linear.scatter [tilespmem:s29], [sflag:$0x2], $0x20, $0x38;
	[tilespmem:$0xA380] =	vst v63  }
0x4e: {  	_ =	swait.ge [sflag:s28], $0x20  }
0x4f: {  	[sflag:s28] =	ssyncset.done $0x0  }
0x50: {  	[sflag:s28] =	ssyncadd.s32 $0xFFFFFFE0  }
0x51: {  	[spmem:s18] =	stream.linear.scatter [tilespmem:s29], [sflag:$0x2], $0x20, $0x38;
	[tilespmem:$0xA380] =	vst v63  }
0x52: {  	_ =	swait.ge [sflag:s28], $0x20  }
0x53: {  	[sflag:s28] =	ssyncset.done $0x0  }
0x54: {  	[sflag:s28] =	ssyncadd.s32 $0xFFFFFFE0  }
0x55: {  	[spmem:s19] =	stream.linear.scatter [tilespmem:s29], [sflag:$0x2], $0x20, $0x38;
	[tilespmem:$0xA380] =	vst v63  }
0x56: {  	_ =	swait.ge [sflag:s28], $0x20  }
0x57: {  	[sflag:s28] =	ssyncset.done $0x0  }
0x58: {  	[sflag:s28] =	ssyncadd.s32 $0xFFFFFFE0  }
0x59: {  	[spmem:s20] =	stream.linear.scatter [tilespmem:s29], [sflag:$0x2], $0x20, $0x38;
	[tilespmem:$0xA380] =	vst v63  }
0x5a: {  	_ =	swait.ge [sflag:s28], $0x20  }
0x5b: {  	[sflag:s28] =	ssyncset.done $0x0  }
0x5c: {  	[sflag:s28] =	ssyncadd.s32 $0xFFFFFFE0  }
0x5d: {  	[spmem:s21] =	stream.linear.scatter [tilespmem:s29], [sflag:$0x2], $0x20, $0x38;
	[tilespmem:$0xA380] =	vst v63  }
0x5e: {  	_ =	swait.ge [sflag:s28], $0x20  }
0x5f: {  	[sflag:s28] =	ssyncset.done $0x0  }
0x60: {  	[sflag:s28] =	ssyncadd.s32 $0xFFFFFFE0  }
0x61: {  	[spmem:s22] =	stream.linear.scatter [tilespmem:s29], [sflag:$0x2], $0x20, $0x38;
	[tilespmem:$0xA380] =	vst v63  }
0x62: {  	_ =	swait.ge [sflag:s28], $0x20  }
0x63: {  	[sflag:s28] =	ssyncset.done $0x0  }
0x64: {  	[sflag:s28] =	ssyncadd.s32 $0xFFFFFFE0  }
0x65: {  	[spmem:s23] =	stream.linear.scatter [tilespmem:s29], [sflag:$0x2], $0x20, $0x38;
	[tilespmem:$0xA380] =	vst v63  }
0x66: {  	_ =	swait.ge [sflag:s28], $0x20  }
0x67: {  	[sflag:s28] =	ssyncset.done $0x0  }
0x68: {  	[sflag:s28] =	ssyncadd.s32 $0xFFFFFFE0  }
0x69: {  	[spmem:s26] =	stream.linear.scatter [tilespmem:s29], [sflag:$0x2], $0x20, $0x38;
	[tilespmem:$0xA380] =	vst v63  }
0x6a: {  	_ =	swait.ge [sflag:s28], $0x20  }
0x6b: {  	[sflag:s28] =	ssyncset.done $0x0  }
0x6c: {  	[sflag:s28] =	ssyncadd.s32 $0xFFFFFFE0  }
0x6d: {  	s3 =	simm.s32 $0x0;
	[bflag:$0x0] =	sbarrier.arrive $0xFFFF  }
.LBB2_2:
0x6e: {  	p0 =	sne.s32 s3, $0x27400  }
.Ltmp0:
0x6f: {  	_ = 	snop;
	(pc) =	sbr.rel @p0 .LBB2_2-.Ltmp0, $3  }
0x70: {  	_ =	sdelay $0x1  }
0x71: {  	s5 =	sshra.s32 s3, $0x2;
	s3 =	sadd.s32 $0x200, s3  }
0x72: {  	[spmem:s2] =	stream.indirect.scatter.add.f32 [tilespmem:s31], [sflag:$0x1], $0x1, s5, s30, $0xb8;
	[tilespmem:$0xA380] =	vst v63  }
0x73: {  	_ =	swait.ge [sflag:s1], $0x20  }
0x74: {  	s3 =	simm.s32 $0x13A;
	[sflag:s1] =	ssyncset.done $0x0  }
.LBB2_4:
0x75: {  	p0 =	sne.s32 s3, $0x1;
	s3 =	sadd.s32 $0xFFFFFFFF, s3;
	[sflag:s1] =	ssyncadd.s32 $0xFFFFFFE0  }
.Ltmp1:
0x76: {  	(pc) =	sbr.rel @p0 .LBB2_4-.Ltmp1, $3  }
0x77: {  	_ =	sdelay $0x1  }
0x78: {  	_ =	swait.ge [sflag:s1], $0x20  }
0x79: {  	[sflag:s1] =	ssyncset.done $0x0  }
0x7a: {  	[sflag:s1] =	ssyncadd.s32 $0xFFFFFFE0;
	s3 =	stileid.u32;
	s0 =	sadd.s32 $0x1, s0  }
0x7b: {  	s5 =	sshrl.u32 s4, $0x3;
	s3 =	sshll.u32 s3, $0x6;
	p0 =	sne.s32 s0, s25  }
.Ltmp2:
0x7c: {  	[bflag:$0x0] =	sbarrier.arrive $0xFFFF;
	s3 =	sor.u32 $0x1C02, s3;
	(pc) =	sbr.rel @p0 .LBB2_1-.Ltmp2, $4  }
0x7d: {  	[hbm:s24@s30], [sflag:s3] =	dma.strided [spmem:s5@s6], $0x50, s1, $0x10   }
0x7e: {  	_ =	swait.ge [sflag:s28], $0x50  }
0x7f: {  	[sflag:s28] =	ssyncset.done $0x0  }
0x80: {  	[sflag:s28] =	ssyncadd.s32 $0xFFFFFFB0  }
0x81: {  	_ =	sfence.sel $0x180000  }
0x82: {  	[bflag:$0x0] =	sbarrier.arrive $0xFFFF  }
0x83: {  	_ =	strace $0x90000047  }
0x84: {  	s0 =	stileid.u32;
	[bflag:$0x2] =	sbarrier.arrive $0xFFFF  }
0x85: {  	p0 =	sne.s32 s0, $0x0;
	s0 =	rddreg [dreg:$0x2]  }
0x86: {  	s0 =	sadd.s32 @!p0 $0x100000, s0  }
0x87: {  	[sflag:s0] =	ssyncadd.tile.s32 @!p0 $0x1;
	_ =	shalt  }
.Lfunc_end2:
_tile_overlayer_lowered:
.L_overlay_start_2:
0x88: {  	(tag) =	ssettag $0x2  }
0x89: {  	s0 =	rddreg [dreg:$0x0];
	s2 =	stileid.u32  }
0x8a: {  	s1 =	rddreg [dreg:$0x1];
	p0 =	sne.s32 s2, $0x0  }
0x8b: {  	s3 =	rddreg [dreg:$0x2];
	[bflag:$0x3] =	sbarrier.arrive $0xFFFF;
	s2 =	simm.s32 @!p0 $0x1C02  }
0x8c: {  	[timem:s3], [sflag:s2] =	dma.local @!p0 [hbm:s0], s1  }
0x8d: {  	s0 =	simm.s32 @!p0 $0x2  }
0x8e: {  	_ =	swait.ge @!p0 [sflag:s0], s1  }
0x8f: {  	s1 =	ssub.s32 @!p0 $0x0, s1;
	[sflag:s0] =	ssyncset.done @!p0 $0x0  }
0x90: {  	[sflag:s0] =	ssyncadd.s32 @!p0 s1  }
0x91: {  	[bflag:$0x3] =	sbarrier.arrive $0xFFFF  }
0x92: {  	_ =	shalt  }

</sc_bundles>
